<compile_context>
chip_gen: v7x
topology: tpu7x:2x2x1
jax: 0.10.2.dev20260603
libtpu: 0.0.44.dev20260713+nightly
codegen_flags: <defaults>
</compile_context>

<pallas_src>
import functools
import jax
import jax.numpy as jnp
from jax import lax
from jax.experimental import pallas as pl
from jax.experimental.pallas import tpu as pltpu
from jax.experimental.pallas import tpu_sc as plsc

B, L, D = 4096, 200, 64
NC, NS = 2, 16
NW = NC * NS
UPW = B // NW
LANES = 16
NCH = D // LANES
OB_USERS = 16
SPAD = 208
NG = SPAD // LANES


def _compute_user(xb, sc, ob, wv, ps, umod):
    w0 = wv[pl.ds(0, LANES)]
    w1 = wv[pl.ds(16, LANES)]
    w2 = wv[pl.ds(32, LANES)]
    w3 = wv[pl.ds(48, LANES)]
    lanes16 = jnp.arange(LANES, dtype=jnp.int32) * LANES

    @plsc.parallel_loop(0, SPAD, unroll=4)
    def _(j):
        off = j * D
        p = (xb[pl.ds(off, LANES)] * w0
             + xb[pl.ds(off + 16, LANES)] * w1
             + xb[pl.ds(off + 32, LANES)] * w2
             + xb[pl.ds(off + 48, LANES)] * w3)
        ps[pl.ds(j * LANES, LANES)] = p

    neg_big = jnp.full((LANES,), -1e30, jnp.float32)

    @plsc.parallel_loop(0, NG - 1, unroll=2, carry=neg_big)
    def m01(g, mcar):
        pbase = g * (LANES * LANES)
        cols = [plsc.load_gather(ps, [lanes16 + (pbase + k)])
                for k in range(LANES)]
        while len(cols) > 1:
            cols = [a + b for a, b in zip(cols[::2], cols[1::2])]
        sc[pl.ds(g * LANES, LANES)] = cols[0]
        return jnp.maximum(mcar, cols[0])

    pbase = (NG - 1) * (LANES * LANES)
    cols = [plsc.load_gather(ps, [lanes16 + (pbase + k)])
            for k in range(LANES)]
    while len(cols) > 1:
        cols = [a + b for a, b in zip(cols[::2], cols[1::2])]
    padmask = jnp.arange(LANES, dtype=jnp.int32) < 8
    stail = jnp.where(padmask, cols[0], neg_big)
    sc[pl.ds(L - 8, LANES)] = stail

    m = jnp.maximum(m01, stail)
    mm = jnp.max(m)
    zv = jnp.zeros((LANES,), dtype=jnp.float32)
    for g in range(NG):
        e = jnp.exp(sc[pl.ds(g * LANES, LANES)] - mm)
        sc[pl.ds(g * LANES, LANES)] = e
        zv = zv + e
    rz = jnp.full((LANES,), 1.0, jnp.float32) / (
        jnp.zeros((LANES,), jnp.float32) + jnp.sum(zv))

    def body_b(i, carry):
        a0, a1, a2, a3 = carry
        ev = sc[pl.ds(i * LANES, LANES)]
        rbase = i * (LANES * D)
        for k in range(LANES):
            e = ev[k]
            off = rbase + k * D
            a0 = a0 + e * xb[pl.ds(off, LANES)]
            a1 = a1 + e * xb[pl.ds(off + 16, LANES)]
            a2 = a2 + e * xb[pl.ds(off + 32, LANES)]
            a3 = a3 + e * xb[pl.ds(off + 48, LANES)]
        return a0, a1, a2, a3

    z16 = jnp.zeros((LANES,), dtype=jnp.float32)
    o0, o1, o2, o3 = lax.fori_loop(0, NG, body_b, (z16, z16, z16, z16),
                                   unroll=False)
    obase = umod * D
    ob[pl.ds(obase, LANES)] = o0 * rz
    ob[pl.ds(obase + 16, LANES)] = o1 * rz
    ob[pl.ds(obase + 32, LANES)] = o2 * rz
    ob[pl.ds(obase + 48, LANES)] = o3 * rz


def _sc_kernel(x_hbm, w_hbm, out_hbm, xba, xbb, wv, sc, ob, ps, sema, semb):
    wid = lax.axis_index("s") * NC + lax.axis_index("c")
    base = wid * UPW
    pltpu.sync_copy(w_hbm, wv)
    z16 = jnp.zeros((LANES,), jnp.float32)
    for buf in (xba, xbb):
        for off in range(L * D, SPAD * D, LANES):
            buf[pl.ds(off, LANES)] = z16

    pltpu.async_copy(x_hbm.at[base], xba.at[pl.ds(0, L * D)], sema)

    def pair_body(p, _):
        ua = base + p * 2
        pltpu.async_copy(x_hbm.at[ua + 1], xbb.at[pl.ds(0, L * D)], semb)
        pltpu.make_async_copy(x_hbm.at[ua], xba.at[pl.ds(0, L * D)],
                              sema).wait()
        _compute_user(xba, sc, ob, wv, ps, (p * 2) % OB_USERS)
        nxt = jnp.minimum(ua + 2, base + UPW - 1)
        pltpu.async_copy(x_hbm.at[nxt], xba.at[pl.ds(0, L * D)], sema)
        pltpu.make_async_copy(x_hbm.at[ua + 1], xbb.at[pl.ds(0, L * D)],
                              semb).wait()
        _compute_user(xbb, sc, ob, wv, ps, (p * 2 + 1) % OB_USERS)

        @pl.when((p % (OB_USERS // 2)) == (OB_USERS // 2 - 1))
        def _():
            blk = base + (p // (OB_USERS // 2)) * OB_USERS
            pltpu.sync_copy(ob, out_hbm.at[pl.ds(blk * D, OB_USERS * D)])

        return 0

    lax.fori_loop(0, UPW // 2, pair_body, 0, unroll=False)
    pltpu.make_async_copy(x_hbm.at[base + UPW - 1], xba.at[pl.ds(0, L * D)],
                          sema).wait()


@jax.jit
def _attention_pool(x2d, w):
    mesh = plsc.VectorSubcoreMesh(core_axis_name="c", subcore_axis_name="s",
                                  num_cores=NC)
    f = functools.partial(
        pl.kernel,
        out_type=jax.ShapeDtypeStruct((B * D,), jnp.float32),
        mesh=mesh,
        scratch_types=[
            pltpu.VMEM((SPAD * D,), jnp.float32),
            pltpu.VMEM((SPAD * D,), jnp.float32),
            pltpu.VMEM((D,), jnp.float32),
            pltpu.VMEM((SPAD,), jnp.float32),
            pltpu.VMEM((OB_USERS * D,), jnp.float32),
            pltpu.VMEM((SPAD * LANES,), jnp.float32),
            pltpu.SemaphoreType.DMA,
            pltpu.SemaphoreType.DMA,
        ],
        compiler_params=pltpu.CompilerParams(needs_layout_passes=False),
    )(_sc_kernel)
    return f(x2d, w)


def kernel(item_embeddings_list, W):
    x2d = item_embeddings_list.reshape(B, L * D)
    w = W.reshape(D)
    return _attention_pool(x2d, w).reshape(B, D)

# --- scband reference (transcript-rebuilt; emitter-appended) ---
"""Pipeline reference for scband-attention-user-embedding-30511447671145 (READ-ONLY COPY).

The authoritative reference and input builder live on the scoring server;
editing this copy changes nothing except your own understanding.
"""

import jax, jax.numpy as jnp
import numpy as np

B, L, D = 4096, 200, 64

def setup_inputs(seed: int = 0) -> dict:
    key = jax.random.key(seed)
    k1, k2 = jax.random.split(key)
    # The torch module takes a list of per-user [num_items, D] tensors; here every user
    # has the full hist_len=200 items, so the padded batch is a dense [B, L, D] tensor
    # and the mask is all-True (pad_sequence of equal-length sequences).
    x = jax.random.normal(k1, (B, L, D), dtype=jnp.float32)
    # attention_net: nn.Linear(embedding_dim, 1, bias=False) -> weight shape [1, D]
    W = jax.random.normal(k2, (1, D), dtype=jnp.float32) * (1.0 / np.sqrt(D))
    return {"item_embeddings_list": x, "W": W}

def reference(item_embeddings_list, W):
    x = item_embeddings_list  # padded embeddings [B, L, D]
    b, l, d = x.shape
    lengths = jnp.full((b,), l, dtype=jnp.int32)
    mask = jnp.arange(l)[None, :] < lengths[:, None]  # [B, L], all True here
    # attention_scores = Linear(x) -> [B, L, 1]
    attention_scores = jnp.einsum('bld,od->blo', x, W)
    attention_scores = jnp.where(mask[:, :, None], attention_scores, -jnp.inf)
    attention_weights = jax.nn.softmax(attention_scores, axis=1)  # softmax over sequence dim
    user_embeddings = jnp.sum(attention_weights * x, axis=1)  # [B, D]
    return user_embeddings

if __name__ == "__main__":
    import jax
    _d = setup_inputs()
    print(jax.jit(kernel)(*tuple(_d.values())))

</pallas_src>

<mosaic_0001>
#map = affine_map<(d0, d1) -> (0, 0)>
#map1 = affine_map<(d0, d1) -> (0)>
module attributes {stable_mosaic.version = 14 : i64} {
  func.func @_sc_kernel(%arg0: i32, %arg1: i32, %arg2: memref<4096x12800xf32, #tpu.memory_space<hbm>>, %arg3: memref<64xf32, #tpu.memory_space<hbm>>, %arg4: memref<262144xf32, #tpu.memory_space<hbm>>, %arg5: memref<13312xf32, #tpu.memory_space<vmem>>, %arg6: memref<13312xf32, #tpu.memory_space<vmem>>, %arg7: memref<64xf32, #tpu.memory_space<vmem>>, %arg8: memref<208xf32, #tpu.memory_space<vmem>>, %arg9: memref<1024xf32, #tpu.memory_space<vmem>>, %arg10: memref<3328xf32, #tpu.memory_space<vmem>>, %arg11: memref<!tpu.dma_semaphore, #tpu.memory_space<semaphore_mem>>, %arg12: memref<!tpu.dma_semaphore, #tpu.memory_space<semaphore_mem>>) attributes {dimension_semantics = [#tpu.dimension_semantics<core_parallel>, #tpu.dimension_semantics<subcore_parallel>], iteration_bounds = array<i64: 2, 16>, scalar_prefetch = 0 : i64, scratch_operands = 8 : i64, tpu.core_type = #tpu.core_type<sc_vector_subcore>, window_params = [{transform_indices = #map}, {transform_indices = #map1}, {transform_indices = #map1}]} {
    %mul3A = arith.constant 2 : i32
    %mul3A_0 = arith.muli %arg1, %mul3A : i32
    %add3A = arith.addi %mul3A_0, %arg0 : i32
    %mul3A_1 = arith.constant 128 : i32
    %mul3A_2 = arith.muli %add3A, %mul3A_1 : i32
    "tpu.region"() ({
      %run_scoped3A = tpu.sem_alloc : memref<!tpu.dma_semaphore, #tpu.memory_space<semaphore_mem>>
      tpu.enqueue_dma source(%arg3 : memref<64xf32, #tpu.memory_space<hbm>>) target(%arg7 : memref<64xf32, #tpu.memory_space<vmem>>) target_semaphore(%run_scoped3A : memref<!tpu.dma_semaphore, #tpu.memory_space<semaphore_mem>>)
      tpu.wait_dma2 semaphore(%run_scoped3A : memref<!tpu.dma_semaphore, #tpu.memory_space<semaphore_mem>>) src(%arg3 : memref<64xf32, #tpu.memory_space<hbm>>) dst(%arg7 : memref<64xf32, #tpu.memory_space<vmem>>)
      tpu.yield
    }) : () -> ()
    %broadcast_in_dim3A = arith.constant 0.000000e+00 : f32
    %broadcast_in_dim3A_3 = vector.broadcast %broadcast_in_dim3A : f32 to vector<16xf32>
    %swap3A = arith.constant 12800 : index
    %swap3A_4 = tpu.vector_load %arg5[%swap3A] {strides = array<i32>} : memref<13312xf32, #tpu.memory_space<vmem>>, vector<16xf32>,
    tpu.vector_store %arg5[%swap3A], %broadcast_in_dim3A_3 {strides = array<i32>} : memref<13312xf32, #tpu.memory_space<vmem>>, vector<16xf32>,
    %swap3A_5 = arith.constant 12816 : index
    %swap3A_6 = tpu.vector_load %arg5[%swap3A_5] {strides = array<i32>} : memref<13312xf32, #tpu.memory_space<vmem>>, vector<16xf32>,
    tpu.vector_store %arg5[%swap3A_5], %broadcast_in_dim3A_3 {strides = array<i32>} : memref<13312xf32, #tpu.memory_space<vmem>>, vector<16xf32>,
    %swap3A_7 = arith.constant 12832 : index
    %swap3A_8 = tpu.vector_load %arg5[%swap3A_7] {strides = array<i32>} : memref<13312xf32, #tpu.memory_space<vmem>>, vector<16xf32>,
    tpu.vector_store %arg5[%swap3A_7], %broadcast_in_dim3A_3 {strides = array<i32>} : memref<13312xf32, #tpu.memory_space<vmem>>, vector<16xf32>,
    %swap3A_9 = arith.constant 12848 : index
    %swap3A_10 = tpu.vector_load %arg5[%swap3A_9] {strides = array<i32>} : memref<13312xf32, #tpu.memory_space<vmem>>, vector<16xf32>,
    tpu.vector_store %arg5[%swap3A_9], %broadcast_in_dim3A_3 {strides = array<i32>} : memref<13312xf32, #tpu.memory_space<vmem>>, vector<16xf32>,
    %swap3A_11 = arith.constant 12864 : index
    %swap3A_12 = tpu.vector_load %arg5[%swap3A_11] {strides = array<i32>} : memref<13312xf32, #tpu.memory_space<vmem>>, vector<16xf32>,
    tpu.vector_store %arg5[%swap3A_11], %broadcast_in_dim3A_3 {strides = array<i32>} : memref<13312xf32, #tpu.memory_space<vmem>>, vector<16xf32>,
    %swap3A_13 = arith.constant 12880 : index
    %swap3A_14 = tpu.vector_load %arg5[%swap3A_13] {strides = array<i32>} : memref<13312xf32, #tpu.memory_space<vmem>>, vector<16xf32>,
    tpu.vector_store %arg5[%swap3A_13], %broadcast_in_dim3A_3 {strides = array<i32>} : memref<13312xf32, #tpu.memory_space<vmem>>, vector<16xf32>,
    %swap3A_15 = arith.constant 12896 : index
    %swap3A_16 = tpu.vector_load %arg5[%swap3A_15] {strides = array<i32>} : memref<13312xf32, #tpu.memory_space<vmem>>, vector<16xf32>,
    tpu.vector_store %arg5[%swap3A_15], %broadcast_in_dim3A_3 {strides = array<i32>} : memref<13312xf32, #tpu.memory_space<vmem>>, vector<16xf32>,
    %swap3A_17 = arith.constant 12912 : index
    %swap3A_18 = tpu.vector_load %arg5[%swap3A_17] {strides = array<i32>} : memref<13312xf32, #tpu.memory_space<vmem>>, vector<16xf32>,
    tpu.vector_store %arg5[%swap3A_17], %broadcast_in_dim3A_3 {strides = array<i32>} : memref<13312xf32, #tpu.memory_space<vmem>>, vector<16xf32>,
    %swap3A_19 = arith.constant 12928 : index
    %swap3A_20 = tpu.vector_load %arg5[%swap3A_19] {strides = array<i32>} : memref<13312xf32, #tpu.memory_space<vmem>>, vector<16xf32>,
    tpu.vector_store %arg5[%swap3A_19], %broadcast_in_dim3A_3 {strides = array<i32>} : memref<13312xf32, #tpu.memory_space<vmem>>, vector<16xf32>,
    %swap3A_21 = arith.constant 12944 : index
    %swap3A_22 = tpu.vector_load %arg5[%swap3A_21] {strides = array<i32>} : memref<13312xf32, #tpu.memory_space<vmem>>, vector<16xf32>,
    tpu.vector_store %arg5[%swap3A_21], %broadcast_in_dim3A_3 {strides = array<i32>} : memref<13312xf32, #tpu.memory_space<vmem>>, vector<16xf32>,
    %swap3A_23 = arith.constant 12960 : index
    %swap3A_24 = tpu.vector_load %arg5[%swap3A_23] {strides = array<i32>} : memref<13312xf32, #tpu.memory_space<vmem>>, vector<16xf32>,
    tpu.vector_store %arg5[%swap3A_23], %broadcast_in_dim3A_3 {strides = array<i32>} : memref<13312xf32, #tpu.memory_space<vmem>>, vector<16xf32>,
    %swap3A_25 = arith.constant 12976 : index
    %swap3A_26 = tpu.vector_load %arg5[%swap3A_25] {strides = array<i32>} : memref<13312xf32, #tpu.memory_space<vmem>>, vector<16xf32>,
    tpu.vector_store %arg5[%swap3A_25], %broadcast_in_dim3A_3 {strides = array<i32>} : memref<13312xf32, #tpu.memory_space<vmem>>, vector<16xf32>,
    %swap3A_27 = arith.constant 12992 : index
    %swap3A_28 = tpu.vector_load %arg5[%swap3A_27] {strides = array<i32>} : memref<13312xf32, #tpu.memory_space<vmem>>, vector<16xf32>,
    tpu.vector_store %arg5[%swap3A_27], %broadcast_in_dim3A_3 {strides = array<i32>} : memref<13312xf32, #tpu.memory_space<vmem>>, vector<16xf32>,
    %swap3A_29 = arith.constant 13008 : index
    %swap3A_30 = tpu.vector_load %arg5[%swap3A_29] {strides = array<i32>} : memref<13312xf32, #tpu.memory_space<vmem>>, vector<16xf32>,
    tpu.vector_store %arg5[%swap3A_29], %broadcast_in_dim3A_3 {strides = array<i32>} : memref<13312xf32, #tpu.memory_space<vmem>>, vector<16xf32>,
    %swap3A_31 = arith.constant 13024 : index
    %swap3A_32 = tpu.vector_load %arg5[%swap3A_31] {strides = array<i32>} : memref<13312xf32, #tpu.memory_space<vmem>>, vector<16xf32>,
    tpu.vector_store %arg5[%swap3A_31], %broadcast_in_dim3A_3 {strides = array<i32>} : memref<13312xf32, #tpu.memory_space<vmem>>, vector<16xf32>,
    %swap3A_33 = arith.constant 13040 : index
    %swap3A_34 = tpu.vector_load %arg5[%swap3A_33] {strides = array<i32>} : memref<13312xf32, #tpu.memory_space<vmem>>, vector<16xf32>,
    tpu.vector_store %arg5[%swap3A_33], %broadcast_in_dim3A_3 {strides = array<i32>} : memref<13312xf32, #tpu.memory_space<vmem>>, vector<16xf32>,
    %swap3A_35 = arith.constant 13056 : index
    %swap3A_36 = tpu.vector_load %arg5[%swap3A_35] {strides = array<i32>} : memref<13312xf32, #tpu.memory_space<vmem>>, vector<16xf32>,
    tpu.vector_store %arg5[%swap3A_35], %broadcast_in_dim3A_3 {strides = array<i32>} : memref<13312xf32, #tpu.memory_space<vmem>>, vector<16xf32>,
    %swap3A_37 = arith.constant 13072 : index
    %swap3A_38 = tpu.vector_load %arg5[%swap3A_37] {strides = array<i32>} : memref<13312xf32, #tpu.memory_space<vmem>>, vector<16xf32>,
    tpu.vector_store %arg5[%swap3A_37], %broadcast_in_dim3A_3 {strides = array<i32>} : memref<13312xf32, #tpu.memory_space<vmem>>, vector<16xf32>,
    %swap3A_39 = arith.constant 13088 : index
    %swap3A_40 = tpu.vector_load %arg5[%swap3A_39] {strides = array<i32>} : memref<13312xf32, #tpu.memory_space<vmem>>, vector<16xf32>,
    tpu.vector_store %arg5[%swap3A_39], %broadcast_in_dim3A_3 {strides = array<i32>} : memref<13312xf32, #tpu.memory_space<vmem>>, vector<16xf32>,
    %swap3A_41 = arith.constant 13104 : index
    %swap3A_42 = tpu.vector_load %arg5[%swap3A_41] {strides = array<i32>} : memref<13312xf32, #tpu.memory_space<vmem>>, vector<16xf32>,
    tpu.vector_store %arg5[%swap3A_41], %broadcast_in_dim3A_3 {strides = array<i32>} : memref<13312xf32, #tpu.memory_space<vmem>>, vector<16xf32>,
    %swap3A_43 = arith.constant 13120 : index
    %swap3A_44 = tpu.vector_load %arg5[%swap3A_43] {strides = array<i32>} : memref<13312xf32, #tpu.memory_space<vmem>>, vector<16xf32>,
    tpu.vector_store %arg5[%swap3A_43], %broadcast_in_dim3A_3 {strides = array<i32>} : memref<13312xf32, #tpu.memory_space<vmem>>, vector<16xf32>,
    %swap3A_45 = arith.constant 13136 : index
    %swap3A_46 = tpu.vector_load %arg5[%swap3A_45] {strides = array<i32>} : memref<13312xf32, #tpu.memory_space<vmem>>, vector<16xf32>,
    tpu.vector_store %arg5[%swap3A_45], %broadcast_in_dim3A_3 {strides = array<i32>} : memref<13312xf32, #tpu.memory_space<vmem>>, vector<16xf32>,
    %swap3A_47 = arith.constant 13152 : index
    %swap3A_48 = tpu.vector_load %arg5[%swap3A_47] {strides = array<i32>} : memref<13312xf32, #tpu.memory_space<vmem>>, vector<16xf32>,
    tpu.vector_store %arg5[%swap3A_47], %broadcast_in_dim3A_3 {strides = array<i32>} : memref<13312xf32, #tpu.memory_space<vmem>>, vector<16xf32>,
    %swap3A_49 = arith.constant 13168 : index
    %swap3A_50 = tpu.vector_load %arg5[%swap3A_49] {strides = array<i32>} : memref<13312xf32, #tpu.memory_space<vmem>>, vector<16xf32>,
    tpu.vector_store %arg5[%swap3A_49], %broadcast_in_dim3A_3 {strides = array<i32>} : memref<13312xf32, #tpu.memory_space<vmem>>, vector<16xf32>,
    %swap3A_51 = arith.constant 13184 : index
    %swap3A_52 = tpu.vector_load %arg5[%swap3A_51] {strides = array<i32>} : memref<13312xf32, #tpu.memory_space<vmem>>, vector<16xf32>,
    tpu.vector_store %arg5[%swap3A_51], %broadcast_in_dim3A_3 {strides = array<i32>} : memref<13312xf32, #tpu.memory_space<vmem>>, vector<16xf32>,
    %swap3A_53 = arith.constant 13200 : index
    %swap3A_54 = tpu.vector_load %arg5[%swap3A_53] {strides = array<i32>} : memref<13312xf32, #tpu.memory_space<vmem>>, vector<16xf32>,
    tpu.vector_store %arg5[%swap3A_53], %broadcast_in_dim3A_3 {strides = array<i32>} : memref<13312xf32, #tpu.memory_space<vmem>>, vector<16xf32>,
    %swap3A_55 = arith.constant 13216 : index
    %swap3A_56 = tpu.vector_load %arg5[%swap3A_55] {strides = array<i32>} : memref<13312xf32, #tpu.memory_space<vmem>>, vector<16xf32>,
    tpu.vector_store %arg5[%swap3A_55], %broadcast_in_dim3A_3 {strides = array<i32>} : memref<13312xf32, #tpu.memory_space<vmem>>, vector<16xf32>,
    %swap3A_57 = arith.constant 13232 : index
    %swap3A_58 = tpu.vector_load %arg5[%swap3A_57] {strides = array<i32>} : memref<13312xf32, #tpu.memory_space<vmem>>, vector<16xf32>,
    tpu.vector_store %arg5[%swap3A_57], %broadcast_in_dim3A_3 {strides = array<i32>} : memref<13312xf32, #tpu.memory_space<vmem>>, vector<16xf32>,
    %swap3A_59 = arith.constant 13248 : index
    %swap3A_60 = tpu.vector_load %arg5[%swap3A_59] {strides = array<i32>} : memref<13312xf32, #tpu.memory_space<vmem>>, vector<16xf32>,
    tpu.vector_store %arg5[%swap3A_59], %broadcast_in_dim3A_3 {strides = array<i32>} : memref<13312xf32, #tpu.memory_space<vmem>>, vector<16xf32>,
    %swap3A_61 = arith.constant 13264 : index
    %swap3A_62 = tpu.vector_load %arg5[%swap3A_61] {strides = array<i32>} : memref<13312xf32, #tpu.memory_space<vmem>>, vector<16xf32>,
    tpu.vector_store %arg5[%swap3A_61], %broadcast_in_dim3A_3 {strides = array<i32>} : memref<13312xf32, #tpu.memory_space<vmem>>, vector<16xf32>,
    %swap3A_63 = arith.constant 13280 : index
    %swap3A_64 = tpu.vector_load %arg5[%swap3A_63] {strides = array<i32>} : memref<13312xf32, #tpu.memory_space<vmem>>, vector<16xf32>,
    tpu.vector_store %arg5[%swap3A_63], %broadcast_in_dim3A_3 {strides = array<i32>} : memref<13312xf32, #tpu.memory_space<vmem>>, vector<16xf32>,
    %swap3A_65 = arith.constant 13296 : index
    %swap3A_66 = tpu.vector_load %arg5[%swap3A_65] {strides = array<i32>} : memref<13312xf32, #tpu.memory_space<vmem>>, vector<16xf32>,
    tpu.vector_store %arg5[%swap3A_65], %broadcast_in_dim3A_3 {strides = array<i32>} : memref<13312xf32, #tpu.memory_space<vmem>>, vector<16xf32>,
    %swap3A_67 = arith.constant 12800 : index
    %swap3A_68 = tpu.vector_load %arg6[%swap3A_67] {strides = array<i32>} : memref<13312xf32, #tpu.memory_space<vmem>>, vector<16xf32>,
    tpu.vector_store %arg6[%swap3A_67], %broadcast_in_dim3A_3 {strides = array<i32>} : memref<13312xf32, #tpu.memory_space<vmem>>, vector<16xf32>,
    %swap3A_69 = arith.constant 12816 : index
    %swap3A_70 = tpu.vector_load %arg6[%swap3A_69] {strides = array<i32>} : memref<13312xf32, #tpu.memory_space<vmem>>, vector<16xf32>,
    tpu.vector_store %arg6[%swap3A_69], %broadcast_in_dim3A_3 {strides = array<i32>} : memref<13312xf32, #tpu.memory_space<vmem>>, vector<16xf32>,
    %swap3A_71 = arith.constant 12832 : index
    %swap3A_72 = tpu.vector_load %arg6[%swap3A_71] {strides = array<i32>} : memref<13312xf32, #tpu.memory_space<vmem>>, vector<16xf32>,
    tpu.vector_store %arg6[%swap3A_71], %broadcast_in_dim3A_3 {strides = array<i32>} : memref<13312xf32, #tpu.memory_space<vmem>>, vector<16xf32>,
    %swap3A_73 = arith.constant 12848 : index
    %swap3A_74 = tpu.vector_load %arg6[%swap3A_73] {strides = array<i32>} : memref<13312xf32, #tpu.memory_space<vmem>>, vector<16xf32>,
    tpu.vector_store %arg6[%swap3A_73], %broadcast_in_dim3A_3 {strides = array<i32>} : memref<13312xf32, #tpu.memory_space<vmem>>, vector<16xf32>,
    %swap3A_75 = arith.constant 12864 : index
    %swap3A_76 = tpu.vector_load %arg6[%swap3A_75] {strides = array<i32>} : memref<13312xf32, #tpu.memory_space<vmem>>, vector<16xf32>,
    tpu.vector_store %arg6[%swap3A_75], %broadcast_in_dim3A_3 {strides = array<i32>} : memref<13312xf32, #tpu.memory_space<vmem>>, vector<16xf32>,
    %swap3A_77 = arith.constant 12880 : index
    %swap3A_78 = tpu.vector_load %arg6[%swap3A_77] {strides = array<i32>} : memref<13312xf32, #tpu.memory_space<vmem>>, vector<16xf32>,
    tpu.vector_store %arg6[%swap3A_77], %broadcast_in_dim3A_3 {strides = array<i32>} : memref<13312xf32, #tpu.memory_space<vmem>>, vector<16xf32>,
    %swap3A_79 = arith.constant 12896 : index
    %swap3A_80 = tpu.vector_load %arg6[%swap3A_79] {strides = array<i32>} : memref<13312xf32, #tpu.memory_space<vmem>>, vector<16xf32>,
    tpu.vector_store %arg6[%swap3A_79], %broadcast_in_dim3A_3 {strides = array<i32>} : memref<13312xf32, #tpu.memory_space<vmem>>, vector<16xf32>,
    %swap3A_81 = arith.constant 12912 : index
    %swap3A_82 = tpu.vector_load %arg6[%swap3A_81] {strides = array<i32>} : memref<13312xf32, #tpu.memory_space<vmem>>, vector<16xf32>,
    tpu.vector_store %arg6[%swap3A_81], %broadcast_in_dim3A_3 {strides = array<i32>} : memref<13312xf32, #tpu.memory_space<vmem>>, vector<16xf32>,
    %swap3A_83 = arith.constant 12928 : index
    %swap3A_84 = tpu.vector_load %arg6[%swap3A_83] {strides = array<i32>} : memref<13312xf32, #tpu.memory_space<vmem>>, vector<16xf32>,
    tpu.vector_store %arg6[%swap3A_83], %broadcast_in_dim3A_3 {strides = array<i32>} : memref<13312xf32, #tpu.memory_space<vmem>>, vector<16xf32>,
    %swap3A_85 = arith.constant 12944 : index
    %swap3A_86 = tpu.vector_load %arg6[%swap3A_85] {strides = array<i32>} : memref<13312xf32, #tpu.memory_space<vmem>>, vector<16xf32>,
    tpu.vector_store %arg6[%swap3A_85], %broadcast_in_dim3A_3 {strides = array<i32>} : memref<13312xf32, #tpu.memory_space<vmem>>, vector<16xf32>,
    %swap3A_87 = arith.constant 12960 : index
    %swap3A_88 = tpu.vector_load %arg6[%swap3A_87] {strides = array<i32>} : memref<13312xf32, #tpu.memory_space<vmem>>, vector<16xf32>,
    tpu.vector_store %arg6[%swap3A_87], %broadcast_in_dim3A_3 {strides = array<i32>} : memref<13312xf32, #tpu.memory_space<vmem>>, vector<16xf32>,
    %swap3A_89 = arith.constant 12976 : index
    %swap3A_90 = tpu.vector_load %arg6[%swap3A_89] {strides = array<i32>} : memref<13312xf32, #tpu.memory_space<vmem>>, vector<16xf32>,
    tpu.vector_store %arg6[%swap3A_89], %broadcast_in_dim3A_3 {strides = array<i32>} : memref<13312xf32, #tpu.memory_space<vmem>>, vector<16xf32>,
    %swap3A_91 = arith.constant 12992 : index
    %swap3A_92 = tpu.vector_load %arg6[%swap3A_91] {strides = array<i32>} : memref<13312xf32, #tpu.memory_space<vmem>>, vector<16xf32>,
    tpu.vector_store %arg6[%swap3A_91], %broadcast_in_dim3A_3 {strides = array<i32>} : memref<13312xf32, #tpu.memory_space<vmem>>, vector<16xf32>,
    %swap3A_93 = arith.constant 13008 : index
    %swap3A_94 = tpu.vector_load %arg6[%swap3A_93] {strides = array<i32>} : memref<13312xf32, #tpu.memory_space<vmem>>, vector<16xf32>,
    tpu.vector_store %arg6[%swap3A_93], %broadcast_in_dim3A_3 {strides = array<i32>} : memref<13312xf32, #tpu.memory_space<vmem>>, vector<16xf32>,
    %swap3A_95 = arith.constant 13024 : index
    %swap3A_96 = tpu.vector_load %arg6[%swap3A_95] {strides = array<i32>} : memref<13312xf32, #tpu.memory_space<vmem>>, vector<16xf32>,
    tpu.vector_store %arg6[%swap3A_95], %broadcast_in_dim3A_3 {strides = array<i32>} : memref<13312xf32, #tpu.memory_space<vmem>>, vector<16xf32>,
    %swap3A_97 = arith.constant 13040 : index
    %swap3A_98 = tpu.vector_load %arg6[%swap3A_97] {strides = array<i32>} : memref<13312xf32, #tpu.memory_space<vmem>>, vector<16xf32>,
    tpu.vector_store %arg6[%swap3A_97], %broadcast_in_dim3A_3 {strides = array<i32>} : memref<13312xf32, #tpu.memory_space<vmem>>, vector<16xf32>,
    %swap3A_99 = arith.constant 13056 : index
    %swap3A_100 = tpu.vector_load %arg6[%swap3A_99] {strides = array<i32>} : memref<13312xf32, #tpu.memory_space<vmem>>, vector<16xf32>,
    tpu.vector_store %arg6[%swap3A_99], %broadcast_in_dim3A_3 {strides = array<i32>} : memref<13312xf32, #tpu.memory_space<vmem>>, vector<16xf32>,
    %swap3A_101 = arith.constant 13072 : index
    %swap3A_102 = tpu.vector_load %arg6[%swap3A_101] {strides = array<i32>} : memref<13312xf32, #tpu.memory_space<vmem>>, vector<16xf32>,
    tpu.vector_store %arg6[%swap3A_101], %broadcast_in_dim3A_3 {strides = array<i32>} : memref<13312xf32, #tpu.memory_space<vmem>>, vector<16xf32>,
    %swap3A_103 = arith.constant 13088 : index
    %swap3A_104 = tpu.vector_load %arg6[%swap3A_103] {strides = array<i32>} : memref<13312xf32, #tpu.memory_space<vmem>>, vector<16xf32>,
    tpu.vector_store %arg6[%swap3A_103], %broadcast_in_dim3A_3 {strides = array<i32>} : memref<13312xf32, #tpu.memory_space<vmem>>, vector<16xf32>,
    %swap3A_105 = arith.constant 13104 : index
    %swap3A_106 = tpu.vector_load %arg6[%swap3A_105] {strides = array<i32>} : memref<13312xf32, #tpu.memory_space<vmem>>, vector<16xf32>,
    tpu.vector_store %arg6[%swap3A_105], %broadcast_in_dim3A_3 {strides = array<i32>} : memref<13312xf32, #tpu.memory_space<vmem>>, vector<16xf32>,
    %swap3A_107 = arith.constant 13120 : index
    %swap3A_108 = tpu.vector_load %arg6[%swap3A_107] {strides = array<i32>} : memref<13312xf32, #tpu.memory_space<vmem>>, vector<16xf32>,
    tpu.vector_store %arg6[%swap3A_107], %broadcast_in_dim3A_3 {strides = array<i32>} : memref<13312xf32, #tpu.memory_space<vmem>>, vector<16xf32>,
    %swap3A_109 = arith.constant 13136 : index
    %swap3A_110 = tpu.vector_load %arg6[%swap3A_109] {strides = array<i32>} : memref<13312xf32, #tpu.memory_space<vmem>>, vector<16xf32>,
    tpu.vector_store %arg6[%swap3A_109], %broadcast_in_dim3A_3 {strides = array<i32>} : memref<13312xf32, #tpu.memory_space<vmem>>, vector<16xf32>,
    %swap3A_111 = arith.constant 13152 : index
    %swap3A_112 = tpu.vector_load %arg6[%swap3A_111] {strides = array<i32>} : memref<13312xf32, #tpu.memory_space<vmem>>, vector<16xf32>,
    tpu.vector_store %arg6[%swap3A_111], %broadcast_in_dim3A_3 {strides = array<i32>} : memref<13312xf32, #tpu.memory_space<vmem>>, vector<16xf32>,
    %swap3A_113 = arith.constant 13168 : index
    %swap3A_114 = tpu.vector_load %arg6[%swap3A_113] {strides = array<i32>} : memref<13312xf32, #tpu.memory_space<vmem>>, vector<16xf32>,
    tpu.vector_store %arg6[%swap3A_113], %broadcast_in_dim3A_3 {strides = array<i32>} : memref<13312xf32, #tpu.memory_space<vmem>>, vector<16xf32>,
    %swap3A_115 = arith.constant 13184 : index
    %swap3A_116 = tpu.vector_load %arg6[%swap3A_115] {strides = array<i32>} : memref<13312xf32, #tpu.memory_space<vmem>>, vector<16xf32>,
    tpu.vector_store %arg6[%swap3A_115], %broadcast_in_dim3A_3 {strides = array<i32>} : memref<13312xf32, #tpu.memory_space<vmem>>, vector<16xf32>,
    %swap3A_117 = arith.constant 13200 : index
    %swap3A_118 = tpu.vector_load %arg6[%swap3A_117] {strides = array<i32>} : memref<13312xf32, #tpu.memory_space<vmem>>, vector<16xf32>,
    tpu.vector_store %arg6[%swap3A_117], %broadcast_in_dim3A_3 {strides = array<i32>} : memref<13312xf32, #tpu.memory_space<vmem>>, vector<16xf32>,
    %swap3A_119 = arith.constant 13216 : index
    %swap3A_120 = tpu.vector_load %arg6[%swap3A_119] {strides = array<i32>} : memref<13312xf32, #tpu.memory_space<vmem>>, vector<16xf32>,
    tpu.vector_store %arg6[%swap3A_119], %broadcast_in_dim3A_3 {strides = array<i32>} : memref<13312xf32, #tpu.memory_space<vmem>>, vector<16xf32>,
    %swap3A_121 = arith.constant 13232 : index
    %swap3A_122 = tpu.vector_load %arg6[%swap3A_121] {strides = array<i32>} : memref<13312xf32, #tpu.memory_space<vmem>>, vector<16xf32>,
    tpu.vector_store %arg6[%swap3A_121], %broadcast_in_dim3A_3 {strides = array<i32>} : memref<13312xf32, #tpu.memory_space<vmem>>, vector<16xf32>,
    %swap3A_123 = arith.constant 13248 : index
    %swap3A_124 = tpu.vector_load %arg6[%swap3A_123] {strides = array<i32>} : memref<13312xf32, #tpu.memory_space<vmem>>, vector<16xf32>,
    tpu.vector_store %arg6[%swap3A_123], %broadcast_in_dim3A_3 {strides = array<i32>} : memref<13312xf32, #tpu.memory_space<vmem>>, vector<16xf32>,
    %swap3A_125 = arith.constant 13264 : index
    %swap3A_126 = tpu.vector_load %arg6[%swap3A_125] {strides = array<i32>} : memref<13312xf32, #tpu.memory_space<vmem>>, vector<16xf32>,
    tpu.vector_store %arg6[%swap3A_125], %broadcast_in_dim3A_3 {strides = array<i32>} : memref<13312xf32, #tpu.memory_space<vmem>>, vector<16xf32>,
    %swap3A_127 = arith.constant 13280 : index
    %swap3A_128 = tpu.vector_load %arg6[%swap3A_127] {strides = array<i32>} : memref<13312xf32, #tpu.memory_space<vmem>>, vector<16xf32>,
    tpu.vector_store %arg6[%swap3A_127], %broadcast_in_dim3A_3 {strides = array<i32>} : memref<13312xf32, #tpu.memory_space<vmem>>, vector<16xf32>,
    %swap3A_129 = arith.constant 13296 : index
    %swap3A_130 = tpu.vector_load %arg6[%swap3A_129] {strides = array<i32>} : memref<13312xf32, #tpu.memory_space<vmem>>, vector<16xf32>,
    tpu.vector_store %arg6[%swap3A_129], %broadcast_in_dim3A_3 {strides = array<i32>} : memref<13312xf32, #tpu.memory_space<vmem>>, vector<16xf32>,
    %dma_start3A = arith.constant 0 : i32
    %dma_start3A_131 = tpu.memref_slice %arg5[%dma_start3A] : memref<13312xf32, #tpu.memory_space<vmem>> -> memref<12800xf32, #tpu.memory_space<vmem>>
    %dma_start3A_132 = arith.constant 0 : i32
    %dma_start3A_133 = tpu.memref_slice %arg2[%mul3A_2, %dma_start3A_132] : memref<4096x12800xf32, #tpu.memory_space<hbm>> -> memref<1x12800xf32, #tpu.memory_space<hbm>>
    %dma_start3A_134 = tpu.memref_squeeze %dma_start3A_133 : memref<1x12800xf32, #tpu.memory_space<hbm>> -> memref<12800xf32, #tpu.memory_space<hbm>>
    %dma_start3A_135 = arith.constant 0 : i32
    %dma_start3A_136 = tpu.memref_slice %arg5[%dma_start3A_135] : memref<13312xf32, #tpu.memory_space<vmem>> -> memref<12800xf32, #tpu.memory_space<vmem>>
    %dma_start3A_137 = arith.constant 0 : i32
    %dma_start3A_138 = tpu.memref_slice %arg2[%mul3A_2, %dma_start3A_137] : memref<4096x12800xf32, #tpu.memory_space<hbm>> -> memref<1x12800xf32, #tpu.memory_space<hbm>>
    %dma_start3A_139 = tpu.memref_squeeze %dma_start3A_138 : memref<1x12800xf32, #tpu.memory_space<hbm>> -> memref<12800xf32, #tpu.memory_space<hbm>>
    tpu.enqueue_dma source(%dma_start3A_139 : memref<12800xf32, #tpu.memory_space<hbm>>) target(%dma_start3A_136 : memref<12800xf32, #tpu.memory_space<vmem>>) target_semaphore(%arg11 : memref<!tpu.dma_semaphore, #tpu.memory_space<semaphore_mem>>)
    %scan3A = arith.constant 0 : i32
    %scan3A_140 = arith.constant 0 : i32
    %scan3A_141 = arith.constant 64 : i32
    %scan3A_142 = arith.addi %scan3A_140, %scan3A_141 : i32
    %scan3A_143 = arith.constant 1 : i32
    %scan3A_144 = scf.for %scan3A_158 = %scan3A_140 to %scan3A_142 step %scan3A_143 iter_args(%scan3A_159 = %scan3A) -> (i32)  : i32 {
      %mul3A_160 = arith.constant 2 : i32
      %mul3A_161 = arith.muli %scan3A_158, %mul3A_160 : i32
      %add3A_162 = arith.addi %mul3A_2, %mul3A_161 : i32
      %add3A_163 = arith.constant 1 : i32
      %add3A_164 = arith.addi %add3A_162, %add3A_163 : i32
      %dma_start3A_165 = arith.constant 0 : i32
      %dma_start3A_166 = tpu.memref_slice %arg6[%dma_start3A_165] : memref<13312xf32, #tpu.memory_space<vmem>> -> memref<12800xf32, #tpu.memory_space<vmem>>
      %dma_start3A_167 = arith.constant 0 : i32
      %dma_start3A_168 = tpu.memref_slice %arg2[%add3A_164, %dma_start3A_167] : memref<4096x12800xf32, #tpu.memory_space<hbm>> -> memref<1x12800xf32, #tpu.memory_space<hbm>>
      %dma_start3A_169 = tpu.memref_squeeze %dma_start3A_168 : memref<1x12800xf32, #tpu.memory_space<hbm>> -> memref<12800xf32, #tpu.memory_space<hbm>>
      %dma_start3A_170 = arith.constant 0 : i32
      %dma_start3A_171 = tpu.memref_slice %arg6[%dma_start3A_170] : memref<13312xf32, #tpu.memory_space<vmem>> -> memref<12800xf32, #tpu.memory_space<vmem>>
      %dma_start3A_172 = arith.constant 0 : i32
      %dma_start3A_173 = tpu.memref_slice %arg2[%add3A_164, %dma_start3A_172] : memref<4096x12800xf32, #tpu.memory_space<hbm>> -> memref<1x12800xf32, #tpu.memory_space<hbm>>
      %dma_start3A_174 = tpu.memref_squeeze %dma_start3A_173 : memref<1x12800xf32, #tpu.memory_space<hbm>> -> memref<12800xf32, #tpu.memory_space<hbm>>
      tpu.enqueue_dma source(%dma_start3A_174 : memref<12800xf32, #tpu.memory_space<hbm>>) target(%dma_start3A_171 : memref<12800xf32, #tpu.memory_space<vmem>>) target_semaphore(%arg12 : memref<!tpu.dma_semaphore, #tpu.memory_space<semaphore_mem>>)
      %dma_wait3A_175 = arith.constant 0 : i32
      %dma_wait3A_176 = tpu.memref_slice %arg5[%dma_wait3A_175] : memref<13312xf32, #tpu.memory_space<vmem>> -> memref<12800xf32, #tpu.memory_space<vmem>>
      %dma_wait3A_177 = arith.constant 0 : i32
      %dma_wait3A_178 = tpu.memref_slice %arg2[%add3A_162, %dma_wait3A_177] : memref<4096x12800xf32, #tpu.memory_space<hbm>> -> memref<1x12800xf32, #tpu.memory_space<hbm>>
      %dma_wait3A_179 = tpu.memref_squeeze %dma_wait3A_178 : memref<1x12800xf32, #tpu.memory_space<hbm>> -> memref<12800xf32, #tpu.memory_space<hbm>>
      %dma_wait3A_180 = arith.constant 0 : i32
      %dma_wait3A_181 = tpu.memref_slice %arg5[%dma_wait3A_180] : memref<13312xf32, #tpu.memory_space<vmem>> -> memref<12800xf32, #tpu.memory_space<vmem>>
      %dma_wait3A_182 = arith.constant 0 : i32
      %dma_wait3A_183 = tpu.memref_slice %arg2[%add3A_162, %dma_wait3A_182] : memref<4096x12800xf32, #tpu.memory_space<hbm>> -> memref<1x12800xf32, #tpu.memory_space<hbm>>
      %dma_wait3A_184 = tpu.memref_squeeze %dma_wait3A_183 : memref<1x12800xf32, #tpu.memory_space<hbm>> -> memref<12800xf32, #tpu.memory_space<hbm>>
      tpu.wait_dma2 semaphore(%arg11 : memref<!tpu.dma_semaphore, #tpu.memory_space<semaphore_mem>>) src(%dma_wait3A_184 : memref<12800xf32, #tpu.memory_space<hbm>>) dst(%dma_wait3A_181 : memref<12800xf32, #tpu.memory_space<vmem>>)
      %mul3A_185 = arith.constant 2 : i32
      %mul3A_186 = arith.muli %scan3A_158, %mul3A_185 : i32
      %jit3A = arith.constant 16 : i32
      %eq3A = arith.constant 0 : i32
      %eq3A_187 = arith.cmpi eq, %jit3A, %eq3A : i32
      %jit3A_188 = arith.constant 1 : i32
      %select_n3A = arith.select %eq3A_187, %jit3A_188, %jit3A : i32
      %rem3A = arith.remsi %mul3A_186, %select_n3A : i32
      %ne3A = arith.constant 0 : i32
      %ne3A_189 = arith.cmpi ne, %rem3A, %ne3A : i32
      %lt3A = arith.constant 0 : i32
      %lt3A_190 = arith.cmpi slt, %rem3A, %lt3A : i32
      %lt3A_191 = arith.constant 0 : i32
      %lt3A_192 = arith.cmpi slt, %select_n3A, %lt3A_191 : i32
      %ne3A_193 = arith.xori %lt3A_190, %lt3A_192 : i1
      %and3A = arith.andi %ne3A_193, %ne3A_189 : i1
      %add3A_194 = arith.addi %rem3A, %select_n3A : i32
      %select_n3A_195 = arith.select %and3A, %add3A_194, %rem3A : i32
      %get3A = arith.constant 0 : index
      %get3A_196 = tpu.vector_load %arg7[%get3A] {strides = array<i32>} : memref<64xf32, #tpu.memory_space<vmem>>, vector<16xf32>,
      %get3A_197 = arith.constant 16 : index
      %get3A_198 = tpu.vector_load %arg7[%get3A_197] {strides = array<i32>} : memref<64xf32, #tpu.memory_space<vmem>>, vector<16xf32>,
      %get3A_199 = arith.constant 32 : index
      %get3A_200 = tpu.vector_load %arg7[%get3A_199] {strides = array<i32>} : memref<64xf32, #tpu.memory_space<vmem>>, vector<16xf32>,
      %get3A_201 = arith.constant 48 : index
      %get3A_202 = tpu.vector_load %arg7[%get3A_201] {strides = array<i32>} : memref<64xf32, #tpu.memory_space<vmem>>, vector<16xf32>,
      %iota3A = tpu.iota {dimensions = array<i32: 0>} : vector<16xi32>
      %mul3A_203 = arith.constant 16 : i32
      %mul3A_204 = vector.broadcast %mul3A_203 : i32 to vector<16xi32>
      %mul3A_205 = arith.muli %iota3A, %mul3A_204 : vector<16xi32>
      %parallel_loop3A = arith.constant 0 : i32
      %parallel_loop3A_206 = arith.constant 208 : i32
      %parallel_loop3A_207 = arith.constant 1 : i32
      scf.for %parallel_loop3A_769 = %parallel_loop3A to %parallel_loop3A_206 step %parallel_loop3A_207  : i32 {
        %parallel_loop3A_770 = arith.constant 64 : i32
        %parallel_loop3A_771 = arith.muli %parallel_loop3A_769, %parallel_loop3A_770 : i32
        %parallel_loop3A_772 = arith.index_cast %parallel_loop3A_771 : i32 to index
        %parallel_loop3A_773 = tpu.vector_load %arg5[%parallel_loop3A_772] {strides = array<i32>} : memref<13312xf32, #tpu.memory_space<vmem>>, vector<16xf32>,
        %parallel_loop3A_774 = arith.mulf %parallel_loop3A_773, %get3A_196 : vector<16xf32>
        %parallel_loop3A_775 = arith.constant 16 : i32
        %parallel_loop3A_776 = arith.addi %parallel_loop3A_771, %parallel_loop3A_775 : i32
        %parallel_loop3A_777 = arith.index_cast %parallel_loop3A_776 : i32 to index
        %parallel_loop3A_778 = tpu.vector_load %arg5[%parallel_loop3A_777] {strides = array<i32>} : memref<13312xf32, #tpu.memory_space<vmem>>, vector<16xf32>,
        %parallel_loop3A_779 = arith.mulf %parallel_loop3A_778, %get3A_198 : vector<16xf32>
        %parallel_loop3A_780 = arith.addf %parallel_loop3A_774, %parallel_loop3A_779 : vector<16xf32>
        %parallel_loop3A_781 = arith.constant 32 : i32
        %parallel_loop3A_782 = arith.addi %parallel_loop3A_771, %parallel_loop3A_781 : i32
        %parallel_loop3A_783 = arith.index_cast %parallel_loop3A_782 : i32 to index
        %parallel_loop3A_784 = tpu.vector_load %arg5[%parallel_loop3A_783] {strides = array<i32>} : memref<13312xf32, #tpu.memory_space<vmem>>, vector<16xf32>,
        %parallel_loop3A_785 = arith.mulf %parallel_loop3A_784, %get3A_200 : vector<16xf32>
        %parallel_loop3A_786 = arith.addf %parallel_loop3A_780, %parallel_loop3A_785 : vector<16xf32>
        %parallel_loop3A_787 = arith.constant 48 : i32
        %parallel_loop3A_788 = arith.addi %parallel_loop3A_771, %parallel_loop3A_787 : i32
        %parallel_loop3A_789 = arith.index_cast %parallel_loop3A_788 : i32 to index
        %parallel_loop3A_790 = tpu.vector_load %arg5[%parallel_loop3A_789] {strides = array<i32>} : memref<13312xf32, #tpu.memory_space<vmem>>, vector<16xf32>,
        %parallel_loop3A_791 = arith.mulf %parallel_loop3A_790, %get3A_202 : vector<16xf32>
        %parallel_loop3A_792 = arith.addf %parallel_loop3A_786, %parallel_loop3A_791 : vector<16xf32>
        %parallel_loop3A_793 = arith.constant 16 : i32
        %parallel_loop3A_794 = arith.muli %parallel_loop3A_769, %parallel_loop3A_793 : i32
        %parallel_loop3A_795 = arith.index_cast %parallel_loop3A_794 : i32 to index
        %parallel_loop3A_796 = tpu.vector_load %arg10[%parallel_loop3A_795] {strides = array<i32>} : memref<3328xf32, #tpu.memory_space<vmem>>, vector<16xf32>,
        tpu.vector_store %arg10[%parallel_loop3A_795], %parallel_loop3A_792 {strides = array<i32>} : memref<3328xf32, #tpu.memory_space<vmem>>, vector<16xf32>,
      } {sc.loop_unroll_factor = 4 : i64, sc.parallel_access}
      %broadcast_in_dim3A_208 = arith.constant -1.000000e+30 : f32
      %broadcast_in_dim3A_209 = vector.broadcast %broadcast_in_dim3A_208 : f32 to vector<16xf32>
      %parallel_loop3A_210 = arith.constant 0 : i32
      %parallel_loop3A_211 = arith.constant 12 : i32
      %parallel_loop3A_212 = arith.constant 1 : i32
      %parallel_loop3A_213 = scf.for %parallel_loop3A_769 = %parallel_loop3A_210 to %parallel_loop3A_211 step %parallel_loop3A_212 iter_args(%parallel_loop3A_770 = %broadcast_in_dim3A_209) -> (vector<16xf32>)  : i32 {
        %parallel_loop3A_771 = arith.constant 256 : i32
        %parallel_loop3A_772 = arith.muli %parallel_loop3A_769, %parallel_loop3A_771 : i32
        %parallel_loop3A_773 = arith.constant 0 : i32
        %parallel_loop3A_774 = arith.addi %parallel_loop3A_772, %parallel_loop3A_773 : i32
        %parallel_loop3A_775 = vector.broadcast %parallel_loop3A_774 : i32 to vector<16xi32>
        %parallel_loop3A_776 = arith.addi %mul3A_205, %parallel_loop3A_775 : vector<16xi32>
        %parallel_loop3A_777 = tpu.vector_load_idx %arg10[%parallel_loop3A_776] : memref<3328xf32, #tpu.memory_space<vmem>>[vector<16xi32>], vector<16xf32>,
        %parallel_loop3A_778 = arith.constant 1 : i32
        %parallel_loop3A_779 = arith.addi %parallel_loop3A_772, %parallel_loop3A_778 : i32
        %parallel_loop3A_780 = vector.broadcast %parallel_loop3A_779 : i32 to vector<16xi32>
        %parallel_loop3A_781 = arith.addi %mul3A_205, %parallel_loop3A_780 : vector<16xi32>
        %parallel_loop3A_782 = tpu.vector_load_idx %arg10[%parallel_loop3A_781] : memref<3328xf32, #tpu.memory_space<vmem>>[vector<16xi32>], vector<16xf32>,
        %parallel_loop3A_783 = arith.constant 2 : i32
        %parallel_loop3A_784 = arith.addi %parallel_loop3A_772, %parallel_loop3A_783 : i32
        %parallel_loop3A_785 = vector.broadcast %parallel_loop3A_784 : i32 to vector<16xi32>
        %parallel_loop3A_786 = arith.addi %mul3A_205, %parallel_loop3A_785 : vector<16xi32>
        %parallel_loop3A_787 = tpu.vector_load_idx %arg10[%parallel_loop3A_786] : memref<3328xf32, #tpu.memory_space<vmem>>[vector<16xi32>], vector<16xf32>,
        %parallel_loop3A_788 = arith.constant 3 : i32
        %parallel_loop3A_789 = arith.addi %parallel_loop3A_772, %parallel_loop3A_788 : i32
        %parallel_loop3A_790 = vector.broadcast %parallel_loop3A_789 : i32 to vector<16xi32>
        %parallel_loop3A_791 = arith.addi %mul3A_205, %parallel_loop3A_790 : vector<16xi32>
        %parallel_loop3A_792 = tpu.vector_load_idx %arg10[%parallel_loop3A_791] : memref<3328xf32, #tpu.memory_space<vmem>>[vector<16xi32>], vector<16xf32>,
        %parallel_loop3A_793 = arith.constant 4 : i32
        %parallel_loop3A_794 = arith.addi %parallel_loop3A_772, %parallel_loop3A_793 : i32
        %parallel_loop3A_795 = vector.broadcast %parallel_loop3A_794 : i32 to vector<16xi32>
        %parallel_loop3A_796 = arith.addi %mul3A_205, %parallel_loop3A_795 : vector<16xi32>
        %parallel_loop3A_797 = tpu.vector_load_idx %arg10[%parallel_loop3A_796] : memref<3328xf32, #tpu.memory_space<vmem>>[vector<16xi32>], vector<16xf32>,
        %parallel_loop3A_798 = arith.constant 5 : i32
        %parallel_loop3A_799 = arith.addi %parallel_loop3A_772, %parallel_loop3A_798 : i32
        %parallel_loop3A_800 = vector.broadcast %parallel_loop3A_799 : i32 to vector<16xi32>
        %parallel_loop3A_801 = arith.addi %mul3A_205, %parallel_loop3A_800 : vector<16xi32>
        %parallel_loop3A_802 = tpu.vector_load_idx %arg10[%parallel_loop3A_801] : memref<3328xf32, #tpu.memory_space<vmem>>[vector<16xi32>], vector<16xf32>,
        %parallel_loop3A_803 = arith.constant 6 : i32
        %parallel_loop3A_804 = arith.addi %parallel_loop3A_772, %parallel_loop3A_803 : i32
        %parallel_loop3A_805 = vector.broadcast %parallel_loop3A_804 : i32 to vector<16xi32>
        %parallel_loop3A_806 = arith.addi %mul3A_205, %parallel_loop3A_805 : vector<16xi32>
        %parallel_loop3A_807 = tpu.vector_load_idx %arg10[%parallel_loop3A_806] : memref<3328xf32, #tpu.memory_space<vmem>>[vector<16xi32>], vector<16xf32>,
        %parallel_loop3A_808 = arith.constant 7 : i32
        %parallel_loop3A_809 = arith.addi %parallel_loop3A_772, %parallel_loop3A_808 : i32
        %parallel_loop3A_810 = vector.broadcast %parallel_loop3A_809 : i32 to vector<16xi32>
        %parallel_loop3A_811 = arith.addi %mul3A_205, %parallel_loop3A_810 : vector<16xi32>
        %parallel_loop3A_812 = tpu.vector_load_idx %arg10[%parallel_loop3A_811] : memref<3328xf32, #tpu.memory_space<vmem>>[vector<16xi32>], vector<16xf32>,
        %parallel_loop3A_813 = arith.constant 8 : i32
        %parallel_loop3A_814 = arith.addi %parallel_loop3A_772, %parallel_loop3A_813 : i32
        %parallel_loop3A_815 = vector.broadcast %parallel_loop3A_814 : i32 to vector<16xi32>
        %parallel_loop3A_816 = arith.addi %mul3A_205, %parallel_loop3A_815 : vector<16xi32>
        %parallel_loop3A_817 = tpu.vector_load_idx %arg10[%parallel_loop3A_816] : memref<3328xf32, #tpu.memory_space<vmem>>[vector<16xi32>], vector<16xf32>,
        %parallel_loop3A_818 = arith.constant 9 : i32
        %parallel_loop3A_819 = arith.addi %parallel_loop3A_772, %parallel_loop3A_818 : i32
        %parallel_loop3A_820 = vector.broadcast %parallel_loop3A_819 : i32 to vector<16xi32>
        %parallel_loop3A_821 = arith.addi %mul3A_205, %parallel_loop3A_820 : vector<16xi32>
        %parallel_loop3A_822 = tpu.vector_load_idx %arg10[%parallel_loop3A_821] : memref<3328xf32, #tpu.memory_space<vmem>>[vector<16xi32>], vector<16xf32>,
        %parallel_loop3A_823 = arith.constant 10 : i32
        %parallel_loop3A_824 = arith.addi %parallel_loop3A_772, %parallel_loop3A_823 : i32
        %parallel_loop3A_825 = vector.broadcast %parallel_loop3A_824 : i32 to vector<16xi32>
        %parallel_loop3A_826 = arith.addi %mul3A_205, %parallel_loop3A_825 : vector<16xi32>
        %parallel_loop3A_827 = tpu.vector_load_idx %arg10[%parallel_loop3A_826] : memref<3328xf32, #tpu.memory_space<vmem>>[vector<16xi32>], vector<16xf32>,
        %parallel_loop3A_828 = arith.constant 11 : i32
        %parallel_loop3A_829 = arith.addi %parallel_loop3A_772, %parallel_loop3A_828 : i32
        %parallel_loop3A_830 = vector.broadcast %parallel_loop3A_829 : i32 to vector<16xi32>
        %parallel_loop3A_831 = arith.addi %mul3A_205, %parallel_loop3A_830 : vector<16xi32>
        %parallel_loop3A_832 = tpu.vector_load_idx %arg10[%parallel_loop3A_831] : memref<3328xf32, #tpu.memory_space<vmem>>[vector<16xi32>], vector<16xf32>,
        %parallel_loop3A_833 = arith.constant 12 : i32
        %parallel_loop3A_834 = arith.addi %parallel_loop3A_772, %parallel_loop3A_833 : i32
        %parallel_loop3A_835 = vector.broadcast %parallel_loop3A_834 : i32 to vector<16xi32>
        %parallel_loop3A_836 = arith.addi %mul3A_205, %parallel_loop3A_835 : vector<16xi32>
        %parallel_loop3A_837 = tpu.vector_load_idx %arg10[%parallel_loop3A_836] : memref<3328xf32, #tpu.memory_space<vmem>>[vector<16xi32>], vector<16xf32>,
        %parallel_loop3A_838 = arith.constant 13 : i32
        %parallel_loop3A_839 = arith.addi %parallel_loop3A_772, %parallel_loop3A_838 : i32
        %parallel_loop3A_840 = vector.broadcast %parallel_loop3A_839 : i32 to vector<16xi32>
        %parallel_loop3A_841 = arith.addi %mul3A_205, %parallel_loop3A_840 : vector<16xi32>
        %parallel_loop3A_842 = tpu.vector_load_idx %arg10[%parallel_loop3A_841] : memref<3328xf32, #tpu.memory_space<vmem>>[vector<16xi32>], vector<16xf32>,
        %parallel_loop3A_843 = arith.constant 14 : i32
        %parallel_loop3A_844 = arith.addi %parallel_loop3A_772, %parallel_loop3A_843 : i32
        %parallel_loop3A_845 = vector.broadcast %parallel_loop3A_844 : i32 to vector<16xi32>
        %parallel_loop3A_846 = arith.addi %mul3A_205, %parallel_loop3A_845 : vector<16xi32>
        %parallel_loop3A_847 = tpu.vector_load_idx %arg10[%parallel_loop3A_846] : memref<3328xf32, #tpu.memory_space<vmem>>[vector<16xi32>], vector<16xf32>,
        %parallel_loop3A_848 = arith.constant 15 : i32
        %parallel_loop3A_849 = arith.addi %parallel_loop3A_772, %parallel_loop3A_848 : i32
        %parallel_loop3A_850 = vector.broadcast %parallel_loop3A_849 : i32 to vector<16xi32>
        %parallel_loop3A_851 = arith.addi %mul3A_205, %parallel_loop3A_850 : vector<16xi32>
        %parallel_loop3A_852 = tpu.vector_load_idx %arg10[%parallel_loop3A_851] : memref<3328xf32, #tpu.memory_space<vmem>>[vector<16xi32>], vector<16xf32>,
        %parallel_loop3A_853 = arith.addf %parallel_loop3A_777, %parallel_loop3A_782 : vector<16xf32>
        %parallel_loop3A_854 = arith.addf %parallel_loop3A_787, %parallel_loop3A_792 : vector<16xf32>
        %parallel_loop3A_855 = arith.addf %parallel_loop3A_797, %parallel_loop3A_802 : vector<16xf32>
        %parallel_loop3A_856 = arith.addf %parallel_loop3A_807, %parallel_loop3A_812 : vector<16xf32>
        %parallel_loop3A_857 = arith.addf %parallel_loop3A_817, %parallel_loop3A_822 : vector<16xf32>
        %parallel_loop3A_858 = arith.addf %parallel_loop3A_827, %parallel_loop3A_832 : vector<16xf32>
        %parallel_loop3A_859 = arith.addf %parallel_loop3A_837, %parallel_loop3A_842 : vector<16xf32>
        %parallel_loop3A_860 = arith.addf %parallel_loop3A_847, %parallel_loop3A_852 : vector<16xf32>
        %parallel_loop3A_861 = arith.addf %parallel_loop3A_853, %parallel_loop3A_854 : vector<16xf32>
        %parallel_loop3A_862 = arith.addf %parallel_loop3A_855, %parallel_loop3A_856 : vector<16xf32>
        %parallel_loop3A_863 = arith.addf %parallel_loop3A_857, %parallel_loop3A_858 : vector<16xf32>
        %parallel_loop3A_864 = arith.addf %parallel_loop3A_859, %parallel_loop3A_860 : vector<16xf32>
        %parallel_loop3A_865 = arith.addf %parallel_loop3A_861, %parallel_loop3A_862 : vector<16xf32>
        %parallel_loop3A_866 = arith.addf %parallel_loop3A_863, %parallel_loop3A_864 : vector<16xf32>
        %parallel_loop3A_867 = arith.addf %parallel_loop3A_865, %parallel_loop3A_866 : vector<16xf32>
        %parallel_loop3A_868 = arith.constant 16 : i32
        %parallel_loop3A_869 = arith.muli %parallel_loop3A_769, %parallel_loop3A_868 : i32
        %parallel_loop3A_870 = arith.index_cast %parallel_loop3A_869 : i32 to index
        %parallel_loop3A_871 = tpu.vector_load %arg8[%parallel_loop3A_870] {strides = array<i32>} : memref<208xf32, #tpu.memory_space<vmem>>, vector<16xf32>,
        tpu.vector_store %arg8[%parallel_loop3A_870], %parallel_loop3A_867 {strides = array<i32>} : memref<208xf32, #tpu.memory_space<vmem>>, vector<16xf32>,
        %parallel_loop3A_872 = arith.maximumf %parallel_loop3A_770, %parallel_loop3A_867 : vector<16xf32>
        scf.yield %parallel_loop3A_872 : vector<16xf32>
      } {sc.loop_unroll_factor = 2 : i64, sc.parallel_access}
      %add3A_214 = arith.constant 3072 : i32
      %add3A_215 = vector.broadcast %add3A_214 : i32 to vector<16xi32>
      %add3A_216 = arith.addi %mul3A_205, %add3A_215 : vector<16xi32>
      %gather3A = tpu.vector_load_idx %arg10[%add3A_216] : memref<3328xf32, #tpu.memory_space<vmem>>[vector<16xi32>], vector<16xf32>,
      %add3A_217 = arith.constant 3073 : i32
      %add3A_218 = vector.broadcast %add3A_217 : i32 to vector<16xi32>
      %add3A_219 = arith.addi %mul3A_205, %add3A_218 : vector<16xi32>
      %gather3A_220 = tpu.vector_load_idx %arg10[%add3A_219] : memref<3328xf32, #tpu.memory_space<vmem>>[vector<16xi32>], vector<16xf32>,
      %add3A_221 = arith.constant 3074 : i32
      %add3A_222 = vector.broadcast %add3A_221 : i32 to vector<16xi32>
      %add3A_223 = arith.addi %mul3A_205, %add3A_222 : vector<16xi32>
      %gather3A_224 = tpu.vector_load_idx %arg10[%add3A_223] : memref<3328xf32, #tpu.memory_space<vmem>>[vector<16xi32>], vector<16xf32>,
      %add3A_225 = arith.constant 3075 : i32
      %add3A_226 = vector.broadcast %add3A_225 : i32 to vector<16xi32>
      %add3A_227 = arith.addi %mul3A_205, %add3A_226 : vector<16xi32>
      %gather3A_228 = tpu.vector_load_idx %arg10[%add3A_227] : memref<3328xf32, #tpu.memory_space<vmem>>[vector<16xi32>], vector<16xf32>,
      %add3A_229 = arith.constant 3076 : i32
      %add3A_230 = vector.broadcast %add3A_229 : i32 to vector<16xi32>
      %add3A_231 = arith.addi %mul3A_205, %add3A_230 : vector<16xi32>
      %gather3A_232 = tpu.vector_load_idx %arg10[%add3A_231] : memref<3328xf32, #tpu.memory_space<vmem>>[vector<16xi32>], vector<16xf32>,
      %add3A_233 = arith.constant 3077 : i32
      %add3A_234 = vector.broadcast %add3A_233 : i32 to vector<16xi32>
      %add3A_235 = arith.addi %mul3A_205, %add3A_234 : vector<16xi32>
      %gather3A_236 = tpu.vector_load_idx %arg10[%add3A_235] : memref<3328xf32, #tpu.memory_space<vmem>>[vector<16xi32>], vector<16xf32>,
      %add3A_237 = arith.constant 3078 : i32
      %add3A_238 = vector.broadcast %add3A_237 : i32 to vector<16xi32>
      %add3A_239 = arith.addi %mul3A_205, %add3A_238 : vector<16xi32>
      %gather3A_240 = tpu.vector_load_idx %arg10[%add3A_239] : memref<3328xf32, #tpu.memory_space<vmem>>[vector<16xi32>], vector<16xf32>,
      %add3A_241 = arith.constant 3079 : i32
      %add3A_242 = vector.broadcast %add3A_241 : i32 to vector<16xi32>
      %add3A_243 = arith.addi %mul3A_205, %add3A_242 : vector<16xi32>
      %gather3A_244 = tpu.vector_load_idx %arg10[%add3A_243] : memref<3328xf32, #tpu.memory_space<vmem>>[vector<16xi32>], vector<16xf32>,
      %add3A_245 = arith.constant 3080 : i32
      %add3A_246 = vector.broadcast %add3A_245 : i32 to vector<16xi32>
      %add3A_247 = arith.addi %mul3A_205, %add3A_246 : vector<16xi32>
      %gather3A_248 = tpu.vector_load_idx %arg10[%add3A_247] : memref<3328xf32, #tpu.memory_space<vmem>>[vector<16xi32>], vector<16xf32>,
      %add3A_249 = arith.constant 3081 : i32
      %add3A_250 = vector.broadcast %add3A_249 : i32 to vector<16xi32>
      %add3A_251 = arith.addi %mul3A_205, %add3A_250 : vector<16xi32>
      %gather3A_252 = tpu.vector_load_idx %arg10[%add3A_251] : memref<3328xf32, #tpu.memory_space<vmem>>[vector<16xi32>], vector<16xf32>,
      %add3A_253 = arith.constant 3082 : i32
      %add3A_254 = vector.broadcast %add3A_253 : i32 to vector<16xi32>
      %add3A_255 = arith.addi %mul3A_205, %add3A_254 : vector<16xi32>
      %gather3A_256 = tpu.vector_load_idx %arg10[%add3A_255] : memref<3328xf32, #tpu.memory_space<vmem>>[vector<16xi32>], vector<16xf32>,
      %add3A_257 = arith.constant 3083 : i32
      %add3A_258 = vector.broadcast %add3A_257 : i32 to vector<16xi32>
      %add3A_259 = arith.addi %mul3A_205, %add3A_258 : vector<16xi32>
      %gather3A_260 = tpu.vector_load_idx %arg10[%add3A_259] : memref<3328xf32, #tpu.memory_space<vmem>>[vector<16xi32>], vector<16xf32>,
      %add3A_261 = arith.constant 3084 : i32
      %add3A_262 = vector.broadcast %add3A_261 : i32 to vector<16xi32>
      %add3A_263 = arith.addi %mul3A_205, %add3A_262 : vector<16xi32>
      %gather3A_264 = tpu.vector_load_idx %arg10[%add3A_263] : memref<3328xf32, #tpu.memory_space<vmem>>[vector<16xi32>], vector<16xf32>,
      %add3A_265 = arith.constant 3085 : i32
      %add3A_266 = vector.broadcast %add3A_265 : i32 to vector<16xi32>
      %add3A_267 = arith.addi %mul3A_205, %add3A_266 : vector<16xi32>
      %gather3A_268 = tpu.vector_load_idx %arg10[%add3A_267] : memref<3328xf32, #tpu.memory_space<vmem>>[vector<16xi32>], vector<16xf32>,
      %add3A_269 = arith.constant 3086 : i32
      %add3A_270 = vector.broadcast %add3A_269 : i32 to vector<16xi32>
      %add3A_271 = arith.addi %mul3A_205, %add3A_270 : vector<16xi32>
      %gather3A_272 = tpu.vector_load_idx %arg10[%add3A_271] : memref<3328xf32, #tpu.memory_space<vmem>>[vector<16xi32>], vector<16xf32>,
      %add3A_273 = arith.constant 3087 : i32
      %add3A_274 = vector.broadcast %add3A_273 : i32 to vector<16xi32>
      %add3A_275 = arith.addi %mul3A_205, %add3A_274 : vector<16xi32>
      %gather3A_276 = tpu.vector_load_idx %arg10[%add3A_275] : memref<3328xf32, #tpu.memory_space<vmem>>[vector<16xi32>], vector<16xf32>,
      %add3A_277 = arith.addf %gather3A, %gather3A_220 : vector<16xf32>
      %add3A_278 = arith.addf %gather3A_224, %gather3A_228 : vector<16xf32>
      %add3A_279 = arith.addf %gather3A_232, %gather3A_236 : vector<16xf32>
      %add3A_280 = arith.addf %gather3A_240, %gather3A_244 : vector<16xf32>
      %add3A_281 = arith.addf %gather3A_248, %gather3A_252 : vector<16xf32>
      %add3A_282 = arith.addf %gather3A_256, %gather3A_260 : vector<16xf32>
      %add3A_283 = arith.addf %gather3A_264, %gather3A_268 : vector<16xf32>
      %add3A_284 = arith.addf %gather3A_272, %gather3A_276 : vector<16xf32>
      %add3A_285 = arith.addf %add3A_277, %add3A_278 : vector<16xf32>
      %add3A_286 = arith.addf %add3A_279, %add3A_280 : vector<16xf32>
      %add3A_287 = arith.addf %add3A_281, %add3A_282 : vector<16xf32>
      %add3A_288 = arith.addf %add3A_283, %add3A_284 : vector<16xf32>
      %add3A_289 = arith.addf %add3A_285, %add3A_286 : vector<16xf32>
      %add3A_290 = arith.addf %add3A_287, %add3A_288 : vector<16xf32>
      %add3A_291 = arith.addf %add3A_289, %add3A_290 : vector<16xf32>
      %iota3A_292 = tpu.iota {dimensions = array<i32: 0>} : vector<16xi32>
      %lt3A_293 = arith.constant 8 : i32
      %lt3A_294 = vector.broadcast %lt3A_293 : i32 to vector<16xi32>
      %lt3A_295 = arith.cmpi slt, %iota3A_292, %lt3A_294 : vector<16xi32>
      %select_n3A_296 = arith.select %lt3A_295, %add3A_291, %broadcast_in_dim3A_209 : vector<16xi1>, vector<16xf32>
      %swap3A_297 = arith.constant 192 : index
      %swap3A_298 = tpu.vector_load %arg8[%swap3A_297] {strides = array<i32>} : memref<208xf32, #tpu.memory_space<vmem>>, vector<16xf32>,
      tpu.vector_store %arg8[%swap3A_297], %select_n3A_296 {strides = array<i32>} : memref<208xf32, #tpu.memory_space<vmem>>, vector<16xf32>,
      %max3A = arith.maximumf %parallel_loop3A_213, %select_n3A_296 : vector<16xf32>
      %reduce_max3A = arith.constant true
      %reduce_max3A_299 = vector.broadcast %reduce_max3A : i1 to vector<16xi1>
      %reduce_max3A_300 = tpu.scan <max>, %max3A masked %reduce_max3A_299 : vector<16xf32>, vector<16xi1> -> vector<16xf32>
      %reduce_max3A_301 = vector.extract %reduce_max3A_300[15] : f32 from vector<16xf32>
      %broadcast_in_dim3A_302 = arith.constant 0.000000e+00 : f32
      %broadcast_in_dim3A_303 = vector.broadcast %broadcast_in_dim3A_302 : f32 to vector<16xf32>
      %get3A_304 = arith.constant 0 : index
      %get3A_305 = tpu.vector_load %arg8[%get3A_304] {strides = array<i32>} : memref<208xf32, #tpu.memory_space<vmem>>, vector<16xf32>,
      %sub3A_306 = vector.broadcast %reduce_max3A_301 : f32 to vector<16xf32>
      %sub3A_307 = arith.subf %get3A_305, %sub3A_306 : vector<16xf32>
      %exp3A = math.exp %sub3A_307 : vector<16xf32>
      %swap3A_308 = arith.constant 0 : index
      %swap3A_309 = tpu.vector_load %arg8[%swap3A_308] {strides = array<i32>} : memref<208xf32, #tpu.memory_space<vmem>>, vector<16xf32>,
      tpu.vector_store %arg8[%swap3A_308], %exp3A {strides = array<i32>} : memref<208xf32, #tpu.memory_space<vmem>>, vector<16xf32>,
      %add3A_310 = arith.addf %broadcast_in_dim3A_303, %exp3A : vector<16xf32>
      %get3A_311 = arith.constant 16 : index
      %get3A_312 = tpu.vector_load %arg8[%get3A_311] {strides = array<i32>} : memref<208xf32, #tpu.memory_space<vmem>>, vector<16xf32>,
      %sub3A_313 = vector.broadcast %reduce_max3A_301 : f32 to vector<16xf32>
      %sub3A_314 = arith.subf %get3A_312, %sub3A_313 : vector<16xf32>
      %exp3A_315 = math.exp %sub3A_314 : vector<16xf32>
      %swap3A_316 = arith.constant 16 : index
      %swap3A_317 = tpu.vector_load %arg8[%swap3A_316] {strides = array<i32>} : memref<208xf32, #tpu.memory_space<vmem>>, vector<16xf32>,
      tpu.vector_store %arg8[%swap3A_316], %exp3A_315 {strides = array<i32>} : memref<208xf32, #tpu.memory_space<vmem>>, vector<16xf32>,
      %add3A_318 = arith.addf %add3A_310, %exp3A_315 : vector<16xf32>
      %get3A_319 = arith.constant 32 : index
      %get3A_320 = tpu.vector_load %arg8[%get3A_319] {strides = array<i32>} : memref<208xf32, #tpu.memory_space<vmem>>, vector<16xf32>,
      %sub3A_321 = vector.broadcast %reduce_max3A_301 : f32 to vector<16xf32>
      %sub3A_322 = arith.subf %get3A_320, %sub3A_321 : vector<16xf32>
      %exp3A_323 = math.exp %sub3A_322 : vector<16xf32>
      %swap3A_324 = arith.constant 32 : index
      %swap3A_325 = tpu.vector_load %arg8[%swap3A_324] {strides = array<i32>} : memref<208xf32, #tpu.memory_space<vmem>>, vector<16xf32>,
      tpu.vector_store %arg8[%swap3A_324], %exp3A_323 {strides = array<i32>} : memref<208xf32, #tpu.memory_space<vmem>>, vector<16xf32>,
      %add3A_326 = arith.addf %add3A_318, %exp3A_323 : vector<16xf32>
      %get3A_327 = arith.constant 48 : index
      %get3A_328 = tpu.vector_load %arg8[%get3A_327] {strides = array<i32>} : memref<208xf32, #tpu.memory_space<vmem>>, vector<16xf32>,
      %sub3A_329 = vector.broadcast %reduce_max3A_301 : f32 to vector<16xf32>
      %sub3A_330 = arith.subf %get3A_328, %sub3A_329 : vector<16xf32>
      %exp3A_331 = math.exp %sub3A_330 : vector<16xf32>
      %swap3A_332 = arith.constant 48 : index
      %swap3A_333 = tpu.vector_load %arg8[%swap3A_332] {strides = array<i32>} : memref<208xf32, #tpu.memory_space<vmem>>, vector<16xf32>,
      tpu.vector_store %arg8[%swap3A_332], %exp3A_331 {strides = array<i32>} : memref<208xf32, #tpu.memory_space<vmem>>, vector<16xf32>,
      %add3A_334 = arith.addf %add3A_326, %exp3A_331 : vector<16xf32>
      %get3A_335 = arith.constant 64 : index
      %get3A_336 = tpu.vector_load %arg8[%get3A_335] {strides = array<i32>} : memref<208xf32, #tpu.memory_space<vmem>>, vector<16xf32>,
      %sub3A_337 = vector.broadcast %reduce_max3A_301 : f32 to vector<16xf32>
      %sub3A_338 = arith.subf %get3A_336, %sub3A_337 : vector<16xf32>
      %exp3A_339 = math.exp %sub3A_338 : vector<16xf32>
      %swap3A_340 = arith.constant 64 : index
      %swap3A_341 = tpu.vector_load %arg8[%swap3A_340] {strides = array<i32>} : memref<208xf32, #tpu.memory_space<vmem>>, vector<16xf32>,
      tpu.vector_store %arg8[%swap3A_340], %exp3A_339 {strides = array<i32>} : memref<208xf32, #tpu.memory_space<vmem>>, vector<16xf32>,
      %add3A_342 = arith.addf %add3A_334, %exp3A_339 : vector<16xf32>
      %get3A_343 = arith.constant 80 : index
      %get3A_344 = tpu.vector_load %arg8[%get3A_343] {strides = array<i32>} : memref<208xf32, #tpu.memory_space<vmem>>, vector<16xf32>,
      %sub3A_345 = vector.broadcast %reduce_max3A_301 : f32 to vector<16xf32>
      %sub3A_346 = arith.subf %get3A_344, %sub3A_345 : vector<16xf32>
      %exp3A_347 = math.exp %sub3A_346 : vector<16xf32>
      %swap3A_348 = arith.constant 80 : index
      %swap3A_349 = tpu.vector_load %arg8[%swap3A_348] {strides = array<i32>} : memref<208xf32, #tpu.memory_space<vmem>>, vector<16xf32>,
      tpu.vector_store %arg8[%swap3A_348], %exp3A_347 {strides = array<i32>} : memref<208xf32, #tpu.memory_space<vmem>>, vector<16xf32>,
      %add3A_350 = arith.addf %add3A_342, %exp3A_347 : vector<16xf32>
      %get3A_351 = arith.constant 96 : index
      %get3A_352 = tpu.vector_load %arg8[%get3A_351] {strides = array<i32>} : memref<208xf32, #tpu.memory_space<vmem>>, vector<16xf32>,
      %sub3A_353 = vector.broadcast %reduce_max3A_301 : f32 to vector<16xf32>
      %sub3A_354 = arith.subf %get3A_352, %sub3A_353 : vector<16xf32>
      %exp3A_355 = math.exp %sub3A_354 : vector<16xf32>
      %swap3A_356 = arith.constant 96 : index
      %swap3A_357 = tpu.vector_load %arg8[%swap3A_356] {strides = array<i32>} : memref<208xf32, #tpu.memory_space<vmem>>, vector<16xf32>,
      tpu.vector_store %arg8[%swap3A_356], %exp3A_355 {strides = array<i32>} : memref<208xf32, #tpu.memory_space<vmem>>, vector<16xf32>,
      %add3A_358 = arith.addf %add3A_350, %exp3A_355 : vector<16xf32>
      %get3A_359 = arith.constant 112 : index
      %get3A_360 = tpu.vector_load %arg8[%get3A_359] {strides = array<i32>} : memref<208xf32, #tpu.memory_space<vmem>>, vector<16xf32>,
      %sub3A_361 = vector.broadcast %reduce_max3A_301 : f32 to vector<16xf32>
      %sub3A_362 = arith.subf %get3A_360, %sub3A_361 : vector<16xf32>
      %exp3A_363 = math.exp %sub3A_362 : vector<16xf32>
      %swap3A_364 = arith.constant 112 : index
      %swap3A_365 = tpu.vector_load %arg8[%swap3A_364] {strides = array<i32>} : memref<208xf32, #tpu.memory_space<vmem>>, vector<16xf32>,
      tpu.vector_store %arg8[%swap3A_364], %exp3A_363 {strides = array<i32>} : memref<208xf32, #tpu.memory_space<vmem>>, vector<16xf32>,
      %add3A_366 = arith.addf %add3A_358, %exp3A_363 : vector<16xf32>
      %get3A_367 = arith.constant 128 : index
      %get3A_368 = tpu.vector_load %arg8[%get3A_367] {strides = array<i32>} : memref<208xf32, #tpu.memory_space<vmem>>, vector<16xf32>,
      %sub3A_369 = vector.broadcast %reduce_max3A_301 : f32 to vector<16xf32>
      %sub3A_370 = arith.subf %get3A_368, %sub3A_369 : vector<16xf32>
      %exp3A_371 = math.exp %sub3A_370 : vector<16xf32>
      %swap3A_372 = arith.constant 128 : index
      %swap3A_373 = tpu.vector_load %arg8[%swap3A_372] {strides = array<i32>} : memref<208xf32, #tpu.memory_space<vmem>>, vector<16xf32>,
      tpu.vector_store %arg8[%swap3A_372], %exp3A_371 {strides = array<i32>} : memref<208xf32, #tpu.memory_space<vmem>>, vector<16xf32>,
      %add3A_374 = arith.addf %add3A_366, %exp3A_371 : vector<16xf32>
      %get3A_375 = arith.constant 144 : index
      %get3A_376 = tpu.vector_load %arg8[%get3A_375] {strides = array<i32>} : memref<208xf32, #tpu.memory_space<vmem>>, vector<16xf32>,
      %sub3A_377 = vector.broadcast %reduce_max3A_301 : f32 to vector<16xf32>
      %sub3A_378 = arith.subf %get3A_376, %sub3A_377 : vector<16xf32>
      %exp3A_379 = math.exp %sub3A_378 : vector<16xf32>
      %swap3A_380 = arith.constant 144 : index
      %swap3A_381 = tpu.vector_load %arg8[%swap3A_380] {strides = array<i32>} : memref<208xf32, #tpu.memory_space<vmem>>, vector<16xf32>,
      tpu.vector_store %arg8[%swap3A_380], %exp3A_379 {strides = array<i32>} : memref<208xf32, #tpu.memory_space<vmem>>, vector<16xf32>,
      %add3A_382 = arith.addf %add3A_374, %exp3A_379 : vector<16xf32>
      %get3A_383 = arith.constant 160 : index
      %get3A_384 = tpu.vector_load %arg8[%get3A_383] {strides = array<i32>} : memref<208xf32, #tpu.memory_space<vmem>>, vector<16xf32>,
      %sub3A_385 = vector.broadcast %reduce_max3A_301 : f32 to vector<16xf32>
      %sub3A_386 = arith.subf %get3A_384, %sub3A_385 : vector<16xf32>
      %exp3A_387 = math.exp %sub3A_386 : vector<16xf32>
      %swap3A_388 = arith.constant 160 : index
      %swap3A_389 = tpu.vector_load %arg8[%swap3A_388] {strides = array<i32>} : memref<208xf32, #tpu.memory_space<vmem>>, vector<16xf32>,
      tpu.vector_store %arg8[%swap3A_388], %exp3A_387 {strides = array<i32>} : memref<208xf32, #tpu.memory_space<vmem>>, vector<16xf32>,
      %add3A_390 = arith.addf %add3A_382, %exp3A_387 : vector<16xf32>
      %get3A_391 = arith.constant 176 : index
      %get3A_392 = tpu.vector_load %arg8[%get3A_391] {strides = array<i32>} : memref<208xf32, #tpu.memory_space<vmem>>, vector<16xf32>,
      %sub3A_393 = vector.broadcast %reduce_max3A_301 : f32 to vector<16xf32>
      %sub3A_394 = arith.subf %get3A_392, %sub3A_393 : vector<16xf32>
      %exp3A_395 = math.exp %sub3A_394 : vector<16xf32>
      %swap3A_396 = arith.constant 176 : index
      %swap3A_397 = tpu.vector_load %arg8[%swap3A_396] {strides = array<i32>} : memref<208xf32, #tpu.memory_space<vmem>>, vector<16xf32>,
      tpu.vector_store %arg8[%swap3A_396], %exp3A_395 {strides = array<i32>} : memref<208xf32, #tpu.memory_space<vmem>>, vector<16xf32>,
      %add3A_398 = arith.addf %add3A_390, %exp3A_395 : vector<16xf32>
      %get3A_399 = arith.constant 192 : index
      %get3A_400 = tpu.vector_load %arg8[%get3A_399] {strides = array<i32>} : memref<208xf32, #tpu.memory_space<vmem>>, vector<16xf32>,
      %sub3A_401 = vector.broadcast %reduce_max3A_301 : f32 to vector<16xf32>
      %sub3A_402 = arith.subf %get3A_400, %sub3A_401 : vector<16xf32>
      %exp3A_403 = math.exp %sub3A_402 : vector<16xf32>
      %swap3A_404 = arith.constant 192 : index
      %swap3A_405 = tpu.vector_load %arg8[%swap3A_404] {strides = array<i32>} : memref<208xf32, #tpu.memory_space<vmem>>, vector<16xf32>,
      tpu.vector_store %arg8[%swap3A_404], %exp3A_403 {strides = array<i32>} : memref<208xf32, #tpu.memory_space<vmem>>, vector<16xf32>,
      %add3A_406 = arith.addf %add3A_398, %exp3A_403 : vector<16xf32>
      %broadcast_in_dim3A_407 = arith.constant 1.000000e+00 : f32
      %broadcast_in_dim3A_408 = vector.broadcast %broadcast_in_dim3A_407 : f32 to vector<16xf32>
      %broadcast_in_dim3A_409 = arith.constant 0.000000e+00 : f32
      %broadcast_in_dim3A_410 = vector.broadcast %broadcast_in_dim3A_409 : f32 to vector<16xf32>
      %reduce_sum3A = arith.constant true
      %reduce_sum3A_411 = vector.broadcast %reduce_sum3A : i1 to vector<16xi1>
      %reduce_sum3A_412 = tpu.scan <sum>, %add3A_406 masked %reduce_sum3A_411 : vector<16xf32>, vector<16xi1> -> vector<16xf32>
      %reduce_sum3A_413 = vector.extract %reduce_sum3A_412[15] : f32 from vector<16xf32>
      %add3A_414 = vector.broadcast %reduce_sum3A_413 : f32 to vector<16xf32>
      %add3A_415 = arith.addf %broadcast_in_dim3A_410, %add3A_414 : vector<16xf32>
      %div3A = arith.divf %broadcast_in_dim3A_408, %add3A_415 : vector<16xf32>
      %broadcast_in_dim3A_416 = arith.constant 0.000000e+00 : f32
      %broadcast_in_dim3A_417 = vector.broadcast %broadcast_in_dim3A_416 : f32 to vector<16xf32>
      %scan3A_418 = arith.constant 0 : i32
      %scan3A_419 = arith.constant 13 : i32
      %scan3A_420 = arith.addi %scan3A_418, %scan3A_419 : i32
      %scan3A_421 = arith.constant 1 : i32
      %scan3A_422:4 = scf.for %scan3A_769 = %scan3A_418 to %scan3A_420 step %scan3A_421 iter_args(%scan3A_770 = %broadcast_in_dim3A_417, %scan3A_771 = %broadcast_in_dim3A_417, %scan3A_772 = %broadcast_in_dim3A_417, %scan3A_773 = %broadcast_in_dim3A_417) -> (vector<16xf32>, vector<16xf32>, vector<16xf32>, vector<16xf32>)  : i32 {
        %mul3A_774 = arith.constant 16 : i32
        %mul3A_775 = arith.muli %scan3A_769, %mul3A_774 : i32
        %get3A_776 = arith.index_cast %mul3A_775 : i32 to index
        %get3A_777 = tpu.vector_load %arg8[%get3A_776] {strides = array<i32>} : memref<208xf32, #tpu.memory_space<vmem>>, vector<16xf32>,
        %mul3A_778 = arith.constant 1024 : i32
        %mul3A_779 = arith.muli %scan3A_769, %mul3A_778 : i32
        %slice3A = vector.extract_strided_slice %get3A_777 {offsets = [0], sizes = [1], strides = [1]} : vector<16xf32> to vector<1xf32>
        %squeeze3A = vector.extract %slice3A[0] : f32 from vector<1xf32>
        %add3A_780 = arith.constant 0 : i32
        %add3A_781 = arith.addi %mul3A_779, %add3A_780 : i32
        %get3A_782 = arith.index_cast %add3A_781 : i32 to index
        %get3A_783 = tpu.vector_load %arg5[%get3A_782] {strides = array<i32>} : memref<13312xf32, #tpu.memory_space<vmem>>, vector<16xf32>,
        %mul3A_784 = vector.broadcast %squeeze3A : f32 to vector<16xf32>
        %mul3A_785 = arith.mulf %mul3A_784, %get3A_783 : vector<16xf32>
        %add3A_786 = arith.addf %scan3A_770, %mul3A_785 : vector<16xf32>
        %add3A_787 = arith.constant 16 : i32
        %add3A_788 = arith.addi %add3A_781, %add3A_787 : i32
        %get3A_789 = arith.index_cast %add3A_788 : i32 to index
        %get3A_790 = tpu.vector_load %arg5[%get3A_789] {strides = array<i32>} : memref<13312xf32, #tpu.memory_space<vmem>>, vector<16xf32>,
        %mul3A_791 = vector.broadcast %squeeze3A : f32 to vector<16xf32>
        %mul3A_792 = arith.mulf %mul3A_791, %get3A_790 : vector<16xf32>
        %add3A_793 = arith.addf %scan3A_771, %mul3A_792 : vector<16xf32>
        %add3A_794 = arith.constant 32 : i32
        %add3A_795 = arith.addi %add3A_781, %add3A_794 : i32
        %get3A_796 = arith.index_cast %add3A_795 : i32 to index
        %get3A_797 = tpu.vector_load %arg5[%get3A_796] {strides = array<i32>} : memref<13312xf32, #tpu.memory_space<vmem>>, vector<16xf32>,
        %mul3A_798 = vector.broadcast %squeeze3A : f32 to vector<16xf32>
        %mul3A_799 = arith.mulf %mul3A_798, %get3A_797 : vector<16xf32>
        %add3A_800 = arith.addf %scan3A_772, %mul3A_799 : vector<16xf32>
        %add3A_801 = arith.constant 48 : i32
        %add3A_802 = arith.addi %add3A_781, %add3A_801 : i32
        %get3A_803 = arith.index_cast %add3A_802 : i32 to index
        %get3A_804 = tpu.vector_load %arg5[%get3A_803] {strides = array<i32>} : memref<13312xf32, #tpu.memory_space<vmem>>, vector<16xf32>,
        %mul3A_805 = vector.broadcast %squeeze3A : f32 to vector<16xf32>
        %mul3A_806 = arith.mulf %mul3A_805, %get3A_804 : vector<16xf32>
        %add3A_807 = arith.addf %scan3A_773, %mul3A_806 : vector<16xf32>
        %slice3A_808 = vector.extract_strided_slice %get3A_777 {offsets = [1], sizes = [1], strides = [1]} : vector<16xf32> to vector<1xf32>
        %squeeze3A_809 = vector.extract %slice3A_808[0] : f32 from vector<1xf32>
        %add3A_810 = arith.constant 64 : i32
        %add3A_811 = arith.addi %mul3A_779, %add3A_810 : i32
        %get3A_812 = arith.index_cast %add3A_811 : i32 to index
        %get3A_813 = tpu.vector_load %arg5[%get3A_812] {strides = array<i32>} : memref<13312xf32, #tpu.memory_space<vmem>>, vector<16xf32>,
        %mul3A_814 = vector.broadcast %squeeze3A_809 : f32 to vector<16xf32>
        %mul3A_815 = arith.mulf %mul3A_814, %get3A_813 : vector<16xf32>
        %add3A_816 = arith.addf %add3A_786, %mul3A_815 : vector<16xf32>
        %add3A_817 = arith.constant 16 : i32
        %add3A_818 = arith.addi %add3A_811, %add3A_817 : i32
        %get3A_819 = arith.index_cast %add3A_818 : i32 to index
        %get3A_820 = tpu.vector_load %arg5[%get3A_819] {strides = array<i32>} : memref<13312xf32, #tpu.memory_space<vmem>>, vector<16xf32>,
        %mul3A_821 = vector.broadcast %squeeze3A_809 : f32 to vector<16xf32>
        %mul3A_822 = arith.mulf %mul3A_821, %get3A_820 : vector<16xf32>
        %add3A_823 = arith.addf %add3A_793, %mul3A_822 : vector<16xf32>
        %add3A_824 = arith.constant 32 : i32
        %add3A_825 = arith.addi %add3A_811, %add3A_824 : i32
        %get3A_826 = arith.index_cast %add3A_825 : i32 to index
        %get3A_827 = tpu.vector_load %arg5[%get3A_826] {strides = array<i32>} : memref<13312xf32, #tpu.memory_space<vmem>>, vector<16xf32>,
        %mul3A_828 = vector.broadcast %squeeze3A_809 : f32 to vector<16xf32>
        %mul3A_829 = arith.mulf %mul3A_828, %get3A_827 : vector<16xf32>
        %add3A_830 = arith.addf %add3A_800, %mul3A_829 : vector<16xf32>
        %add3A_831 = arith.constant 48 : i32
        %add3A_832 = arith.addi %add3A_811, %add3A_831 : i32
        %get3A_833 = arith.index_cast %add3A_832 : i32 to index
        %get3A_834 = tpu.vector_load %arg5[%get3A_833] {strides = array<i32>} : memref<13312xf32, #tpu.memory_space<vmem>>, vector<16xf32>,
        %mul3A_835 = vector.broadcast %squeeze3A_809 : f32 to vector<16xf32>
        %mul3A_836 = arith.mulf %mul3A_835, %get3A_834 : vector<16xf32>
        %add3A_837 = arith.addf %add3A_807, %mul3A_836 : vector<16xf32>
        %slice3A_838 = vector.extract_strided_slice %get3A_777 {offsets = [2], sizes = [1], strides = [1]} : vector<16xf32> to vector<1xf32>
        %squeeze3A_839 = vector.extract %slice3A_838[0] : f32 from vector<1xf32>
        %add3A_840 = arith.constant 128 : i32
        %add3A_841 = arith.addi %mul3A_779, %add3A_840 : i32
        %get3A_842 = arith.index_cast %add3A_841 : i32 to index
        %get3A_843 = tpu.vector_load %arg5[%get3A_842] {strides = array<i32>} : memref<13312xf32, #tpu.memory_space<vmem>>, vector<16xf32>,
        %mul3A_844 = vector.broadcast %squeeze3A_839 : f32 to vector<16xf32>
        %mul3A_845 = arith.mulf %mul3A_844, %get3A_843 : vector<16xf32>
        %add3A_846 = arith.addf %add3A_816, %mul3A_845 : vector<16xf32>
        %add3A_847 = arith.constant 16 : i32
        %add3A_848 = arith.addi %add3A_841, %add3A_847 : i32
        %get3A_849 = arith.index_cast %add3A_848 : i32 to index
        %get3A_850 = tpu.vector_load %arg5[%get3A_849] {strides = array<i32>} : memref<13312xf32, #tpu.memory_space<vmem>>, vector<16xf32>,
        %mul3A_851 = vector.broadcast %squeeze3A_839 : f32 to vector<16xf32>
        %mul3A_852 = arith.mulf %mul3A_851, %get3A_850 : vector<16xf32>
        %add3A_853 = arith.addf %add3A_823, %mul3A_852 : vector<16xf32>
        %add3A_854 = arith.constant 32 : i32
        %add3A_855 = arith.addi %add3A_841, %add3A_854 : i32
        %get3A_856 = arith.index_cast %add3A_855 : i32 to index
        %get3A_857 = tpu.vector_load %arg5[%get3A_856] {strides = array<i32>} : memref<13312xf32, #tpu.memory_space<vmem>>, vector<16xf32>,
        %mul3A_858 = vector.broadcast %squeeze3A_839 : f32 to vector<16xf32>
        %mul3A_859 = arith.mulf %mul3A_858, %get3A_857 : vector<16xf32>
        %add3A_860 = arith.addf %add3A_830, %mul3A_859 : vector<16xf32>
        %add3A_861 = arith.constant 48 : i32
        %add3A_862 = arith.addi %add3A_841, %add3A_861 : i32
        %get3A_863 = arith.index_cast %add3A_862 : i32 to index
        %get3A_864 = tpu.vector_load %arg5[%get3A_863] {strides = array<i32>} : memref<13312xf32, #tpu.memory_space<vmem>>, vector<16xf32>,
        %mul3A_865 = vector.broadcast %squeeze3A_839 : f32 to vector<16xf32>
        %mul3A_866 = arith.mulf %mul3A_865, %get3A_864 : vector<16xf32>
        %add3A_867 = arith.addf %add3A_837, %mul3A_866 : vector<16xf32>
        %slice3A_868 = vector.extract_strided_slice %get3A_777 {offsets = [3], sizes = [1], strides = [1]} : vector<16xf32> to vector<1xf32>
        %squeeze3A_869 = vector.extract %slice3A_868[0] : f32 from vector<1xf32>
        %add3A_870 = arith.constant 192 : i32
        %add3A_871 = arith.addi %mul3A_779, %add3A_870 : i32
        %get3A_872 = arith.index_cast %add3A_871 : i32 to index
        %get3A_873 = tpu.vector_load %arg5[%get3A_872] {strides = array<i32>} : memref<13312xf32, #tpu.memory_space<vmem>>, vector<16xf32>,
        %mul3A_874 = vector.broadcast %squeeze3A_869 : f32 to vector<16xf32>
        %mul3A_875 = arith.mulf %mul3A_874, %get3A_873 : vector<16xf32>
        %add3A_876 = arith.addf %add3A_846, %mul3A_875 : vector<16xf32>
        %add3A_877 = arith.constant 16 : i32
        %add3A_878 = arith.addi %add3A_871, %add3A_877 : i32
        %get3A_879 = arith.index_cast %add3A_878 : i32 to index
        %get3A_880 = tpu.vector_load %arg5[%get3A_879] {strides = array<i32>} : memref<13312xf32, #tpu.memory_space<vmem>>, vector<16xf32>,
        %mul3A_881 = vector.broadcast %squeeze3A_869 : f32 to vector<16xf32>
        %mul3A_882 = arith.mulf %mul3A_881, %get3A_880 : vector<16xf32>
        %add3A_883 = arith.addf %add3A_853, %mul3A_882 : vector<16xf32>
        %add3A_884 = arith.constant 32 : i32
        %add3A_885 = arith.addi %add3A_871, %add3A_884 : i32
        %get3A_886 = arith.index_cast %add3A_885 : i32 to index
        %get3A_887 = tpu.vector_load %arg5[%get3A_886] {strides = array<i32>} : memref<13312xf32, #tpu.memory_space<vmem>>, vector<16xf32>,
        %mul3A_888 = vector.broadcast %squeeze3A_869 : f32 to vector<16xf32>
        %mul3A_889 = arith.mulf %mul3A_888, %get3A_887 : vector<16xf32>
        %add3A_890 = arith.addf %add3A_860, %mul3A_889 : vector<16xf32>
        %add3A_891 = arith.constant 48 : i32
        %add3A_892 = arith.addi %add3A_871, %add3A_891 : i32
        %get3A_893 = arith.index_cast %add3A_892 : i32 to index
        %get3A_894 = tpu.vector_load %arg5[%get3A_893] {strides = array<i32>} : memref<13312xf32, #tpu.memory_space<vmem>>, vector<16xf32>,
        %mul3A_895 = vector.broadcast %squeeze3A_869 : f32 to vector<16xf32>
        %mul3A_896 = arith.mulf %mul3A_895, %get3A_894 : vector<16xf32>
        %add3A_897 = arith.addf %add3A_867, %mul3A_896 : vector<16xf32>
        %slice3A_898 = vector.extract_strided_slice %get3A_777 {offsets = [4], sizes = [1], strides = [1]} : vector<16xf32> to vector<1xf32>
        %squeeze3A_899 = vector.extract %slice3A_898[0] : f32 from vector<1xf32>
        %add3A_900 = arith.constant 256 : i32
        %add3A_901 = arith.addi %mul3A_779, %add3A_900 : i32
        %get3A_902 = arith.index_cast %add3A_901 : i32 to index
        %get3A_903 = tpu.vector_load %arg5[%get3A_902] {strides = array<i32>} : memref<13312xf32, #tpu.memory_space<vmem>>, vector<16xf32>,
        %mul3A_904 = vector.broadcast %squeeze3A_899 : f32 to vector<16xf32>
        %mul3A_905 = arith.mulf %mul3A_904, %get3A_903 : vector<16xf32>
        %add3A_906 = arith.addf %add3A_876, %mul3A_905 : vector<16xf32>
        %add3A_907 = arith.constant 16 : i32
        %add3A_908 = arith.addi %add3A_901, %add3A_907 : i32
        %get3A_909 = arith.index_cast %add3A_908 : i32 to index
        %get3A_910 = tpu.vector_load %arg5[%get3A_909] {strides = array<i32>} : memref<13312xf32, #tpu.memory_space<vmem>>, vector<16xf32>,
        %mul3A_911 = vector.broadcast %squeeze3A_899 : f32 to vector<16xf32>
        %mul3A_912 = arith.mulf %mul3A_911, %get3A_910 : vector<16xf32>
        %add3A_913 = arith.addf %add3A_883, %mul3A_912 : vector<16xf32>
        %add3A_914 = arith.constant 32 : i32
        %add3A_915 = arith.addi %add3A_901, %add3A_914 : i32
        %get3A_916 = arith.index_cast %add3A_915 : i32 to index
        %get3A_917 = tpu.vector_load %arg5[%get3A_916] {strides = array<i32>} : memref<13312xf32, #tpu.memory_space<vmem>>, vector<16xf32>,
        %mul3A_918 = vector.broadcast %squeeze3A_899 : f32 to vector<16xf32>
        %mul3A_919 = arith.mulf %mul3A_918, %get3A_917 : vector<16xf32>
        %add3A_920 = arith.addf %add3A_890, %mul3A_919 : vector<16xf32>
        %add3A_921 = arith.constant 48 : i32
        %add3A_922 = arith.addi %add3A_901, %add3A_921 : i32
        %get3A_923 = arith.index_cast %add3A_922 : i32 to index
        %get3A_924 = tpu.vector_load %arg5[%get3A_923] {strides = array<i32>} : memref<13312xf32, #tpu.memory_space<vmem>>, vector<16xf32>,
        %mul3A_925 = vector.broadcast %squeeze3A_899 : f32 to vector<16xf32>
        %mul3A_926 = arith.mulf %mul3A_925, %get3A_924 : vector<16xf32>
        %add3A_927 = arith.addf %add3A_897, %mul3A_926 : vector<16xf32>
        %slice3A_928 = vector.extract_strided_slice %get3A_777 {offsets = [5], sizes = [1], strides = [1]} : vector<16xf32> to vector<1xf32>
        %squeeze3A_929 = vector.extract %slice3A_928[0] : f32 from vector<1xf32>
        %add3A_930 = arith.constant 320 : i32
        %add3A_931 = arith.addi %mul3A_779, %add3A_930 : i32
        %get3A_932 = arith.index_cast %add3A_931 : i32 to index
        %get3A_933 = tpu.vector_load %arg5[%get3A_932] {strides = array<i32>} : memref<13312xf32, #tpu.memory_space<vmem>>, vector<16xf32>,
        %mul3A_934 = vector.broadcast %squeeze3A_929 : f32 to vector<16xf32>
        %mul3A_935 = arith.mulf %mul3A_934, %get3A_933 : vector<16xf32>
        %add3A_936 = arith.addf %add3A_906, %mul3A_935 : vector<16xf32>
        %add3A_937 = arith.constant 16 : i32
        %add3A_938 = arith.addi %add3A_931, %add3A_937 : i32
        %get3A_939 = arith.index_cast %add3A_938 : i32 to index
        %get3A_940 = tpu.vector_load %arg5[%get3A_939] {strides = array<i32>} : memref<13312xf32, #tpu.memory_space<vmem>>, vector<16xf32>,
        %mul3A_941 = vector.broadcast %squeeze3A_929 : f32 to vector<16xf32>
        %mul3A_942 = arith.mulf %mul3A_941, %get3A_940 : vector<16xf32>
        %add3A_943 = arith.addf %add3A_913, %mul3A_942 : vector<16xf32>
        %add3A_944 = arith.constant 32 : i32
        %add3A_945 = arith.addi %add3A_931, %add3A_944 : i32
        %get3A_946 = arith.index_cast %add3A_945 : i32 to index
        %get3A_947 = tpu.vector_load %arg5[%get3A_946] {strides = array<i32>} : memref<13312xf32, #tpu.memory_space<vmem>>, vector<16xf32>,
        %mul3A_948 = vector.broadcast %squeeze3A_929 : f32 to vector<16xf32>
        %mul3A_949 = arith.mulf %mul3A_948, %get3A_947 : vector<16xf32>
        %add3A_950 = arith.addf %add3A_920, %mul3A_949 : vector<16xf32>
        %add3A_951 = arith.constant 48 : i32
        %add3A_952 = arith.addi %add3A_931, %add3A_951 : i32
        %get3A_953 = arith.index_cast %add3A_952 : i32 to index
        %get3A_954 = tpu.vector_load %arg5[%get3A_953] {strides = array<i32>} : memref<13312xf32, #tpu.memory_space<vmem>>, vector<16xf32>,
        %mul3A_955 = vector.broadcast %squeeze3A_929 : f32 to vector<16xf32>
        %mul3A_956 = arith.mulf %mul3A_955, %get3A_954 : vector<16xf32>
        %add3A_957 = arith.addf %add3A_927, %mul3A_956 : vector<16xf32>
        %slice3A_958 = vector.extract_strided_slice %get3A_777 {offsets = [6], sizes = [1], strides = [1]} : vector<16xf32> to vector<1xf32>
        %squeeze3A_959 = vector.extract %slice3A_958[0] : f32 from vector<1xf32>
        %add3A_960 = arith.constant 384 : i32
        %add3A_961 = arith.addi %mul3A_779, %add3A_960 : i32
        %get3A_962 = arith.index_cast %add3A_961 : i32 to index
        %get3A_963 = tpu.vector_load %arg5[%get3A_962] {strides = array<i32>} : memref<13312xf32, #tpu.memory_space<vmem>>, vector<16xf32>,
        %mul3A_964 = vector.broadcast %squeeze3A_959 : f32 to vector<16xf32>
        %mul3A_965 = arith.mulf %mul3A_964, %get3A_963 : vector<16xf32>
        %add3A_966 = arith.addf %add3A_936, %mul3A_965 : vector<16xf32>
        %add3A_967 = arith.constant 16 : i32
        %add3A_968 = arith.addi %add3A_961, %add3A_967 : i32
        %get3A_969 = arith.index_cast %add3A_968 : i32 to index
        %get3A_970 = tpu.vector_load %arg5[%get3A_969] {strides = array<i32>} : memref<13312xf32, #tpu.memory_space<vmem>>, vector<16xf32>,
        %mul3A_971 = vector.broadcast %squeeze3A_959 : f32 to vector<16xf32>
        %mul3A_972 = arith.mulf %mul3A_971, %get3A_970 : vector<16xf32>
        %add3A_973 = arith.addf %add3A_943, %mul3A_972 : vector<16xf32>
        %add3A_974 = arith.constant 32 : i32
        %add3A_975 = arith.addi %add3A_961, %add3A_974 : i32
        %get3A_976 = arith.index_cast %add3A_975 : i32 to index
        %get3A_977 = tpu.vector_load %arg5[%get3A_976] {strides = array<i32>} : memref<13312xf32, #tpu.memory_space<vmem>>, vector<16xf32>,
        %mul3A_978 = vector.broadcast %squeeze3A_959 : f32 to vector<16xf32>
        %mul3A_979 = arith.mulf %mul3A_978, %get3A_977 : vector<16xf32>
        %add3A_980 = arith.addf %add3A_950, %mul3A_979 : vector<16xf32>
        %add3A_981 = arith.constant 48 : i32
        %add3A_982 = arith.addi %add3A_961, %add3A_981 : i32
        %get3A_983 = arith.index_cast %add3A_982 : i32 to index
        %get3A_984 = tpu.vector_load %arg5[%get3A_983] {strides = array<i32>} : memref<13312xf32, #tpu.memory_space<vmem>>, vector<16xf32>,
        %mul3A_985 = vector.broadcast %squeeze3A_959 : f32 to vector<16xf32>
        %mul3A_986 = arith.mulf %mul3A_985, %get3A_984 : vector<16xf32>
        %add3A_987 = arith.addf %add3A_957, %mul3A_986 : vector<16xf32>
        %slice3A_988 = vector.extract_strided_slice %get3A_777 {offsets = [7], sizes = [1], strides = [1]} : vector<16xf32> to vector<1xf32>
        %squeeze3A_989 = vector.extract %slice3A_988[0] : f32 from vector<1xf32>
        %add3A_990 = arith.constant 448 : i32
        %add3A_991 = arith.addi %mul3A_779, %add3A_990 : i32
        %get3A_992 = arith.index_cast %add3A_991 : i32 to index
        %get3A_993 = tpu.vector_load %arg5[%get3A_992] {strides = array<i32>} : memref<13312xf32, #tpu.memory_space<vmem>>, vector<16xf32>,
        %mul3A_994 = vector.broadcast %squeeze3A_989 : f32 to vector<16xf32>
        %mul3A_995 = arith.mulf %mul3A_994, %get3A_993 : vector<16xf32>
        %add3A_996 = arith.addf %add3A_966, %mul3A_995 : vector<16xf32>
        %add3A_997 = arith.constant 16 : i32
        %add3A_998 = arith.addi %add3A_991, %add3A_997 : i32
        %get3A_999 = arith.index_cast %add3A_998 : i32 to index
        %get3A_1000 = tpu.vector_load %arg5[%get3A_999] {strides = array<i32>} : memref<13312xf32, #tpu.memory_space<vmem>>, vector<16xf32>,
        %mul3A_1001 = vector.broadcast %squeeze3A_989 : f32 to vector<16xf32>
        %mul3A_1002 = arith.mulf %mul3A_1001, %get3A_1000 : vector<16xf32>
        %add3A_1003 = arith.addf %add3A_973, %mul3A_1002 : vector<16xf32>
        %add3A_1004 = arith.constant 32 : i32
        %add3A_1005 = arith.addi %add3A_991, %add3A_1004 : i32
        %get3A_1006 = arith.index_cast %add3A_1005 : i32 to index
        %get3A_1007 = tpu.vector_load %arg5[%get3A_1006] {strides = array<i32>} : memref<13312xf32, #tpu.memory_space<vmem>>, vector<16xf32>,
        %mul3A_1008 = vector.broadcast %squeeze3A_989 : f32 to vector<16xf32>
        %mul3A_1009 = arith.mulf %mul3A_1008, %get3A_1007 : vector<16xf32>
        %add3A_1010 = arith.addf %add3A_980, %mul3A_1009 : vector<16xf32>
        %add3A_1011 = arith.constant 48 : i32
        %add3A_1012 = arith.addi %add3A_991, %add3A_1011 : i32
        %get3A_1013 = arith.index_cast %add3A_1012 : i32 to index
        %get3A_1014 = tpu.vector_load %arg5[%get3A_1013] {strides = array<i32>} : memref<13312xf32, #tpu.memory_space<vmem>>, vector<16xf32>,
        %mul3A_1015 = vector.broadcast %squeeze3A_989 : f32 to vector<16xf32>
        %mul3A_1016 = arith.mulf %mul3A_1015, %get3A_1014 : vector<16xf32>
        %add3A_1017 = arith.addf %add3A_987, %mul3A_1016 : vector<16xf32>
        %slice3A_1018 = vector.extract_strided_slice %get3A_777 {offsets = [8], sizes = [1], strides = [1]} : vector<16xf32> to vector<1xf32>
        %squeeze3A_1019 = vector.extract %slice3A_1018[0] : f32 from vector<1xf32>
        %add3A_1020 = arith.constant 512 : i32
        %add3A_1021 = arith.addi %mul3A_779, %add3A_1020 : i32
        %get3A_1022 = arith.index_cast %add3A_1021 : i32 to index
        %get3A_1023 = tpu.vector_load %arg5[%get3A_1022] {strides = array<i32>} : memref<13312xf32, #tpu.memory_space<vmem>>, vector<16xf32>,
        %mul3A_1024 = vector.broadcast %squeeze3A_1019 : f32 to vector<16xf32>
        %mul3A_1025 = arith.mulf %mul3A_1024, %get3A_1023 : vector<16xf32>
        %add3A_1026 = arith.addf %add3A_996, %mul3A_1025 : vector<16xf32>
        %add3A_1027 = arith.constant 16 : i32
        %add3A_1028 = arith.addi %add3A_1021, %add3A_1027 : i32
        %get3A_1029 = arith.index_cast %add3A_1028 : i32 to index
        %get3A_1030 = tpu.vector_load %arg5[%get3A_1029] {strides = array<i32>} : memref<13312xf32, #tpu.memory_space<vmem>>, vector<16xf32>,
        %mul3A_1031 = vector.broadcast %squeeze3A_1019 : f32 to vector<16xf32>
        %mul3A_1032 = arith.mulf %mul3A_1031, %get3A_1030 : vector<16xf32>
        %add3A_1033 = arith.addf %add3A_1003, %mul3A_1032 : vector<16xf32>
        %add3A_1034 = arith.constant 32 : i32
        %add3A_1035 = arith.addi %add3A_1021, %add3A_1034 : i32
        %get3A_1036 = arith.index_cast %add3A_1035 : i32 to index
        %get3A_1037 = tpu.vector_load %arg5[%get3A_1036] {strides = array<i32>} : memref<13312xf32, #tpu.memory_space<vmem>>, vector<16xf32>,
        %mul3A_1038 = vector.broadcast %squeeze3A_1019 : f32 to vector<16xf32>
        %mul3A_1039 = arith.mulf %mul3A_1038, %get3A_1037 : vector<16xf32>
        %add3A_1040 = arith.addf %add3A_1010, %mul3A_1039 : vector<16xf32>
        %add3A_1041 = arith.constant 48 : i32
        %add3A_1042 = arith.addi %add3A_1021, %add3A_1041 : i32
        %get3A_1043 = arith.index_cast %add3A_1042 : i32 to index
        %get3A_1044 = tpu.vector_load %arg5[%get3A_1043] {strides = array<i32>} : memref<13312xf32, #tpu.memory_space<vmem>>, vector<16xf32>,
        %mul3A_1045 = vector.broadcast %squeeze3A_1019 : f32 to vector<16xf32>
        %mul3A_1046 = arith.mulf %mul3A_1045, %get3A_1044 : vector<16xf32>
        %add3A_1047 = arith.addf %add3A_1017, %mul3A_1046 : vector<16xf32>
        %slice3A_1048 = vector.extract_strided_slice %get3A_777 {offsets = [9], sizes = [1], strides = [1]} : vector<16xf32> to vector<1xf32>
        %squeeze3A_1049 = vector.extract %slice3A_1048[0] : f32 from vector<1xf32>
        %add3A_1050 = arith.constant 576 : i32
        %add3A_1051 = arith.addi %mul3A_779, %add3A_1050 : i32
        %get3A_1052 = arith.index_cast %add3A_1051 : i32 to index
        %get3A_1053 = tpu.vector_load %arg5[%get3A_1052] {strides = array<i32>} : memref<13312xf32, #tpu.memory_space<vmem>>, vector<16xf32>,
        %mul3A_1054 = vector.broadcast %squeeze3A_1049 : f32 to vector<16xf32>
        %mul3A_1055 = arith.mulf %mul3A_1054, %get3A_1053 : vector<16xf32>
        %add3A_1056 = arith.addf %add3A_1026, %mul3A_1055 : vector<16xf32>
        %add3A_1057 = arith.constant 16 : i32
        %add3A_1058 = arith.addi %add3A_1051, %add3A_1057 : i32
        %get3A_1059 = arith.index_cast %add3A_1058 : i32 to index
        %get3A_1060 = tpu.vector_load %arg5[%get3A_1059] {strides = array<i32>} : memref<13312xf32, #tpu.memory_space<vmem>>, vector<16xf32>,
        %mul3A_1061 = vector.broadcast %squeeze3A_1049 : f32 to vector<16xf32>
        %mul3A_1062 = arith.mulf %mul3A_1061, %get3A_1060 : vector<16xf32>
        %add3A_1063 = arith.addf %add3A_1033, %mul3A_1062 : vector<16xf32>
        %add3A_1064 = arith.constant 32 : i32
        %add3A_1065 = arith.addi %add3A_1051, %add3A_1064 : i32
        %get3A_1066 = arith.index_cast %add3A_1065 : i32 to index
        %get3A_1067 = tpu.vector_load %arg5[%get3A_1066] {strides = array<i32>} : memref<13312xf32, #tpu.memory_space<vmem>>, vector<16xf32>,
        %mul3A_1068 = vector.broadcast %squeeze3A_1049 : f32 to vector<16xf32>
        %mul3A_1069 = arith.mulf %mul3A_1068, %get3A_1067 : vector<16xf32>
        %add3A_1070 = arith.addf %add3A_1040, %mul3A_1069 : vector<16xf32>
        %add3A_1071 = arith.constant 48 : i32
        %add3A_1072 = arith.addi %add3A_1051, %add3A_1071 : i32
        %get3A_1073 = arith.index_cast %add3A_1072 : i32 to index
        %get3A_1074 = tpu.vector_load %arg5[%get3A_1073] {strides = array<i32>} : memref<13312xf32, #tpu.memory_space<vmem>>, vector<16xf32>,
        %mul3A_1075 = vector.broadcast %squeeze3A_1049 : f32 to vector<16xf32>
        %mul3A_1076 = arith.mulf %mul3A_1075, %get3A_1074 : vector<16xf32>
        %add3A_1077 = arith.addf %add3A_1047, %mul3A_1076 : vector<16xf32>
        %slice3A_1078 = vector.extract_strided_slice %get3A_777 {offsets = [10], sizes = [1], strides = [1]} : vector<16xf32> to vector<1xf32>
        %squeeze3A_1079 = vector.extract %slice3A_1078[0] : f32 from vector<1xf32>
        %add3A_1080 = arith.constant 640 : i32
        %add3A_1081 = arith.addi %mul3A_779, %add3A_1080 : i32
        %get3A_1082 = arith.index_cast %add3A_1081 : i32 to index
        %get3A_1083 = tpu.vector_load %arg5[%get3A_1082] {strides = array<i32>} : memref<13312xf32, #tpu.memory_space<vmem>>, vector<16xf32>,
        %mul3A_1084 = vector.broadcast %squeeze3A_1079 : f32 to vector<16xf32>
        %mul3A_1085 = arith.mulf %mul3A_1084, %get3A_1083 : vector<16xf32>
        %add3A_1086 = arith.addf %add3A_1056, %mul3A_1085 : vector<16xf32>
        %add3A_1087 = arith.constant 16 : i32
        %add3A_1088 = arith.addi %add3A_1081, %add3A_1087 : i32
        %get3A_1089 = arith.index_cast %add3A_1088 : i32 to index
        %get3A_1090 = tpu.vector_load %arg5[%get3A_1089] {strides = array<i32>} : memref<13312xf32, #tpu.memory_space<vmem>>, vector<16xf32>,
        %mul3A_1091 = vector.broadcast %squeeze3A_1079 : f32 to vector<16xf32>
        %mul3A_1092 = arith.mulf %mul3A_1091, %get3A_1090 : vector<16xf32>
        %add3A_1093 = arith.addf %add3A_1063, %mul3A_1092 : vector<16xf32>
        %add3A_1094 = arith.constant 32 : i32
        %add3A_1095 = arith.addi %add3A_1081, %add3A_1094 : i32
        %get3A_1096 = arith.index_cast %add3A_1095 : i32 to index
        %get3A_1097 = tpu.vector_load %arg5[%get3A_1096] {strides = array<i32>} : memref<13312xf32, #tpu.memory_space<vmem>>, vector<16xf32>,
        %mul3A_1098 = vector.broadcast %squeeze3A_1079 : f32 to vector<16xf32>
        %mul3A_1099 = arith.mulf %mul3A_1098, %get3A_1097 : vector<16xf32>
        %add3A_1100 = arith.addf %add3A_1070, %mul3A_1099 : vector<16xf32>
        %add3A_1101 = arith.constant 48 : i32
        %add3A_1102 = arith.addi %add3A_1081, %add3A_1101 : i32
        %get3A_1103 = arith.index_cast %add3A_1102 : i32 to index
        %get3A_1104 = tpu.vector_load %arg5[%get3A_1103] {strides = array<i32>} : memref<13312xf32, #tpu.memory_space<vmem>>, vector<16xf32>,
        %mul3A_1105 = vector.broadcast %squeeze3A_1079 : f32 to vector<16xf32>
        %mul3A_1106 = arith.mulf %mul3A_1105, %get3A_1104 : vector<16xf32>
        %add3A_1107 = arith.addf %add3A_1077, %mul3A_1106 : vector<16xf32>
        %slice3A_1108 = vector.extract_strided_slice %get3A_777 {offsets = [11], sizes = [1], strides = [1]} : vector<16xf32> to vector<1xf32>
        %squeeze3A_1109 = vector.extract %slice3A_1108[0] : f32 from vector<1xf32>
        %add3A_1110 = arith.constant 704 : i32
        %add3A_1111 = arith.addi %mul3A_779, %add3A_1110 : i32
        %get3A_1112 = arith.index_cast %add3A_1111 : i32 to index
        %get3A_1113 = tpu.vector_load %arg5[%get3A_1112] {strides = array<i32>} : memref<13312xf32, #tpu.memory_space<vmem>>, vector<16xf32>,
        %mul3A_1114 = vector.broadcast %squeeze3A_1109 : f32 to vector<16xf32>
        %mul3A_1115 = arith.mulf %mul3A_1114, %get3A_1113 : vector<16xf32>
        %add3A_1116 = arith.addf %add3A_1086, %mul3A_1115 : vector<16xf32>
        %add3A_1117 = arith.constant 16 : i32
        %add3A_1118 = arith.addi %add3A_1111, %add3A_1117 : i32
        %get3A_1119 = arith.index_cast %add3A_1118 : i32 to index
        %get3A_1120 = tpu.vector_load %arg5[%get3A_1119] {strides = array<i32>} : memref<13312xf32, #tpu.memory_space<vmem>>, vector<16xf32>,
        %mul3A_1121 = vector.broadcast %squeeze3A_1109 : f32 to vector<16xf32>
        %mul3A_1122 = arith.mulf %mul3A_1121, %get3A_1120 : vector<16xf32>
        %add3A_1123 = arith.addf %add3A_1093, %mul3A_1122 : vector<16xf32>
        %add3A_1124 = arith.constant 32 : i32
        %add3A_1125 = arith.addi %add3A_1111, %add3A_1124 : i32
        %get3A_1126 = arith.index_cast %add3A_1125 : i32 to index
        %get3A_1127 = tpu.vector_load %arg5[%get3A_1126] {strides = array<i32>} : memref<13312xf32, #tpu.memory_space<vmem>>, vector<16xf32>,
        %mul3A_1128 = vector.broadcast %squeeze3A_1109 : f32 to vector<16xf32>
        %mul3A_1129 = arith.mulf %mul3A_1128, %get3A_1127 : vector<16xf32>
        %add3A_1130 = arith.addf %add3A_1100, %mul3A_1129 : vector<16xf32>
        %add3A_1131 = arith.constant 48 : i32
        %add3A_1132 = arith.addi %add3A_1111, %add3A_1131 : i32
        %get3A_1133 = arith.index_cast %add3A_1132 : i32 to index
        %get3A_1134 = tpu.vector_load %arg5[%get3A_1133] {strides = array<i32>} : memref<13312xf32, #tpu.memory_space<vmem>>, vector<16xf32>,
        %mul3A_1135 = vector.broadcast %squeeze3A_1109 : f32 to vector<16xf32>
        %mul3A_1136 = arith.mulf %mul3A_1135, %get3A_1134 : vector<16xf32>
        %add3A_1137 = arith.addf %add3A_1107, %mul3A_1136 : vector<16xf32>
        %slice3A_1138 = vector.extract_strided_slice %get3A_777 {offsets = [12], sizes = [1], strides = [1]} : vector<16xf32> to vector<1xf32>
        %squeeze3A_1139 = vector.extract %slice3A_1138[0] : f32 from vector<1xf32>
        %add3A_1140 = arith.constant 768 : i32
        %add3A_1141 = arith.addi %mul3A_779, %add3A_1140 : i32
        %get3A_1142 = arith.index_cast %add3A_1141 : i32 to index
        %get3A_1143 = tpu.vector_load %arg5[%get3A_1142] {strides = array<i32>} : memref<13312xf32, #tpu.memory_space<vmem>>, vector<16xf32>,
        %mul3A_1144 = vector.broadcast %squeeze3A_1139 : f32 to vector<16xf32>
        %mul3A_1145 = arith.mulf %mul3A_1144, %get3A_1143 : vector<16xf32>
        %add3A_1146 = arith.addf %add3A_1116, %mul3A_1145 : vector<16xf32>
        %add3A_1147 = arith.constant 16 : i32
        %add3A_1148 = arith.addi %add3A_1141, %add3A_1147 : i32
        %get3A_1149 = arith.index_cast %add3A_1148 : i32 to index
        %get3A_1150 = tpu.vector_load %arg5[%get3A_1149] {strides = array<i32>} : memref<13312xf32, #tpu.memory_space<vmem>>, vector<16xf32>,
        %mul3A_1151 = vector.broadcast %squeeze3A_1139 : f32 to vector<16xf32>
        %mul3A_1152 = arith.mulf %mul3A_1151, %get3A_1150 : vector<16xf32>
        %add3A_1153 = arith.addf %add3A_1123, %mul3A_1152 : vector<16xf32>
        %add3A_1154 = arith.constant 32 : i32
        %add3A_1155 = arith.addi %add3A_1141, %add3A_1154 : i32
        %get3A_1156 = arith.index_cast %add3A_1155 : i32 to index
        %get3A_1157 = tpu.vector_load %arg5[%get3A_1156] {strides = array<i32>} : memref<13312xf32, #tpu.memory_space<vmem>>, vector<16xf32>,
        %mul3A_1158 = vector.broadcast %squeeze3A_1139 : f32 to vector<16xf32>
        %mul3A_1159 = arith.mulf %mul3A_1158, %get3A_1157 : vector<16xf32>
        %add3A_1160 = arith.addf %add3A_1130, %mul3A_1159 : vector<16xf32>
        %add3A_1161 = arith.constant 48 : i32
        %add3A_1162 = arith.addi %add3A_1141, %add3A_1161 : i32
        %get3A_1163 = arith.index_cast %add3A_1162 : i32 to index
        %get3A_1164 = tpu.vector_load %arg5[%get3A_1163] {strides = array<i32>} : memref<13312xf32, #tpu.memory_space<vmem>>, vector<16xf32>,
        %mul3A_1165 = vector.broadcast %squeeze3A_1139 : f32 to vector<16xf32>
        %mul3A_1166 = arith.mulf %mul3A_1165, %get3A_1164 : vector<16xf32>
        %add3A_1167 = arith.addf %add3A_1137, %mul3A_1166 : vector<16xf32>
        %slice3A_1168 = vector.extract_strided_slice %get3A_777 {offsets = [13], sizes = [1], strides = [1]} : vector<16xf32> to vector<1xf32>
        %squeeze3A_1169 = vector.extract %slice3A_1168[0] : f32 from vector<1xf32>
        %add3A_1170 = arith.constant 832 : i32
        %add3A_1171 = arith.addi %mul3A_779, %add3A_1170 : i32
        %get3A_1172 = arith.index_cast %add3A_1171 : i32 to index
        %get3A_1173 = tpu.vector_load %arg5[%get3A_1172] {strides = array<i32>} : memref<13312xf32, #tpu.memory_space<vmem>>, vector<16xf32>,
        %mul3A_1174 = vector.broadcast %squeeze3A_1169 : f32 to vector<16xf32>
        %mul3A_1175 = arith.mulf %mul3A_1174, %get3A_1173 : vector<16xf32>
        %add3A_1176 = arith.addf %add3A_1146, %mul3A_1175 : vector<16xf32>
        %add3A_1177 = arith.constant 16 : i32
        %add3A_1178 = arith.addi %add3A_1171, %add3A_1177 : i32
        %get3A_1179 = arith.index_cast %add3A_1178 : i32 to index
        %get3A_1180 = tpu.vector_load %arg5[%get3A_1179] {strides = array<i32>} : memref<13312xf32, #tpu.memory_space<vmem>>, vector<16xf32>,
        %mul3A_1181 = vector.broadcast %squeeze3A_1169 : f32 to vector<16xf32>
        %mul3A_1182 = arith.mulf %mul3A_1181, %get3A_1180 : vector<16xf32>
        %add3A_1183 = arith.addf %add3A_1153, %mul3A_1182 : vector<16xf32>
        %add3A_1184 = arith.constant 32 : i32
        %add3A_1185 = arith.addi %add3A_1171, %add3A_1184 : i32
        %get3A_1186 = arith.index_cast %add3A_1185 : i32 to index
        %get3A_1187 = tpu.vector_load %arg5[%get3A_1186] {strides = array<i32>} : memref<13312xf32, #tpu.memory_space<vmem>>, vector<16xf32>,
        %mul3A_1188 = vector.broadcast %squeeze3A_1169 : f32 to vector<16xf32>
        %mul3A_1189 = arith.mulf %mul3A_1188, %get3A_1187 : vector<16xf32>
        %add3A_1190 = arith.addf %add3A_1160, %mul3A_1189 : vector<16xf32>
        %add3A_1191 = arith.constant 48 : i32
        %add3A_1192 = arith.addi %add3A_1171, %add3A_1191 : i32
        %get3A_1193 = arith.index_cast %add3A_1192 : i32 to index
        %get3A_1194 = tpu.vector_load %arg5[%get3A_1193] {strides = array<i32>} : memref<13312xf32, #tpu.memory_space<vmem>>, vector<16xf32>,
        %mul3A_1195 = vector.broadcast %squeeze3A_1169 : f32 to vector<16xf32>
        %mul3A_1196 = arith.mulf %mul3A_1195, %get3A_1194 : vector<16xf32>
        %add3A_1197 = arith.addf %add3A_1167, %mul3A_1196 : vector<16xf32>
        %slice3A_1198 = vector.extract_strided_slice %get3A_777 {offsets = [14], sizes = [1], strides = [1]} : vector<16xf32> to vector<1xf32>
        %squeeze3A_1199 = vector.extract %slice3A_1198[0] : f32 from vector<1xf32>
        %add3A_1200 = arith.constant 896 : i32
        %add3A_1201 = arith.addi %mul3A_779, %add3A_1200 : i32
        %get3A_1202 = arith.index_cast %add3A_1201 : i32 to index
        %get3A_1203 = tpu.vector_load %arg5[%get3A_1202] {strides = array<i32>} : memref<13312xf32, #tpu.memory_space<vmem>>, vector<16xf32>,
        %mul3A_1204 = vector.broadcast %squeeze3A_1199 : f32 to vector<16xf32>
        %mul3A_1205 = arith.mulf %mul3A_1204, %get3A_1203 : vector<16xf32>
        %add3A_1206 = arith.addf %add3A_1176, %mul3A_1205 : vector<16xf32>
        %add3A_1207 = arith.constant 16 : i32
        %add3A_1208 = arith.addi %add3A_1201, %add3A_1207 : i32
        %get3A_1209 = arith.index_cast %add3A_1208 : i32 to index
        %get3A_1210 = tpu.vector_load %arg5[%get3A_1209] {strides = array<i32>} : memref<13312xf32, #tpu.memory_space<vmem>>, vector<16xf32>,
        %mul3A_1211 = vector.broadcast %squeeze3A_1199 : f32 to vector<16xf32>
        %mul3A_1212 = arith.mulf %mul3A_1211, %get3A_1210 : vector<16xf32>
        %add3A_1213 = arith.addf %add3A_1183, %mul3A_1212 : vector<16xf32>
        %add3A_1214 = arith.constant 32 : i32
        %add3A_1215 = arith.addi %add3A_1201, %add3A_1214 : i32
        %get3A_1216 = arith.index_cast %add3A_1215 : i32 to index
        %get3A_1217 = tpu.vector_load %arg5[%get3A_1216] {strides = array<i32>} : memref<13312xf32, #tpu.memory_space<vmem>>, vector<16xf32>,
        %mul3A_1218 = vector.broadcast %squeeze3A_1199 : f32 to vector<16xf32>
        %mul3A_1219 = arith.mulf %mul3A_1218, %get3A_1217 : vector<16xf32>
        %add3A_1220 = arith.addf %add3A_1190, %mul3A_1219 : vector<16xf32>
        %add3A_1221 = arith.constant 48 : i32
        %add3A_1222 = arith.addi %add3A_1201, %add3A_1221 : i32
        %get3A_1223 = arith.index_cast %add3A_1222 : i32 to index
        %get3A_1224 = tpu.vector_load %arg5[%get3A_1223] {strides = array<i32>} : memref<13312xf32, #tpu.memory_space<vmem>>, vector<16xf32>,
        %mul3A_1225 = vector.broadcast %squeeze3A_1199 : f32 to vector<16xf32>
        %mul3A_1226 = arith.mulf %mul3A_1225, %get3A_1224 : vector<16xf32>
        %add3A_1227 = arith.addf %add3A_1197, %mul3A_1226 : vector<16xf32>
        %slice3A_1228 = vector.extract_strided_slice %get3A_777 {offsets = [15], sizes = [1], strides = [1]} : vector<16xf32> to vector<1xf32>
        %squeeze3A_1229 = vector.extract %slice3A_1228[0] : f32 from vector<1xf32>
        %add3A_1230 = arith.constant 960 : i32
        %add3A_1231 = arith.addi %mul3A_779, %add3A_1230 : i32
        %get3A_1232 = arith.index_cast %add3A_1231 : i32 to index
        %get3A_1233 = tpu.vector_load %arg5[%get3A_1232] {strides = array<i32>} : memref<13312xf32, #tpu.memory_space<vmem>>, vector<16xf32>,
        %mul3A_1234 = vector.broadcast %squeeze3A_1229 : f32 to vector<16xf32>
        %mul3A_1235 = arith.mulf %mul3A_1234, %get3A_1233 : vector<16xf32>
        %add3A_1236 = arith.addf %add3A_1206, %mul3A_1235 : vector<16xf32>
        %add3A_1237 = arith.constant 16 : i32
        %add3A_1238 = arith.addi %add3A_1231, %add3A_1237 : i32
        %get3A_1239 = arith.index_cast %add3A_1238 : i32 to index
        %get3A_1240 = tpu.vector_load %arg5[%get3A_1239] {strides = array<i32>} : memref<13312xf32, #tpu.memory_space<vmem>>, vector<16xf32>,
        %mul3A_1241 = vector.broadcast %squeeze3A_1229 : f32 to vector<16xf32>
        %mul3A_1242 = arith.mulf %mul3A_1241, %get3A_1240 : vector<16xf32>
        %add3A_1243 = arith.addf %add3A_1213, %mul3A_1242 : vector<16xf32>
        %add3A_1244 = arith.constant 32 : i32
        %add3A_1245 = arith.addi %add3A_1231, %add3A_1244 : i32
        %get3A_1246 = arith.index_cast %add3A_1245 : i32 to index
        %get3A_1247 = tpu.vector_load %arg5[%get3A_1246] {strides = array<i32>} : memref<13312xf32, #tpu.memory_space<vmem>>, vector<16xf32>,
        %mul3A_1248 = vector.broadcast %squeeze3A_1229 : f32 to vector<16xf32>
        %mul3A_1249 = arith.mulf %mul3A_1248, %get3A_1247 : vector<16xf32>
        %add3A_1250 = arith.addf %add3A_1220, %mul3A_1249 : vector<16xf32>
        %add3A_1251 = arith.constant 48 : i32
        %add3A_1252 = arith.addi %add3A_1231, %add3A_1251 : i32
        %get3A_1253 = arith.index_cast %add3A_1252 : i32 to index
        %get3A_1254 = tpu.vector_load %arg5[%get3A_1253] {strides = array<i32>} : memref<13312xf32, #tpu.memory_space<vmem>>, vector<16xf32>,
        %mul3A_1255 = vector.broadcast %squeeze3A_1229 : f32 to vector<16xf32>
        %mul3A_1256 = arith.mulf %mul3A_1255, %get3A_1254 : vector<16xf32>
        %add3A_1257 = arith.addf %add3A_1227, %mul3A_1256 : vector<16xf32>
        scf.yield %add3A_1236, %add3A_1243, %add3A_1250, %add3A_1257 : vector<16xf32>, vector<16xf32>, vector<16xf32>, vector<16xf32>
      }
      %scan3A_423 = arith.constant 13 : i32
      %mul3A_424 = arith.constant 64 : i32
      %mul3A_425 = arith.muli %select_n3A_195, %mul3A_424 : i32
      %mul3A_426 = arith.mulf %scan3A_422#0, %div3A : vector<16xf32>
      %swap3A_427 = arith.index_cast %mul3A_425 : i32 to index
      %swap3A_428 = tpu.vector_load %arg9[%swap3A_427] {strides = array<i32>} : memref<1024xf32, #tpu.memory_space<vmem>>, vector<16xf32>,
      tpu.vector_store %arg9[%swap3A_427], %mul3A_426 {strides = array<i32>} : memref<1024xf32, #tpu.memory_space<vmem>>, vector<16xf32>,
      %mul3A_429 = arith.mulf %scan3A_422#1, %div3A : vector<16xf32>
      %add3A_430 = arith.constant 16 : i32
      %add3A_431 = arith.addi %mul3A_425, %add3A_430 : i32
      %swap3A_432 = arith.index_cast %add3A_431 : i32 to index
      %swap3A_433 = tpu.vector_load %arg9[%swap3A_432] {strides = array<i32>} : memref<1024xf32, #tpu.memory_space<vmem>>, vector<16xf32>,
      tpu.vector_store %arg9[%swap3A_432], %mul3A_429 {strides = array<i32>} : memref<1024xf32, #tpu.memory_space<vmem>>, vector<16xf32>,
      %mul3A_434 = arith.mulf %scan3A_422#2, %div3A : vector<16xf32>
      %add3A_435 = arith.constant 32 : i32
      %add3A_436 = arith.addi %mul3A_425, %add3A_435 : i32
      %swap3A_437 = arith.index_cast %add3A_436 : i32 to index
      %swap3A_438 = tpu.vector_load %arg9[%swap3A_437] {strides = array<i32>} : memref<1024xf32, #tpu.memory_space<vmem>>, vector<16xf32>,
      tpu.vector_store %arg9[%swap3A_437], %mul3A_434 {strides = array<i32>} : memref<1024xf32, #tpu.memory_space<vmem>>, vector<16xf32>,
      %mul3A_439 = arith.mulf %scan3A_422#3, %div3A : vector<16xf32>
      %add3A_440 = arith.constant 48 : i32
      %add3A_441 = arith.addi %mul3A_425, %add3A_440 : i32
      %swap3A_442 = arith.index_cast %add3A_441 : i32 to index
      %swap3A_443 = tpu.vector_load %arg9[%swap3A_442] {strides = array<i32>} : memref<1024xf32, #tpu.memory_space<vmem>>, vector<16xf32>,
      tpu.vector_store %arg9[%swap3A_442], %mul3A_439 {strides = array<i32>} : memref<1024xf32, #tpu.memory_space<vmem>>, vector<16xf32>,
      %add3A_444 = arith.constant 2 : i32
      %add3A_445 = arith.addi %add3A_162, %add3A_444 : i32
      %add3A_446 = arith.constant 128 : i32
      %add3A_447 = arith.addi %mul3A_2, %add3A_446 : i32
      %sub3A_448 = arith.constant 1 : i32
      %sub3A_449 = arith.subi %add3A_447, %sub3A_448 : i32
      %min3A = arith.minsi %add3A_445, %sub3A_449 : i32
      %dma_start3A_450 = arith.constant 0 : i32
      %dma_start3A_451 = tpu.memref_slice %arg5[%dma_start3A_450] : memref<13312xf32, #tpu.memory_space<vmem>> -> memref<12800xf32, #tpu.memory_space<vmem>>
      %dma_start3A_452 = arith.constant 0 : i32
      %dma_start3A_453 = tpu.memref_slice %arg2[%min3A, %dma_start3A_452] : memref<4096x12800xf32, #tpu.memory_space<hbm>> -> memref<1x12800xf32, #tpu.memory_space<hbm>>
      %dma_start3A_454 = tpu.memref_squeeze %dma_start3A_453 : memref<1x12800xf32, #tpu.memory_space<hbm>> -> memref<12800xf32, #tpu.memory_space<hbm>>
      %dma_start3A_455 = arith.constant 0 : i32
      %dma_start3A_456 = tpu.memref_slice %arg5[%dma_start3A_455] : memref<13312xf32, #tpu.memory_space<vmem>> -> memref<12800xf32, #tpu.memory_space<vmem>>
      %dma_start3A_457 = arith.constant 0 : i32
      %dma_start3A_458 = tpu.memref_slice %arg2[%min3A, %dma_start3A_457] : memref<4096x12800xf32, #tpu.memory_space<hbm>> -> memref<1x12800xf32, #tpu.memory_space<hbm>>
      %dma_start3A_459 = tpu.memref_squeeze %dma_start3A_458 : memref<1x12800xf32, #tpu.memory_space<hbm>> -> memref<12800xf32, #tpu.memory_space<hbm>>
      tpu.enqueue_dma source(%dma_start3A_459 : memref<12800xf32, #tpu.memory_space<hbm>>) target(%dma_start3A_456 : memref<12800xf32, #tpu.memory_space<vmem>>) target_semaphore(%arg11 : memref<!tpu.dma_semaphore, #tpu.memory_space<semaphore_mem>>)
      %add3A_460 = arith.constant 1 : i32
      %add3A_461 = arith.addi %add3A_162, %add3A_460 : i32
      %dma_wait3A_462 = arith.constant 0 : i32
      %dma_wait3A_463 = tpu.memref_slice %arg6[%dma_wait3A_462] : memref<13312xf32, #tpu.memory_space<vmem>> -> memref<12800xf32, #tpu.memory_space<vmem>>
      %dma_wait3A_464 = arith.constant 0 : i32
      %dma_wait3A_465 = tpu.memref_slice %arg2[%add3A_461, %dma_wait3A_464] : memref<4096x12800xf32, #tpu.memory_space<hbm>> -> memref<1x12800xf32, #tpu.memory_space<hbm>>
      %dma_wait3A_466 = tpu.memref_squeeze %dma_wait3A_465 : memref<1x12800xf32, #tpu.memory_space<hbm>> -> memref<12800xf32, #tpu.memory_space<hbm>>
      %dma_wait3A_467 = arith.constant 0 : i32
      %dma_wait3A_468 = tpu.memref_slice %arg6[%dma_wait3A_467] : memref<13312xf32, #tpu.memory_space<vmem>> -> memref<12800xf32, #tpu.memory_space<vmem>>
      %dma_wait3A_469 = arith.constant 0 : i32
      %dma_wait3A_470 = tpu.memref_slice %arg2[%add3A_461, %dma_wait3A_469] : memref<4096x12800xf32, #tpu.memory_space<hbm>> -> memref<1x12800xf32, #tpu.memory_space<hbm>>
      %dma_wait3A_471 = tpu.memref_squeeze %dma_wait3A_470 : memref<1x12800xf32, #tpu.memory_space<hbm>> -> memref<12800xf32, #tpu.memory_space<hbm>>
      tpu.wait_dma2 semaphore(%arg12 : memref<!tpu.dma_semaphore, #tpu.memory_space<semaphore_mem>>) src(%dma_wait3A_471 : memref<12800xf32, #tpu.memory_space<hbm>>) dst(%dma_wait3A_468 : memref<12800xf32, #tpu.memory_space<vmem>>)
      %mul3A_472 = arith.constant 2 : i32
      %mul3A_473 = arith.muli %scan3A_158, %mul3A_472 : i32
      %add3A_474 = arith.constant 1 : i32
      %add3A_475 = arith.addi %mul3A_473, %add3A_474 : i32
      %jit3A_476 = arith.constant 16 : i32
      %eq3A_477 = arith.constant 0 : i32
      %eq3A_478 = arith.cmpi eq, %jit3A_476, %eq3A_477 : i32
      %jit3A_479 = arith.constant 1 : i32
      %select_n3A_480 = arith.select %eq3A_478, %jit3A_479, %jit3A_476 : i32
      %rem3A_481 = arith.remsi %add3A_475, %select_n3A_480 : i32
      %ne3A_482 = arith.constant 0 : i32
      %ne3A_483 = arith.cmpi ne, %rem3A_481, %ne3A_482 : i32
      %lt3A_484 = arith.constant 0 : i32
      %lt3A_485 = arith.cmpi slt, %rem3A_481, %lt3A_484 : i32
      %lt3A_486 = arith.constant 0 : i32
      %lt3A_487 = arith.cmpi slt, %select_n3A_480, %lt3A_486 : i32
      %ne3A_488 = arith.xori %lt3A_485, %lt3A_487 : i1
      %and3A_489 = arith.andi %ne3A_488, %ne3A_483 : i1
      %add3A_490 = arith.addi %rem3A_481, %select_n3A_480 : i32
      %select_n3A_491 = arith.select %and3A_489, %add3A_490, %rem3A_481 : i32
      %get3A_492 = arith.constant 0 : index
      %get3A_493 = tpu.vector_load %arg7[%get3A_492] {strides = array<i32>} : memref<64xf32, #tpu.memory_space<vmem>>, vector<16xf32>,
      %get3A_494 = arith.constant 16 : index
      %get3A_495 = tpu.vector_load %arg7[%get3A_494] {strides = array<i32>} : memref<64xf32, #tpu.memory_space<vmem>>, vector<16xf32>,
      %get3A_496 = arith.constant 32 : index
      %get3A_497 = tpu.vector_load %arg7[%get3A_496] {strides = array<i32>} : memref<64xf32, #tpu.memory_space<vmem>>, vector<16xf32>,
      %get3A_498 = arith.constant 48 : index
      %get3A_499 = tpu.vector_load %arg7[%get3A_498] {strides = array<i32>} : memref<64xf32, #tpu.memory_space<vmem>>, vector<16xf32>,
      %iota3A_500 = tpu.iota {dimensions = array<i32: 0>} : vector<16xi32>
      %mul3A_501 = arith.constant 16 : i32
      %mul3A_502 = vector.broadcast %mul3A_501 : i32 to vector<16xi32>
      %mul3A_503 = arith.muli %iota3A_500, %mul3A_502 : vector<16xi32>
      %parallel_loop3A_504 = arith.constant 0 : i32
      %parallel_loop3A_505 = arith.constant 208 : i32
      %parallel_loop3A_506 = arith.constant 1 : i32
      scf.for %parallel_loop3A_769 = %parallel_loop3A_504 to %parallel_loop3A_505 step %parallel_loop3A_506  : i32 {
        %parallel_loop3A_770 = arith.constant 64 : i32
        %parallel_loop3A_771 = arith.muli %parallel_loop3A_769, %parallel_loop3A_770 : i32
        %parallel_loop3A_772 = arith.index_cast %parallel_loop3A_771 : i32 to index
        %parallel_loop3A_773 = tpu.vector_load %arg6[%parallel_loop3A_772] {strides = array<i32>} : memref<13312xf32, #tpu.memory_space<vmem>>, vector<16xf32>,
        %parallel_loop3A_774 = arith.mulf %parallel_loop3A_773, %get3A_493 : vector<16xf32>
        %parallel_loop3A_775 = arith.constant 16 : i32
        %parallel_loop3A_776 = arith.addi %parallel_loop3A_771, %parallel_loop3A_775 : i32
        %parallel_loop3A_777 = arith.index_cast %parallel_loop3A_776 : i32 to index
        %parallel_loop3A_778 = tpu.vector_load %arg6[%parallel_loop3A_777] {strides = array<i32>} : memref<13312xf32, #tpu.memory_space<vmem>>, vector<16xf32>,
        %parallel_loop3A_779 = arith.mulf %parallel_loop3A_778, %get3A_495 : vector<16xf32>
        %parallel_loop3A_780 = arith.addf %parallel_loop3A_774, %parallel_loop3A_779 : vector<16xf32>
        %parallel_loop3A_781 = arith.constant 32 : i32
        %parallel_loop3A_782 = arith.addi %parallel_loop3A_771, %parallel_loop3A_781 : i32
        %parallel_loop3A_783 = arith.index_cast %parallel_loop3A_782 : i32 to index
        %parallel_loop3A_784 = tpu.vector_load %arg6[%parallel_loop3A_783] {strides = array<i32>} : memref<13312xf32, #tpu.memory_space<vmem>>, vector<16xf32>,
        %parallel_loop3A_785 = arith.mulf %parallel_loop3A_784, %get3A_497 : vector<16xf32>
        %parallel_loop3A_786 = arith.addf %parallel_loop3A_780, %parallel_loop3A_785 : vector<16xf32>
        %parallel_loop3A_787 = arith.constant 48 : i32
        %parallel_loop3A_788 = arith.addi %parallel_loop3A_771, %parallel_loop3A_787 : i32
        %parallel_loop3A_789 = arith.index_cast %parallel_loop3A_788 : i32 to index
        %parallel_loop3A_790 = tpu.vector_load %arg6[%parallel_loop3A_789] {strides = array<i32>} : memref<13312xf32, #tpu.memory_space<vmem>>, vector<16xf32>,
        %parallel_loop3A_791 = arith.mulf %parallel_loop3A_790, %get3A_499 : vector<16xf32>
        %parallel_loop3A_792 = arith.addf %parallel_loop3A_786, %parallel_loop3A_791 : vector<16xf32>
        %parallel_loop3A_793 = arith.constant 16 : i32
        %parallel_loop3A_794 = arith.muli %parallel_loop3A_769, %parallel_loop3A_793 : i32
        %parallel_loop3A_795 = arith.index_cast %parallel_loop3A_794 : i32 to index
        %parallel_loop3A_796 = tpu.vector_load %arg10[%parallel_loop3A_795] {strides = array<i32>} : memref<3328xf32, #tpu.memory_space<vmem>>, vector<16xf32>,
        tpu.vector_store %arg10[%parallel_loop3A_795], %parallel_loop3A_792 {strides = array<i32>} : memref<3328xf32, #tpu.memory_space<vmem>>, vector<16xf32>,
      } {sc.loop_unroll_factor = 4 : i64, sc.parallel_access}
      %broadcast_in_dim3A_507 = arith.constant -1.000000e+30 : f32
      %broadcast_in_dim3A_508 = vector.broadcast %broadcast_in_dim3A_507 : f32 to vector<16xf32>
      %parallel_loop3A_509 = arith.constant 0 : i32
      %parallel_loop3A_510 = arith.constant 12 : i32
      %parallel_loop3A_511 = arith.constant 1 : i32
      %parallel_loop3A_512 = scf.for %parallel_loop3A_769 = %parallel_loop3A_509 to %parallel_loop3A_510 step %parallel_loop3A_511 iter_args(%parallel_loop3A_770 = %broadcast_in_dim3A_508) -> (vector<16xf32>)  : i32 {
        %parallel_loop3A_771 = arith.constant 256 : i32
        %parallel_loop3A_772 = arith.muli %parallel_loop3A_769, %parallel_loop3A_771 : i32
        %parallel_loop3A_773 = arith.constant 0 : i32
        %parallel_loop3A_774 = arith.addi %parallel_loop3A_772, %parallel_loop3A_773 : i32
        %parallel_loop3A_775 = vector.broadcast %parallel_loop3A_774 : i32 to vector<16xi32>
        %parallel_loop3A_776 = arith.addi %mul3A_503, %parallel_loop3A_775 : vector<16xi32>
        %parallel_loop3A_777 = tpu.vector_load_idx %arg10[%parallel_loop3A_776] : memref<3328xf32, #tpu.memory_space<vmem>>[vector<16xi32>], vector<16xf32>,
        %parallel_loop3A_778 = arith.constant 1 : i32
        %parallel_loop3A_779 = arith.addi %parallel_loop3A_772, %parallel_loop3A_778 : i32
        %parallel_loop3A_780 = vector.broadcast %parallel_loop3A_779 : i32 to vector<16xi32>
        %parallel_loop3A_781 = arith.addi %mul3A_503, %parallel_loop3A_780 : vector<16xi32>
        %parallel_loop3A_782 = tpu.vector_load_idx %arg10[%parallel_loop3A_781] : memref<3328xf32, #tpu.memory_space<vmem>>[vector<16xi32>], vector<16xf32>,
        %parallel_loop3A_783 = arith.constant 2 : i32
        %parallel_loop3A_784 = arith.addi %parallel_loop3A_772, %parallel_loop3A_783 : i32
        %parallel_loop3A_785 = vector.broadcast %parallel_loop3A_784 : i32 to vector<16xi32>
        %parallel_loop3A_786 = arith.addi %mul3A_503, %parallel_loop3A_785 : vector<16xi32>
        %parallel_loop3A_787 = tpu.vector_load_idx %arg10[%parallel_loop3A_786] : memref<3328xf32, #tpu.memory_space<vmem>>[vector<16xi32>], vector<16xf32>,
        %parallel_loop3A_788 = arith.constant 3 : i32
        %parallel_loop3A_789 = arith.addi %parallel_loop3A_772, %parallel_loop3A_788 : i32
        %parallel_loop3A_790 = vector.broadcast %parallel_loop3A_789 : i32 to vector<16xi32>
        %parallel_loop3A_791 = arith.addi %mul3A_503, %parallel_loop3A_790 : vector<16xi32>
        %parallel_loop3A_792 = tpu.vector_load_idx %arg10[%parallel_loop3A_791] : memref<3328xf32, #tpu.memory_space<vmem>>[vector<16xi32>], vector<16xf32>,
        %parallel_loop3A_793 = arith.constant 4 : i32
        %parallel_loop3A_794 = arith.addi %parallel_loop3A_772, %parallel_loop3A_793 : i32
        %parallel_loop3A_795 = vector.broadcast %parallel_loop3A_794 : i32 to vector<16xi32>
        %parallel_loop3A_796 = arith.addi %mul3A_503, %parallel_loop3A_795 : vector<16xi32>
        %parallel_loop3A_797 = tpu.vector_load_idx %arg10[%parallel_loop3A_796] : memref<3328xf32, #tpu.memory_space<vmem>>[vector<16xi32>], vector<16xf32>,
        %parallel_loop3A_798 = arith.constant 5 : i32
        %parallel_loop3A_799 = arith.addi %parallel_loop3A_772, %parallel_loop3A_798 : i32
        %parallel_loop3A_800 = vector.broadcast %parallel_loop3A_799 : i32 to vector<16xi32>
        %parallel_loop3A_801 = arith.addi %mul3A_503, %parallel_loop3A_800 : vector<16xi32>
        %parallel_loop3A_802 = tpu.vector_load_idx %arg10[%parallel_loop3A_801] : memref<3328xf32, #tpu.memory_space<vmem>>[vector<16xi32>], vector<16xf32>,
        %parallel_loop3A_803 = arith.constant 6 : i32
        %parallel_loop3A_804 = arith.addi %parallel_loop3A_772, %parallel_loop3A_803 : i32
        %parallel_loop3A_805 = vector.broadcast %parallel_loop3A_804 : i32 to vector<16xi32>
        %parallel_loop3A_806 = arith.addi %mul3A_503, %parallel_loop3A_805 : vector<16xi32>
        %parallel_loop3A_807 = tpu.vector_load_idx %arg10[%parallel_loop3A_806] : memref<3328xf32, #tpu.memory_space<vmem>>[vector<16xi32>], vector<16xf32>,
        %parallel_loop3A_808 = arith.constant 7 : i32
        %parallel_loop3A_809 = arith.addi %parallel_loop3A_772, %parallel_loop3A_808 : i32
        %parallel_loop3A_810 = vector.broadcast %parallel_loop3A_809 : i32 to vector<16xi32>
        %parallel_loop3A_811 = arith.addi %mul3A_503, %parallel_loop3A_810 : vector<16xi32>
        %parallel_loop3A_812 = tpu.vector_load_idx %arg10[%parallel_loop3A_811] : memref<3328xf32, #tpu.memory_space<vmem>>[vector<16xi32>], vector<16xf32>,
        %parallel_loop3A_813 = arith.constant 8 : i32
        %parallel_loop3A_814 = arith.addi %parallel_loop3A_772, %parallel_loop3A_813 : i32
        %parallel_loop3A_815 = vector.broadcast %parallel_loop3A_814 : i32 to vector<16xi32>
        %parallel_loop3A_816 = arith.addi %mul3A_503, %parallel_loop3A_815 : vector<16xi32>
        %parallel_loop3A_817 = tpu.vector_load_idx %arg10[%parallel_loop3A_816] : memref<3328xf32, #tpu.memory_space<vmem>>[vector<16xi32>], vector<16xf32>,
        %parallel_loop3A_818 = arith.constant 9 : i32
        %parallel_loop3A_819 = arith.addi %parallel_loop3A_772, %parallel_loop3A_818 : i32
        %parallel_loop3A_820 = vector.broadcast %parallel_loop3A_819 : i32 to vector<16xi32>
        %parallel_loop3A_821 = arith.addi %mul3A_503, %parallel_loop3A_820 : vector<16xi32>
        %parallel_loop3A_822 = tpu.vector_load_idx %arg10[%parallel_loop3A_821] : memref<3328xf32, #tpu.memory_space<vmem>>[vector<16xi32>], vector<16xf32>,
        %parallel_loop3A_823 = arith.constant 10 : i32
        %parallel_loop3A_824 = arith.addi %parallel_loop3A_772, %parallel_loop3A_823 : i32
        %parallel_loop3A_825 = vector.broadcast %parallel_loop3A_824 : i32 to vector<16xi32>
        %parallel_loop3A_826 = arith.addi %mul3A_503, %parallel_loop3A_825 : vector<16xi32>
        %parallel_loop3A_827 = tpu.vector_load_idx %arg10[%parallel_loop3A_826] : memref<3328xf32, #tpu.memory_space<vmem>>[vector<16xi32>], vector<16xf32>,
        %parallel_loop3A_828 = arith.constant 11 : i32
        %parallel_loop3A_829 = arith.addi %parallel_loop3A_772, %parallel_loop3A_828 : i32
        %parallel_loop3A_830 = vector.broadcast %parallel_loop3A_829 : i32 to vector<16xi32>
        %parallel_loop3A_831 = arith.addi %mul3A_503, %parallel_loop3A_830 : vector<16xi32>
        %parallel_loop3A_832 = tpu.vector_load_idx %arg10[%parallel_loop3A_831] : memref<3328xf32, #tpu.memory_space<vmem>>[vector<16xi32>], vector<16xf32>,
        %parallel_loop3A_833 = arith.constant 12 : i32
        %parallel_loop3A_834 = arith.addi %parallel_loop3A_772, %parallel_loop3A_833 : i32
        %parallel_loop3A_835 = vector.broadcast %parallel_loop3A_834 : i32 to vector<16xi32>
        %parallel_loop3A_836 = arith.addi %mul3A_503, %parallel_loop3A_835 : vector<16xi32>
        %parallel_loop3A_837 = tpu.vector_load_idx %arg10[%parallel_loop3A_836] : memref<3328xf32, #tpu.memory_space<vmem>>[vector<16xi32>], vector<16xf32>,
        %parallel_loop3A_838 = arith.constant 13 : i32
        %parallel_loop3A_839 = arith.addi %parallel_loop3A_772, %parallel_loop3A_838 : i32
        %parallel_loop3A_840 = vector.broadcast %parallel_loop3A_839 : i32 to vector<16xi32>
        %parallel_loop3A_841 = arith.addi %mul3A_503, %parallel_loop3A_840 : vector<16xi32>
        %parallel_loop3A_842 = tpu.vector_load_idx %arg10[%parallel_loop3A_841] : memref<3328xf32, #tpu.memory_space<vmem>>[vector<16xi32>], vector<16xf32>,
        %parallel_loop3A_843 = arith.constant 14 : i32
        %parallel_loop3A_844 = arith.addi %parallel_loop3A_772, %parallel_loop3A_843 : i32
        %parallel_loop3A_845 = vector.broadcast %parallel_loop3A_844 : i32 to vector<16xi32>
        %parallel_loop3A_846 = arith.addi %mul3A_503, %parallel_loop3A_845 : vector<16xi32>
        %parallel_loop3A_847 = tpu.vector_load_idx %arg10[%parallel_loop3A_846] : memref<3328xf32, #tpu.memory_space<vmem>>[vector<16xi32>], vector<16xf32>,
        %parallel_loop3A_848 = arith.constant 15 : i32
        %parallel_loop3A_849 = arith.addi %parallel_loop3A_772, %parallel_loop3A_848 : i32
        %parallel_loop3A_850 = vector.broadcast %parallel_loop3A_849 : i32 to vector<16xi32>
        %parallel_loop3A_851 = arith.addi %mul3A_503, %parallel_loop3A_850 : vector<16xi32>
        %parallel_loop3A_852 = tpu.vector_load_idx %arg10[%parallel_loop3A_851] : memref<3328xf32, #tpu.memory_space<vmem>>[vector<16xi32>], vector<16xf32>,
        %parallel_loop3A_853 = arith.addf %parallel_loop3A_777, %parallel_loop3A_782 : vector<16xf32>
        %parallel_loop3A_854 = arith.addf %parallel_loop3A_787, %parallel_loop3A_792 : vector<16xf32>
        %parallel_loop3A_855 = arith.addf %parallel_loop3A_797, %parallel_loop3A_802 : vector<16xf32>
        %parallel_loop3A_856 = arith.addf %parallel_loop3A_807, %parallel_loop3A_812 : vector<16xf32>
        %parallel_loop3A_857 = arith.addf %parallel_loop3A_817, %parallel_loop3A_822 : vector<16xf32>
        %parallel_loop3A_858 = arith.addf %parallel_loop3A_827, %parallel_loop3A_832 : vector<16xf32>
        %parallel_loop3A_859 = arith.addf %parallel_loop3A_837, %parallel_loop3A_842 : vector<16xf32>
        %parallel_loop3A_860 = arith.addf %parallel_loop3A_847, %parallel_loop3A_852 : vector<16xf32>
        %parallel_loop3A_861 = arith.addf %parallel_loop3A_853, %parallel_loop3A_854 : vector<16xf32>
        %parallel_loop3A_862 = arith.addf %parallel_loop3A_855, %parallel_loop3A_856 : vector<16xf32>
        %parallel_loop3A_863 = arith.addf %parallel_loop3A_857, %parallel_loop3A_858 : vector<16xf32>
        %parallel_loop3A_864 = arith.addf %parallel_loop3A_859, %parallel_loop3A_860 : vector<16xf32>
        %parallel_loop3A_865 = arith.addf %parallel_loop3A_861, %parallel_loop3A_862 : vector<16xf32>
        %parallel_loop3A_866 = arith.addf %parallel_loop3A_863, %parallel_loop3A_864 : vector<16xf32>
        %parallel_loop3A_867 = arith.addf %parallel_loop3A_865, %parallel_loop3A_866 : vector<16xf32>
        %parallel_loop3A_868 = arith.constant 16 : i32
        %parallel_loop3A_869 = arith.muli %parallel_loop3A_769, %parallel_loop3A_868 : i32
        %parallel_loop3A_870 = arith.index_cast %parallel_loop3A_869 : i32 to index
        %parallel_loop3A_871 = tpu.vector_load %arg8[%parallel_loop3A_870] {strides = array<i32>} : memref<208xf32, #tpu.memory_space<vmem>>, vector<16xf32>,
        tpu.vector_store %arg8[%parallel_loop3A_870], %parallel_loop3A_867 {strides = array<i32>} : memref<208xf32, #tpu.memory_space<vmem>>, vector<16xf32>,
        %parallel_loop3A_872 = arith.maximumf %parallel_loop3A_770, %parallel_loop3A_867 : vector<16xf32>
        scf.yield %parallel_loop3A_872 : vector<16xf32>
      } {sc.loop_unroll_factor = 2 : i64, sc.parallel_access}
      %add3A_513 = arith.constant 3072 : i32
      %add3A_514 = vector.broadcast %add3A_513 : i32 to vector<16xi32>
      %add3A_515 = arith.addi %mul3A_503, %add3A_514 : vector<16xi32>
      %gather3A_516 = tpu.vector_load_idx %arg10[%add3A_515] : memref<3328xf32, #tpu.memory_space<vmem>>[vector<16xi32>], vector<16xf32>,
      %add3A_517 = arith.constant 3073 : i32
      %add3A_518 = vector.broadcast %add3A_517 : i32 to vector<16xi32>
      %add3A_519 = arith.addi %mul3A_503, %add3A_518 : vector<16xi32>
      %gather3A_520 = tpu.vector_load_idx %arg10[%add3A_519] : memref<3328xf32, #tpu.memory_space<vmem>>[vector<16xi32>], vector<16xf32>,
      %add3A_521 = arith.constant 3074 : i32
      %add3A_522 = vector.broadcast %add3A_521 : i32 to vector<16xi32>
      %add3A_523 = arith.addi %mul3A_503, %add3A_522 : vector<16xi32>
      %gather3A_524 = tpu.vector_load_idx %arg10[%add3A_523] : memref<3328xf32, #tpu.memory_space<vmem>>[vector<16xi32>], vector<16xf32>,
      %add3A_525 = arith.constant 3075 : i32
      %add3A_526 = vector.broadcast %add3A_525 : i32 to vector<16xi32>
      %add3A_527 = arith.addi %mul3A_503, %add3A_526 : vector<16xi32>
      %gather3A_528 = tpu.vector_load_idx %arg10[%add3A_527] : memref<3328xf32, #tpu.memory_space<vmem>>[vector<16xi32>], vector<16xf32>,
      %add3A_529 = arith.constant 3076 : i32
      %add3A_530 = vector.broadcast %add3A_529 : i32 to vector<16xi32>
      %add3A_531 = arith.addi %mul3A_503, %add3A_530 : vector<16xi32>
      %gather3A_532 = tpu.vector_load_idx %arg10[%add3A_531] : memref<3328xf32, #tpu.memory_space<vmem>>[vector<16xi32>], vector<16xf32>,
      %add3A_533 = arith.constant 3077 : i32
      %add3A_534 = vector.broadcast %add3A_533 : i32 to vector<16xi32>
      %add3A_535 = arith.addi %mul3A_503, %add3A_534 : vector<16xi32>
      %gather3A_536 = tpu.vector_load_idx %arg10[%add3A_535] : memref<3328xf32, #tpu.memory_space<vmem>>[vector<16xi32>], vector<16xf32>,
      %add3A_537 = arith.constant 3078 : i32
      %add3A_538 = vector.broadcast %add3A_537 : i32 to vector<16xi32>
      %add3A_539 = arith.addi %mul3A_503, %add3A_538 : vector<16xi32>
      %gather3A_540 = tpu.vector_load_idx %arg10[%add3A_539] : memref<3328xf32, #tpu.memory_space<vmem>>[vector<16xi32>], vector<16xf32>,
      %add3A_541 = arith.constant 3079 : i32
      %add3A_542 = vector.broadcast %add3A_541 : i32 to vector<16xi32>
      %add3A_543 = arith.addi %mul3A_503, %add3A_542 : vector<16xi32>
      %gather3A_544 = tpu.vector_load_idx %arg10[%add3A_543] : memref<3328xf32, #tpu.memory_space<vmem>>[vector<16xi32>], vector<16xf32>,
      %add3A_545 = arith.constant 3080 : i32
      %add3A_546 = vector.broadcast %add3A_545 : i32 to vector<16xi32>
      %add3A_547 = arith.addi %mul3A_503, %add3A_546 : vector<16xi32>
      %gather3A_548 = tpu.vector_load_idx %arg10[%add3A_547] : memref<3328xf32, #tpu.memory_space<vmem>>[vector<16xi32>], vector<16xf32>,
      %add3A_549 = arith.constant 3081 : i32
      %add3A_550 = vector.broadcast %add3A_549 : i32 to vector<16xi32>
      %add3A_551 = arith.addi %mul3A_503, %add3A_550 : vector<16xi32>
      %gather3A_552 = tpu.vector_load_idx %arg10[%add3A_551] : memref<3328xf32, #tpu.memory_space<vmem>>[vector<16xi32>], vector<16xf32>,
      %add3A_553 = arith.constant 3082 : i32
      %add3A_554 = vector.broadcast %add3A_553 : i32 to vector<16xi32>
      %add3A_555 = arith.addi %mul3A_503, %add3A_554 : vector<16xi32>
      %gather3A_556 = tpu.vector_load_idx %arg10[%add3A_555] : memref<3328xf32, #tpu.memory_space<vmem>>[vector<16xi32>], vector<16xf32>,
      %add3A_557 = arith.constant 3083 : i32
      %add3A_558 = vector.broadcast %add3A_557 : i32 to vector<16xi32>
      %add3A_559 = arith.addi %mul3A_503, %add3A_558 : vector<16xi32>
      %gather3A_560 = tpu.vector_load_idx %arg10[%add3A_559] : memref<3328xf32, #tpu.memory_space<vmem>>[vector<16xi32>], vector<16xf32>,
      %add3A_561 = arith.constant 3084 : i32
      %add3A_562 = vector.broadcast %add3A_561 : i32 to vector<16xi32>
      %add3A_563 = arith.addi %mul3A_503, %add3A_562 : vector<16xi32>
      %gather3A_564 = tpu.vector_load_idx %arg10[%add3A_563] : memref<3328xf32, #tpu.memory_space<vmem>>[vector<16xi32>], vector<16xf32>,
      %add3A_565 = arith.constant 3085 : i32
      %add3A_566 = vector.broadcast %add3A_565 : i32 to vector<16xi32>
      %add3A_567 = arith.addi %mul3A_503, %add3A_566 : vector<16xi32>
      %gather3A_568 = tpu.vector_load_idx %arg10[%add3A_567] : memref<3328xf32, #tpu.memory_space<vmem>>[vector<16xi32>], vector<16xf32>,
      %add3A_569 = arith.constant 3086 : i32
      %add3A_570 = vector.broadcast %add3A_569 : i32 to vector<16xi32>
      %add3A_571 = arith.addi %mul3A_503, %add3A_570 : vector<16xi32>
      %gather3A_572 = tpu.vector_load_idx %arg10[%add3A_571] : memref<3328xf32, #tpu.memory_space<vmem>>[vector<16xi32>], vector<16xf32>,
      %add3A_573 = arith.constant 3087 : i32
      %add3A_574 = vector.broadcast %add3A_573 : i32 to vector<16xi32>
      %add3A_575 = arith.addi %mul3A_503, %add3A_574 : vector<16xi32>
      %gather3A_576 = tpu.vector_load_idx %arg10[%add3A_575] : memref<3328xf32, #tpu.memory_space<vmem>>[vector<16xi32>], vector<16xf32>,
      %add3A_577 = arith.addf %gather3A_516, %gather3A_520 : vector<16xf32>
      %add3A_578 = arith.addf %gather3A_524, %gather3A_528 : vector<16xf32>
      %add3A_579 = arith.addf %gather3A_532, %gather3A_536 : vector<16xf32>
      %add3A_580 = arith.addf %gather3A_540, %gather3A_544 : vector<16xf32>
      %add3A_581 = arith.addf %gather3A_548, %gather3A_552 : vector<16xf32>
      %add3A_582 = arith.addf %gather3A_556, %gather3A_560 : vector<16xf32>
      %add3A_583 = arith.addf %gather3A_564, %gather3A_568 : vector<16xf32>
      %add3A_584 = arith.addf %gather3A_572, %gather3A_576 : vector<16xf32>
      %add3A_585 = arith.addf %add3A_577, %add3A_578 : vector<16xf32>
      %add3A_586 = arith.addf %add3A_579, %add3A_580 : vector<16xf32>
      %add3A_587 = arith.addf %add3A_581, %add3A_582 : vector<16xf32>
      %add3A_588 = arith.addf %add3A_583, %add3A_584 : vector<16xf32>
      %add3A_589 = arith.addf %add3A_585, %add3A_586 : vector<16xf32>
      %add3A_590 = arith.addf %add3A_587, %add3A_588 : vector<16xf32>
      %add3A_591 = arith.addf %add3A_589, %add3A_590 : vector<16xf32>
      %iota3A_592 = tpu.iota {dimensions = array<i32: 0>} : vector<16xi32>
      %lt3A_593 = arith.constant 8 : i32
      %lt3A_594 = vector.broadcast %lt3A_593 : i32 to vector<16xi32>
      %lt3A_595 = arith.cmpi slt, %iota3A_592, %lt3A_594 : vector<16xi32>
      %select_n3A_596 = arith.select %lt3A_595, %add3A_591, %broadcast_in_dim3A_508 : vector<16xi1>, vector<16xf32>
      %swap3A_597 = arith.constant 192 : index
      %swap3A_598 = tpu.vector_load %arg8[%swap3A_597] {strides = array<i32>} : memref<208xf32, #tpu.memory_space<vmem>>, vector<16xf32>,
      tpu.vector_store %arg8[%swap3A_597], %select_n3A_596 {strides = array<i32>} : memref<208xf32, #tpu.memory_space<vmem>>, vector<16xf32>,
      %max3A_599 = arith.maximumf %parallel_loop3A_512, %select_n3A_596 : vector<16xf32>
      %reduce_max3A_600 = arith.constant true
      %reduce_max3A_601 = vector.broadcast %reduce_max3A_600 : i1 to vector<16xi1>
      %reduce_max3A_602 = tpu.scan <max>, %max3A_599 masked %reduce_max3A_601 : vector<16xf32>, vector<16xi1> -> vector<16xf32>
      %reduce_max3A_603 = vector.extract %reduce_max3A_602[15] : f32 from vector<16xf32>
      %broadcast_in_dim3A_604 = arith.constant 0.000000e+00 : f32
      %broadcast_in_dim3A_605 = vector.broadcast %broadcast_in_dim3A_604 : f32 to vector<16xf32>
      %get3A_606 = arith.constant 0 : index
      %get3A_607 = tpu.vector_load %arg8[%get3A_606] {strides = array<i32>} : memref<208xf32, #tpu.memory_space<vmem>>, vector<16xf32>,
      %sub3A_608 = vector.broadcast %reduce_max3A_603 : f32 to vector<16xf32>
      %sub3A_609 = arith.subf %get3A_607, %sub3A_608 : vector<16xf32>
      %exp3A_610 = math.exp %sub3A_609 : vector<16xf32>
      %swap3A_611 = arith.constant 0 : index
      %swap3A_612 = tpu.vector_load %arg8[%swap3A_611] {strides = array<i32>} : memref<208xf32, #tpu.memory_space<vmem>>, vector<16xf32>,
      tpu.vector_store %arg8[%swap3A_611], %exp3A_610 {strides = array<i32>} : memref<208xf32, #tpu.memory_space<vmem>>, vector<16xf32>,
      %add3A_613 = arith.addf %broadcast_in_dim3A_605, %exp3A_610 : vector<16xf32>
      %get3A_614 = arith.constant 16 : index
      %get3A_615 = tpu.vector_load %arg8[%get3A_614] {strides = array<i32>} : memref<208xf32, #tpu.memory_space<vmem>>, vector<16xf32>,
      %sub3A_616 = vector.broadcast %reduce_max3A_603 : f32 to vector<16xf32>
      %sub3A_617 = arith.subf %get3A_615, %sub3A_616 : vector<16xf32>
      %exp3A_618 = math.exp %sub3A_617 : vector<16xf32>
      %swap3A_619 = arith.constant 16 : index
      %swap3A_620 = tpu.vector_load %arg8[%swap3A_619] {strides = array<i32>} : memref<208xf32, #tpu.memory_space<vmem>>, vector<16xf32>,
      tpu.vector_store %arg8[%swap3A_619], %exp3A_618 {strides = array<i32>} : memref<208xf32, #tpu.memory_space<vmem>>, vector<16xf32>,
      %add3A_621 = arith.addf %add3A_613, %exp3A_618 : vector<16xf32>
      %get3A_622 = arith.constant 32 : index
      %get3A_623 = tpu.vector_load %arg8[%get3A_622] {strides = array<i32>} : memref<208xf32, #tpu.memory_space<vmem>>, vector<16xf32>,
      %sub3A_624 = vector.broadcast %reduce_max3A_603 : f32 to vector<16xf32>
      %sub3A_625 = arith.subf %get3A_623, %sub3A_624 : vector<16xf32>
      %exp3A_626 = math.exp %sub3A_625 : vector<16xf32>
      %swap3A_627 = arith.constant 32 : index
      %swap3A_628 = tpu.vector_load %arg8[%swap3A_627] {strides = array<i32>} : memref<208xf32, #tpu.memory_space<vmem>>, vector<16xf32>,
      tpu.vector_store %arg8[%swap3A_627], %exp3A_626 {strides = array<i32>} : memref<208xf32, #tpu.memory_space<vmem>>, vector<16xf32>,
      %add3A_629 = arith.addf %add3A_621, %exp3A_626 : vector<16xf32>
      %get3A_630 = arith.constant 48 : index
      %get3A_631 = tpu.vector_load %arg8[%get3A_630] {strides = array<i32>} : memref<208xf32, #tpu.memory_space<vmem>>, vector<16xf32>,
      %sub3A_632 = vector.broadcast %reduce_max3A_603 : f32 to vector<16xf32>
      %sub3A_633 = arith.subf %get3A_631, %sub3A_632 : vector<16xf32>
      %exp3A_634 = math.exp %sub3A_633 : vector<16xf32>
      %swap3A_635 = arith.constant 48 : index
      %swap3A_636 = tpu.vector_load %arg8[%swap3A_635] {strides = array<i32>} : memref<208xf32, #tpu.memory_space<vmem>>, vector<16xf32>,
      tpu.vector_store %arg8[%swap3A_635], %exp3A_634 {strides = array<i32>} : memref<208xf32, #tpu.memory_space<vmem>>, vector<16xf32>,
      %add3A_637 = arith.addf %add3A_629, %exp3A_634 : vector<16xf32>
      %get3A_638 = arith.constant 64 : index
      %get3A_639 = tpu.vector_load %arg8[%get3A_638] {strides = array<i32>} : memref<208xf32, #tpu.memory_space<vmem>>, vector<16xf32>,
      %sub3A_640 = vector.broadcast %reduce_max3A_603 : f32 to vector<16xf32>
      %sub3A_641 = arith.subf %get3A_639, %sub3A_640 : vector<16xf32>
      %exp3A_642 = math.exp %sub3A_641 : vector<16xf32>
      %swap3A_643 = arith.constant 64 : index
      %swap3A_644 = tpu.vector_load %arg8[%swap3A_643] {strides = array<i32>} : memref<208xf32, #tpu.memory_space<vmem>>, vector<16xf32>,
      tpu.vector_store %arg8[%swap3A_643], %exp3A_642 {strides = array<i32>} : memref<208xf32, #tpu.memory_space<vmem>>, vector<16xf32>,
      %add3A_645 = arith.addf %add3A_637, %exp3A_642 : vector<16xf32>
      %get3A_646 = arith.constant 80 : index
      %get3A_647 = tpu.vector_load %arg8[%get3A_646] {strides = array<i32>} : memref<208xf32, #tpu.memory_space<vmem>>, vector<16xf32>,
      %sub3A_648 = vector.broadcast %reduce_max3A_603 : f32 to vector<16xf32>
      %sub3A_649 = arith.subf %get3A_647, %sub3A_648 : vector<16xf32>
      %exp3A_650 = math.exp %sub3A_649 : vector<16xf32>
      %swap3A_651 = arith.constant 80 : index
      %swap3A_652 = tpu.vector_load %arg8[%swap3A_651] {strides = array<i32>} : memref<208xf32, #tpu.memory_space<vmem>>, vector<16xf32>,
      tpu.vector_store %arg8[%swap3A_651], %exp3A_650 {strides = array<i32>} : memref<208xf32, #tpu.memory_space<vmem>>, vector<16xf32>,
      %add3A_653 = arith.addf %add3A_645, %exp3A_650 : vector<16xf32>
      %get3A_654 = arith.constant 96 : index
      %get3A_655 = tpu.vector_load %arg8[%get3A_654] {strides = array<i32>} : memref<208xf32, #tpu.memory_space<vmem>>, vector<16xf32>,
      %sub3A_656 = vector.broadcast %reduce_max3A_603 : f32 to vector<16xf32>
      %sub3A_657 = arith.subf %get3A_655, %sub3A_656 : vector<16xf32>
      %exp3A_658 = math.exp %sub3A_657 : vector<16xf32>
      %swap3A_659 = arith.constant 96 : index
      %swap3A_660 = tpu.vector_load %arg8[%swap3A_659] {strides = array<i32>} : memref<208xf32, #tpu.memory_space<vmem>>, vector<16xf32>,
      tpu.vector_store %arg8[%swap3A_659], %exp3A_658 {strides = array<i32>} : memref<208xf32, #tpu.memory_space<vmem>>, vector<16xf32>,
      %add3A_661 = arith.addf %add3A_653, %exp3A_658 : vector<16xf32>
      %get3A_662 = arith.constant 112 : index
      %get3A_663 = tpu.vector_load %arg8[%get3A_662] {strides = array<i32>} : memref<208xf32, #tpu.memory_space<vmem>>, vector<16xf32>,
      %sub3A_664 = vector.broadcast %reduce_max3A_603 : f32 to vector<16xf32>
      %sub3A_665 = arith.subf %get3A_663, %sub3A_664 : vector<16xf32>
      %exp3A_666 = math.exp %sub3A_665 : vector<16xf32>
      %swap3A_667 = arith.constant 112 : index
      %swap3A_668 = tpu.vector_load %arg8[%swap3A_667] {strides = array<i32>} : memref<208xf32, #tpu.memory_space<vmem>>, vector<16xf32>,
      tpu.vector_store %arg8[%swap3A_667], %exp3A_666 {strides = array<i32>} : memref<208xf32, #tpu.memory_space<vmem>>, vector<16xf32>,
      %add3A_669 = arith.addf %add3A_661, %exp3A_666 : vector<16xf32>
      %get3A_670 = arith.constant 128 : index
      %get3A_671 = tpu.vector_load %arg8[%get3A_670] {strides = array<i32>} : memref<208xf32, #tpu.memory_space<vmem>>, vector<16xf32>,
      %sub3A_672 = vector.broadcast %reduce_max3A_603 : f32 to vector<16xf32>
      %sub3A_673 = arith.subf %get3A_671, %sub3A_672 : vector<16xf32>
      %exp3A_674 = math.exp %sub3A_673 : vector<16xf32>
      %swap3A_675 = arith.constant 128 : index
      %swap3A_676 = tpu.vector_load %arg8[%swap3A_675] {strides = array<i32>} : memref<208xf32, #tpu.memory_space<vmem>>, vector<16xf32>,
      tpu.vector_store %arg8[%swap3A_675], %exp3A_674 {strides = array<i32>} : memref<208xf32, #tpu.memory_space<vmem>>, vector<16xf32>,
      %add3A_677 = arith.addf %add3A_669, %exp3A_674 : vector<16xf32>
      %get3A_678 = arith.constant 144 : index
      %get3A_679 = tpu.vector_load %arg8[%get3A_678] {strides = array<i32>} : memref<208xf32, #tpu.memory_space<vmem>>, vector<16xf32>,
      %sub3A_680 = vector.broadcast %reduce_max3A_603 : f32 to vector<16xf32>
      %sub3A_681 = arith.subf %get3A_679, %sub3A_680 : vector<16xf32>
      %exp3A_682 = math.exp %sub3A_681 : vector<16xf32>
      %swap3A_683 = arith.constant 144 : index
      %swap3A_684 = tpu.vector_load %arg8[%swap3A_683] {strides = array<i32>} : memref<208xf32, #tpu.memory_space<vmem>>, vector<16xf32>,
      tpu.vector_store %arg8[%swap3A_683], %exp3A_682 {strides = array<i32>} : memref<208xf32, #tpu.memory_space<vmem>>, vector<16xf32>,
      %add3A_685 = arith.addf %add3A_677, %exp3A_682 : vector<16xf32>
      %get3A_686 = arith.constant 160 : index
      %get3A_687 = tpu.vector_load %arg8[%get3A_686] {strides = array<i32>} : memref<208xf32, #tpu.memory_space<vmem>>, vector<16xf32>,
      %sub3A_688 = vector.broadcast %reduce_max3A_603 : f32 to vector<16xf32>
      %sub3A_689 = arith.subf %get3A_687, %sub3A_688 : vector<16xf32>
      %exp3A_690 = math.exp %sub3A_689 : vector<16xf32>
      %swap3A_691 = arith.constant 160 : index
      %swap3A_692 = tpu.vector_load %arg8[%swap3A_691] {strides = array<i32>} : memref<208xf32, #tpu.memory_space<vmem>>, vector<16xf32>,
      tpu.vector_store %arg8[%swap3A_691], %exp3A_690 {strides = array<i32>} : memref<208xf32, #tpu.memory_space<vmem>>, vector<16xf32>,
      %add3A_693 = arith.addf %add3A_685, %exp3A_690 : vector<16xf32>
      %get3A_694 = arith.constant 176 : index
      %get3A_695 = tpu.vector_load %arg8[%get3A_694] {strides = array<i32>} : memref<208xf32, #tpu.memory_space<vmem>>, vector<16xf32>,
      %sub3A_696 = vector.broadcast %reduce_max3A_603 : f32 to vector<16xf32>
      %sub3A_697 = arith.subf %get3A_695, %sub3A_696 : vector<16xf32>
      %exp3A_698 = math.exp %sub3A_697 : vector<16xf32>
      %swap3A_699 = arith.constant 176 : index
      %swap3A_700 = tpu.vector_load %arg8[%swap3A_699] {strides = array<i32>} : memref<208xf32, #tpu.memory_space<vmem>>, vector<16xf32>,
      tpu.vector_store %arg8[%swap3A_699], %exp3A_698 {strides = array<i32>} : memref<208xf32, #tpu.memory_space<vmem>>, vector<16xf32>,
      %add3A_701 = arith.addf %add3A_693, %exp3A_698 : vector<16xf32>
      %get3A_702 = arith.constant 192 : index
      %get3A_703 = tpu.vector_load %arg8[%get3A_702] {strides = array<i32>} : memref<208xf32, #tpu.memory_space<vmem>>, vector<16xf32>,
      %sub3A_704 = vector.broadcast %reduce_max3A_603 : f32 to vector<16xf32>
      %sub3A_705 = arith.subf %get3A_703, %sub3A_704 : vector<16xf32>
      %exp3A_706 = math.exp %sub3A_705 : vector<16xf32>
      %swap3A_707 = arith.constant 192 : index
      %swap3A_708 = tpu.vector_load %arg8[%swap3A_707] {strides = array<i32>} : memref<208xf32, #tpu.memory_space<vmem>>, vector<16xf32>,
      tpu.vector_store %arg8[%swap3A_707], %exp3A_706 {strides = array<i32>} : memref<208xf32, #tpu.memory_space<vmem>>, vector<16xf32>,
      %add3A_709 = arith.addf %add3A_701, %exp3A_706 : vector<16xf32>
      %broadcast_in_dim3A_710 = arith.constant 1.000000e+00 : f32
      %broadcast_in_dim3A_711 = vector.broadcast %broadcast_in_dim3A_710 : f32 to vector<16xf32>
      %broadcast_in_dim3A_712 = arith.constant 0.000000e+00 : f32
      %broadcast_in_dim3A_713 = vector.broadcast %broadcast_in_dim3A_712 : f32 to vector<16xf32>
      %reduce_sum3A_714 = arith.constant true
      %reduce_sum3A_715 = vector.broadcast %reduce_sum3A_714 : i1 to vector<16xi1>
      %reduce_sum3A_716 = tpu.scan <sum>, %add3A_709 masked %reduce_sum3A_715 : vector<16xf32>, vector<16xi1> -> vector<16xf32>
      %reduce_sum3A_717 = vector.extract %reduce_sum3A_716[15] : f32 from vector<16xf32>
      %add3A_718 = vector.broadcast %reduce_sum3A_717 : f32 to vector<16xf32>
      %add3A_719 = arith.addf %broadcast_in_dim3A_713, %add3A_718 : vector<16xf32>
      %div3A_720 = arith.divf %broadcast_in_dim3A_711, %add3A_719 : vector<16xf32>
      %broadcast_in_dim3A_721 = arith.constant 0.000000e+00 : f32
      %broadcast_in_dim3A_722 = vector.broadcast %broadcast_in_dim3A_721 : f32 to vector<16xf32>
      %scan3A_723 = arith.constant 0 : i32
      %scan3A_724 = arith.constant 13 : i32
      %scan3A_725 = arith.addi %scan3A_723, %scan3A_724 : i32
      %scan3A_726 = arith.constant 1 : i32
      %scan3A_727:4 = scf.for %scan3A_769 = %scan3A_723 to %scan3A_725 step %scan3A_726 iter_args(%scan3A_770 = %broadcast_in_dim3A_722, %scan3A_771 = %broadcast_in_dim3A_722, %scan3A_772 = %broadcast_in_dim3A_722, %scan3A_773 = %broadcast_in_dim3A_722) -> (vector<16xf32>, vector<16xf32>, vector<16xf32>, vector<16xf32>)  : i32 {
        %mul3A_774 = arith.constant 16 : i32
        %mul3A_775 = arith.muli %scan3A_769, %mul3A_774 : i32
        %get3A_776 = arith.index_cast %mul3A_775 : i32 to index
        %get3A_777 = tpu.vector_load %arg8[%get3A_776] {strides = array<i32>} : memref<208xf32, #tpu.memory_space<vmem>>, vector<16xf32>,
        %mul3A_778 = arith.constant 1024 : i32
        %mul3A_779 = arith.muli %scan3A_769, %mul3A_778 : i32
        %slice3A = vector.extract_strided_slice %get3A_777 {offsets = [0], sizes = [1], strides = [1]} : vector<16xf32> to vector<1xf32>
        %squeeze3A = vector.extract %slice3A[0] : f32 from vector<1xf32>
        %add3A_780 = arith.constant 0 : i32
        %add3A_781 = arith.addi %mul3A_779, %add3A_780 : i32
        %get3A_782 = arith.index_cast %add3A_781 : i32 to index
        %get3A_783 = tpu.vector_load %arg6[%get3A_782] {strides = array<i32>} : memref<13312xf32, #tpu.memory_space<vmem>>, vector<16xf32>,
        %mul3A_784 = vector.broadcast %squeeze3A : f32 to vector<16xf32>
        %mul3A_785 = arith.mulf %mul3A_784, %get3A_783 : vector<16xf32>
        %add3A_786 = arith.addf %scan3A_770, %mul3A_785 : vector<16xf32>
        %add3A_787 = arith.constant 16 : i32
        %add3A_788 = arith.addi %add3A_781, %add3A_787 : i32
        %get3A_789 = arith.index_cast %add3A_788 : i32 to index
        %get3A_790 = tpu.vector_load %arg6[%get3A_789] {strides = array<i32>} : memref<13312xf32, #tpu.memory_space<vmem>>, vector<16xf32>,
        %mul3A_791 = vector.broadcast %squeeze3A : f32 to vector<16xf32>
        %mul3A_792 = arith.mulf %mul3A_791, %get3A_790 : vector<16xf32>
        %add3A_793 = arith.addf %scan3A_771, %mul3A_792 : vector<16xf32>
        %add3A_794 = arith.constant 32 : i32
        %add3A_795 = arith.addi %add3A_781, %add3A_794 : i32
        %get3A_796 = arith.index_cast %add3A_795 : i32 to index
        %get3A_797 = tpu.vector_load %arg6[%get3A_796] {strides = array<i32>} : memref<13312xf32, #tpu.memory_space<vmem>>, vector<16xf32>,
        %mul3A_798 = vector.broadcast %squeeze3A : f32 to vector<16xf32>
        %mul3A_799 = arith.mulf %mul3A_798, %get3A_797 : vector<16xf32>
        %add3A_800 = arith.addf %scan3A_772, %mul3A_799 : vector<16xf32>
        %add3A_801 = arith.constant 48 : i32
        %add3A_802 = arith.addi %add3A_781, %add3A_801 : i32
        %get3A_803 = arith.index_cast %add3A_802 : i32 to index
        %get3A_804 = tpu.vector_load %arg6[%get3A_803] {strides = array<i32>} : memref<13312xf32, #tpu.memory_space<vmem>>, vector<16xf32>,
        %mul3A_805 = vector.broadcast %squeeze3A : f32 to vector<16xf32>
        %mul3A_806 = arith.mulf %mul3A_805, %get3A_804 : vector<16xf32>
        %add3A_807 = arith.addf %scan3A_773, %mul3A_806 : vector<16xf32>
        %slice3A_808 = vector.extract_strided_slice %get3A_777 {offsets = [1], sizes = [1], strides = [1]} : vector<16xf32> to vector<1xf32>
        %squeeze3A_809 = vector.extract %slice3A_808[0] : f32 from vector<1xf32>
        %add3A_810 = arith.constant 64 : i32
        %add3A_811 = arith.addi %mul3A_779, %add3A_810 : i32
        %get3A_812 = arith.index_cast %add3A_811 : i32 to index
        %get3A_813 = tpu.vector_load %arg6[%get3A_812] {strides = array<i32>} : memref<13312xf32, #tpu.memory_space<vmem>>, vector<16xf32>,
        %mul3A_814 = vector.broadcast %squeeze3A_809 : f32 to vector<16xf32>
        %mul3A_815 = arith.mulf %mul3A_814, %get3A_813 : vector<16xf32>
        %add3A_816 = arith.addf %add3A_786, %mul3A_815 : vector<16xf32>
        %add3A_817 = arith.constant 16 : i32
        %add3A_818 = arith.addi %add3A_811, %add3A_817 : i32
        %get3A_819 = arith.index_cast %add3A_818 : i32 to index
        %get3A_820 = tpu.vector_load %arg6[%get3A_819] {strides = array<i32>} : memref<13312xf32, #tpu.memory_space<vmem>>, vector<16xf32>,
        %mul3A_821 = vector.broadcast %squeeze3A_809 : f32 to vector<16xf32>
        %mul3A_822 = arith.mulf %mul3A_821, %get3A_820 : vector<16xf32>
        %add3A_823 = arith.addf %add3A_793, %mul3A_822 : vector<16xf32>
        %add3A_824 = arith.constant 32 : i32
        %add3A_825 = arith.addi %add3A_811, %add3A_824 : i32
        %get3A_826 = arith.index_cast %add3A_825 : i32 to index
        %get3A_827 = tpu.vector_load %arg6[%get3A_826] {strides = array<i32>} : memref<13312xf32, #tpu.memory_space<vmem>>, vector<16xf32>,
        %mul3A_828 = vector.broadcast %squeeze3A_809 : f32 to vector<16xf32>
        %mul3A_829 = arith.mulf %mul3A_828, %get3A_827 : vector<16xf32>
        %add3A_830 = arith.addf %add3A_800, %mul3A_829 : vector<16xf32>
        %add3A_831 = arith.constant 48 : i32
        %add3A_832 = arith.addi %add3A_811, %add3A_831 : i32
        %get3A_833 = arith.index_cast %add3A_832 : i32 to index
        %get3A_834 = tpu.vector_load %arg6[%get3A_833] {strides = array<i32>} : memref<13312xf32, #tpu.memory_space<vmem>>, vector<16xf32>,
        %mul3A_835 = vector.broadcast %squeeze3A_809 : f32 to vector<16xf32>
        %mul3A_836 = arith.mulf %mul3A_835, %get3A_834 : vector<16xf32>
        %add3A_837 = arith.addf %add3A_807, %mul3A_836 : vector<16xf32>
        %slice3A_838 = vector.extract_strided_slice %get3A_777 {offsets = [2], sizes = [1], strides = [1]} : vector<16xf32> to vector<1xf32>
        %squeeze3A_839 = vector.extract %slice3A_838[0] : f32 from vector<1xf32>
        %add3A_840 = arith.constant 128 : i32
        %add3A_841 = arith.addi %mul3A_779, %add3A_840 : i32
        %get3A_842 = arith.index_cast %add3A_841 : i32 to index
        %get3A_843 = tpu.vector_load %arg6[%get3A_842] {strides = array<i32>} : memref<13312xf32, #tpu.memory_space<vmem>>, vector<16xf32>,
        %mul3A_844 = vector.broadcast %squeeze3A_839 : f32 to vector<16xf32>
        %mul3A_845 = arith.mulf %mul3A_844, %get3A_843 : vector<16xf32>
        %add3A_846 = arith.addf %add3A_816, %mul3A_845 : vector<16xf32>
        %add3A_847 = arith.constant 16 : i32
        %add3A_848 = arith.addi %add3A_841, %add3A_847 : i32
        %get3A_849 = arith.index_cast %add3A_848 : i32 to index
        %get3A_850 = tpu.vector_load %arg6[%get3A_849] {strides = array<i32>} : memref<13312xf32, #tpu.memory_space<vmem>>, vector<16xf32>,
        %mul3A_851 = vector.broadcast %squeeze3A_839 : f32 to vector<16xf32>
        %mul3A_852 = arith.mulf %mul3A_851, %get3A_850 : vector<16xf32>
        %add3A_853 = arith.addf %add3A_823, %mul3A_852 : vector<16xf32>
        %add3A_854 = arith.constant 32 : i32
        %add3A_855 = arith.addi %add3A_841, %add3A_854 : i32
        %get3A_856 = arith.index_cast %add3A_855 : i32 to index
        %get3A_857 = tpu.vector_load %arg6[%get3A_856] {strides = array<i32>} : memref<13312xf32, #tpu.memory_space<vmem>>, vector<16xf32>,
        %mul3A_858 = vector.broadcast %squeeze3A_839 : f32 to vector<16xf32>
        %mul3A_859 = arith.mulf %mul3A_858, %get3A_857 : vector<16xf32>
        %add3A_860 = arith.addf %add3A_830, %mul3A_859 : vector<16xf32>
        %add3A_861 = arith.constant 48 : i32
        %add3A_862 = arith.addi %add3A_841, %add3A_861 : i32
        %get3A_863 = arith.index_cast %add3A_862 : i32 to index
        %get3A_864 = tpu.vector_load %arg6[%get3A_863] {strides = array<i32>} : memref<13312xf32, #tpu.memory_space<vmem>>, vector<16xf32>,
        %mul3A_865 = vector.broadcast %squeeze3A_839 : f32 to vector<16xf32>
        %mul3A_866 = arith.mulf %mul3A_865, %get3A_864 : vector<16xf32>
        %add3A_867 = arith.addf %add3A_837, %mul3A_866 : vector<16xf32>
        %slice3A_868 = vector.extract_strided_slice %get3A_777 {offsets = [3], sizes = [1], strides = [1]} : vector<16xf32> to vector<1xf32>
        %squeeze3A_869 = vector.extract %slice3A_868[0] : f32 from vector<1xf32>
        %add3A_870 = arith.constant 192 : i32
        %add3A_871 = arith.addi %mul3A_779, %add3A_870 : i32
        %get3A_872 = arith.index_cast %add3A_871 : i32 to index
        %get3A_873 = tpu.vector_load %arg6[%get3A_872] {strides = array<i32>} : memref<13312xf32, #tpu.memory_space<vmem>>, vector<16xf32>,
        %mul3A_874 = vector.broadcast %squeeze3A_869 : f32 to vector<16xf32>
        %mul3A_875 = arith.mulf %mul3A_874, %get3A_873 : vector<16xf32>
        %add3A_876 = arith.addf %add3A_846, %mul3A_875 : vector<16xf32>
        %add3A_877 = arith.constant 16 : i32
        %add3A_878 = arith.addi %add3A_871, %add3A_877 : i32
        %get3A_879 = arith.index_cast %add3A_878 : i32 to index
        %get3A_880 = tpu.vector_load %arg6[%get3A_879] {strides = array<i32>} : memref<13312xf32, #tpu.memory_space<vmem>>, vector<16xf32>,
        %mul3A_881 = vector.broadcast %squeeze3A_869 : f32 to vector<16xf32>
        %mul3A_882 = arith.mulf %mul3A_881, %get3A_880 : vector<16xf32>
        %add3A_883 = arith.addf %add3A_853, %mul3A_882 : vector<16xf32>
        %add3A_884 = arith.constant 32 : i32
        %add3A_885 = arith.addi %add3A_871, %add3A_884 : i32
        %get3A_886 = arith.index_cast %add3A_885 : i32 to index
        %get3A_887 = tpu.vector_load %arg6[%get3A_886] {strides = array<i32>} : memref<13312xf32, #tpu.memory_space<vmem>>, vector<16xf32>,
        %mul3A_888 = vector.broadcast %squeeze3A_869 : f32 to vector<16xf32>
        %mul3A_889 = arith.mulf %mul3A_888, %get3A_887 : vector<16xf32>
        %add3A_890 = arith.addf %add3A_860, %mul3A_889 : vector<16xf32>
        %add3A_891 = arith.constant 48 : i32
        %add3A_892 = arith.addi %add3A_871, %add3A_891 : i32
        %get3A_893 = arith.index_cast %add3A_892 : i32 to index
        %get3A_894 = tpu.vector_load %arg6[%get3A_893] {strides = array<i32>} : memref<13312xf32, #tpu.memory_space<vmem>>, vector<16xf32>,
        %mul3A_895 = vector.broadcast %squeeze3A_869 : f32 to vector<16xf32>
        %mul3A_896 = arith.mulf %mul3A_895, %get3A_894 : vector<16xf32>
        %add3A_897 = arith.addf %add3A_867, %mul3A_896 : vector<16xf32>
        %slice3A_898 = vector.extract_strided_slice %get3A_777 {offsets = [4], sizes = [1], strides = [1]} : vector<16xf32> to vector<1xf32>
        %squeeze3A_899 = vector.extract %slice3A_898[0] : f32 from vector<1xf32>
        %add3A_900 = arith.constant 256 : i32
        %add3A_901 = arith.addi %mul3A_779, %add3A_900 : i32
        %get3A_902 = arith.index_cast %add3A_901 : i32 to index
        %get3A_903 = tpu.vector_load %arg6[%get3A_902] {strides = array<i32>} : memref<13312xf32, #tpu.memory_space<vmem>>, vector<16xf32>,
        %mul3A_904 = vector.broadcast %squeeze3A_899 : f32 to vector<16xf32>
        %mul3A_905 = arith.mulf %mul3A_904, %get3A_903 : vector<16xf32>
        %add3A_906 = arith.addf %add3A_876, %mul3A_905 : vector<16xf32>
        %add3A_907 = arith.constant 16 : i32
        %add3A_908 = arith.addi %add3A_901, %add3A_907 : i32
        %get3A_909 = arith.index_cast %add3A_908 : i32 to index
        %get3A_910 = tpu.vector_load %arg6[%get3A_909] {strides = array<i32>} : memref<13312xf32, #tpu.memory_space<vmem>>, vector<16xf32>,
        %mul3A_911 = vector.broadcast %squeeze3A_899 : f32 to vector<16xf32>
        %mul3A_912 = arith.mulf %mul3A_911, %get3A_910 : vector<16xf32>
        %add3A_913 = arith.addf %add3A_883, %mul3A_912 : vector<16xf32>
        %add3A_914 = arith.constant 32 : i32
        %add3A_915 = arith.addi %add3A_901, %add3A_914 : i32
        %get3A_916 = arith.index_cast %add3A_915 : i32 to index
        %get3A_917 = tpu.vector_load %arg6[%get3A_916] {strides = array<i32>} : memref<13312xf32, #tpu.memory_space<vmem>>, vector<16xf32>,
        %mul3A_918 = vector.broadcast %squeeze3A_899 : f32 to vector<16xf32>
        %mul3A_919 = arith.mulf %mul3A_918, %get3A_917 : vector<16xf32>
        %add3A_920 = arith.addf %add3A_890, %mul3A_919 : vector<16xf32>
        %add3A_921 = arith.constant 48 : i32
        %add3A_922 = arith.addi %add3A_901, %add3A_921 : i32
        %get3A_923 = arith.index_cast %add3A_922 : i32 to index
        %get3A_924 = tpu.vector_load %arg6[%get3A_923] {strides = array<i32>} : memref<13312xf32, #tpu.memory_space<vmem>>, vector<16xf32>,
        %mul3A_925 = vector.broadcast %squeeze3A_899 : f32 to vector<16xf32>
        %mul3A_926 = arith.mulf %mul3A_925, %get3A_924 : vector<16xf32>
        %add3A_927 = arith.addf %add3A_897, %mul3A_926 : vector<16xf32>
        %slice3A_928 = vector.extract_strided_slice %get3A_777 {offsets = [5], sizes = [1], strides = [1]} : vector<16xf32> to vector<1xf32>
        %squeeze3A_929 = vector.extract %slice3A_928[0] : f32 from vector<1xf32>
        %add3A_930 = arith.constant 320 : i32
        %add3A_931 = arith.addi %mul3A_779, %add3A_930 : i32
        %get3A_932 = arith.index_cast %add3A_931 : i32 to index
        %get3A_933 = tpu.vector_load %arg6[%get3A_932] {strides = array<i32>} : memref<13312xf32, #tpu.memory_space<vmem>>, vector<16xf32>,
        %mul3A_934 = vector.broadcast %squeeze3A_929 : f32 to vector<16xf32>
        %mul3A_935 = arith.mulf %mul3A_934, %get3A_933 : vector<16xf32>
        %add3A_936 = arith.addf %add3A_906, %mul3A_935 : vector<16xf32>
        %add3A_937 = arith.constant 16 : i32
        %add3A_938 = arith.addi %add3A_931, %add3A_937 : i32
        %get3A_939 = arith.index_cast %add3A_938 : i32 to index
        %get3A_940 = tpu.vector_load %arg6[%get3A_939] {strides = array<i32>} : memref<13312xf32, #tpu.memory_space<vmem>>, vector<16xf32>,
        %mul3A_941 = vector.broadcast %squeeze3A_929 : f32 to vector<16xf32>
        %mul3A_942 = arith.mulf %mul3A_941, %get3A_940 : vector<16xf32>
        %add3A_943 = arith.addf %add3A_913, %mul3A_942 : vector<16xf32>
        %add3A_944 = arith.constant 32 : i32
        %add3A_945 = arith.addi %add3A_931, %add3A_944 : i32
        %get3A_946 = arith.index_cast %add3A_945 : i32 to index
        %get3A_947 = tpu.vector_load %arg6[%get3A_946] {strides = array<i32>} : memref<13312xf32, #tpu.memory_space<vmem>>, vector<16xf32>,
        %mul3A_948 = vector.broadcast %squeeze3A_929 : f32 to vector<16xf32>
        %mul3A_949 = arith.mulf %mul3A_948, %get3A_947 : vector<16xf32>
        %add3A_950 = arith.addf %add3A_920, %mul3A_949 : vector<16xf32>
        %add3A_951 = arith.constant 48 : i32
        %add3A_952 = arith.addi %add3A_931, %add3A_951 : i32
        %get3A_953 = arith.index_cast %add3A_952 : i32 to index
        %get3A_954 = tpu.vector_load %arg6[%get3A_953] {strides = array<i32>} : memref<13312xf32, #tpu.memory_space<vmem>>, vector<16xf32>,
        %mul3A_955 = vector.broadcast %squeeze3A_929 : f32 to vector<16xf32>
        %mul3A_956 = arith.mulf %mul3A_955, %get3A_954 : vector<16xf32>
        %add3A_957 = arith.addf %add3A_927, %mul3A_956 : vector<16xf32>
        %slice3A_958 = vector.extract_strided_slice %get3A_777 {offsets = [6], sizes = [1], strides = [1]} : vector<16xf32> to vector<1xf32>
        %squeeze3A_959 = vector.extract %slice3A_958[0] : f32 from vector<1xf32>
        %add3A_960 = arith.constant 384 : i32
        %add3A_961 = arith.addi %mul3A_779, %add3A_960 : i32
        %get3A_962 = arith.index_cast %add3A_961 : i32 to index
        %get3A_963 = tpu.vector_load %arg6[%get3A_962] {strides = array<i32>} : memref<13312xf32, #tpu.memory_space<vmem>>, vector<16xf32>,
        %mul3A_964 = vector.broadcast %squeeze3A_959 : f32 to vector<16xf32>
        %mul3A_965 = arith.mulf %mul3A_964, %get3A_963 : vector<16xf32>
        %add3A_966 = arith.addf %add3A_936, %mul3A_965 : vector<16xf32>
        %add3A_967 = arith.constant 16 : i32
        %add3A_968 = arith.addi %add3A_961, %add3A_967 : i32
        %get3A_969 = arith.index_cast %add3A_968 : i32 to index
        %get3A_970 = tpu.vector_load %arg6[%get3A_969] {strides = array<i32>} : memref<13312xf32, #tpu.memory_space<vmem>>, vector<16xf32>,
        %mul3A_971 = vector.broadcast %squeeze3A_959 : f32 to vector<16xf32>
        %mul3A_972 = arith.mulf %mul3A_971, %get3A_970 : vector<16xf32>
        %add3A_973 = arith.addf %add3A_943, %mul3A_972 : vector<16xf32>
        %add3A_974 = arith.constant 32 : i32
        %add3A_975 = arith.addi %add3A_961, %add3A_974 : i32
        %get3A_976 = arith.index_cast %add3A_975 : i32 to index
        %get3A_977 = tpu.vector_load %arg6[%get3A_976] {strides = array<i32>} : memref<13312xf32, #tpu.memory_space<vmem>>, vector<16xf32>,
        %mul3A_978 = vector.broadcast %squeeze3A_959 : f32 to vector<16xf32>
        %mul3A_979 = arith.mulf %mul3A_978, %get3A_977 : vector<16xf32>
        %add3A_980 = arith.addf %add3A_950, %mul3A_979 : vector<16xf32>
        %add3A_981 = arith.constant 48 : i32
        %add3A_982 = arith.addi %add3A_961, %add3A_981 : i32
        %get3A_983 = arith.index_cast %add3A_982 : i32 to index
        %get3A_984 = tpu.vector_load %arg6[%get3A_983] {strides = array<i32>} : memref<13312xf32, #tpu.memory_space<vmem>>, vector<16xf32>,
        %mul3A_985 = vector.broadcast %squeeze3A_959 : f32 to vector<16xf32>
        %mul3A_986 = arith.mulf %mul3A_985, %get3A_984 : vector<16xf32>
        %add3A_987 = arith.addf %add3A_957, %mul3A_986 : vector<16xf32>
        %slice3A_988 = vector.extract_strided_slice %get3A_777 {offsets = [7], sizes = [1], strides = [1]} : vector<16xf32> to vector<1xf32>
        %squeeze3A_989 = vector.extract %slice3A_988[0] : f32 from vector<1xf32>
        %add3A_990 = arith.constant 448 : i32
        %add3A_991 = arith.addi %mul3A_779, %add3A_990 : i32
        %get3A_992 = arith.index_cast %add3A_991 : i32 to index
        %get3A_993 = tpu.vector_load %arg6[%get3A_992] {strides = array<i32>} : memref<13312xf32, #tpu.memory_space<vmem>>, vector<16xf32>,
        %mul3A_994 = vector.broadcast %squeeze3A_989 : f32 to vector<16xf32>
        %mul3A_995 = arith.mulf %mul3A_994, %get3A_993 : vector<16xf32>
        %add3A_996 = arith.addf %add3A_966, %mul3A_995 : vector<16xf32>
        %add3A_997 = arith.constant 16 : i32
        %add3A_998 = arith.addi %add3A_991, %add3A_997 : i32
        %get3A_999 = arith.index_cast %add3A_998 : i32 to index
        %get3A_1000 = tpu.vector_load %arg6[%get3A_999] {strides = array<i32>} : memref<13312xf32, #tpu.memory_space<vmem>>, vector<16xf32>,
        %mul3A_1001 = vector.broadcast %squeeze3A_989 : f32 to vector<16xf32>
        %mul3A_1002 = arith.mulf %mul3A_1001, %get3A_1000 : vector<16xf32>
        %add3A_1003 = arith.addf %add3A_973, %mul3A_1002 : vector<16xf32>
        %add3A_1004 = arith.constant 32 : i32
        %add3A_1005 = arith.addi %add3A_991, %add3A_1004 : i32
        %get3A_1006 = arith.index_cast %add3A_1005 : i32 to index
        %get3A_1007 = tpu.vector_load %arg6[%get3A_1006] {strides = array<i32>} : memref<13312xf32, #tpu.memory_space<vmem>>, vector<16xf32>,
        %mul3A_1008 = vector.broadcast %squeeze3A_989 : f32 to vector<16xf32>
        %mul3A_1009 = arith.mulf %mul3A_1008, %get3A_1007 : vector<16xf32>
        %add3A_1010 = arith.addf %add3A_980, %mul3A_1009 : vector<16xf32>
        %add3A_1011 = arith.constant 48 : i32
        %add3A_1012 = arith.addi %add3A_991, %add3A_1011 : i32
        %get3A_1013 = arith.index_cast %add3A_1012 : i32 to index
        %get3A_1014 = tpu.vector_load %arg6[%get3A_1013] {strides = array<i32>} : memref<13312xf32, #tpu.memory_space<vmem>>, vector<16xf32>,
        %mul3A_1015 = vector.broadcast %squeeze3A_989 : f32 to vector<16xf32>
        %mul3A_1016 = arith.mulf %mul3A_1015, %get3A_1014 : vector<16xf32>
        %add3A_1017 = arith.addf %add3A_987, %mul3A_1016 : vector<16xf32>
        %slice3A_1018 = vector.extract_strided_slice %get3A_777 {offsets = [8], sizes = [1], strides = [1]} : vector<16xf32> to vector<1xf32>
        %squeeze3A_1019 = vector.extract %slice3A_1018[0] : f32 from vector<1xf32>
        %add3A_1020 = arith.constant 512 : i32
        %add3A_1021 = arith.addi %mul3A_779, %add3A_1020 : i32
        %get3A_1022 = arith.index_cast %add3A_1021 : i32 to index
        %get3A_1023 = tpu.vector_load %arg6[%get3A_1022] {strides = array<i32>} : memref<13312xf32, #tpu.memory_space<vmem>>, vector<16xf32>,
        %mul3A_1024 = vector.broadcast %squeeze3A_1019 : f32 to vector<16xf32>
        %mul3A_1025 = arith.mulf %mul3A_1024, %get3A_1023 : vector<16xf32>
        %add3A_1026 = arith.addf %add3A_996, %mul3A_1025 : vector<16xf32>
        %add3A_1027 = arith.constant 16 : i32
        %add3A_1028 = arith.addi %add3A_1021, %add3A_1027 : i32
        %get3A_1029 = arith.index_cast %add3A_1028 : i32 to index
        %get3A_1030 = tpu.vector_load %arg6[%get3A_1029] {strides = array<i32>} : memref<13312xf32, #tpu.memory_space<vmem>>, vector<16xf32>,
        %mul3A_1031 = vector.broadcast %squeeze3A_1019 : f32 to vector<16xf32>
        %mul3A_1032 = arith.mulf %mul3A_1031, %get3A_1030 : vector<16xf32>
        %add3A_1033 = arith.addf %add3A_1003, %mul3A_1032 : vector<16xf32>
        %add3A_1034 = arith.constant 32 : i32
        %add3A_1035 = arith.addi %add3A_1021, %add3A_1034 : i32
        %get3A_1036 = arith.index_cast %add3A_1035 : i32 to index
        %get3A_1037 = tpu.vector_load %arg6[%get3A_1036] {strides = array<i32>} : memref<13312xf32, #tpu.memory_space<vmem>>, vector<16xf32>,
        %mul3A_1038 = vector.broadcast %squeeze3A_1019 : f32 to vector<16xf32>
        %mul3A_1039 = arith.mulf %mul3A_1038, %get3A_1037 : vector<16xf32>
        %add3A_1040 = arith.addf %add3A_1010, %mul3A_1039 : vector<16xf32>
        %add3A_1041 = arith.constant 48 : i32
        %add3A_1042 = arith.addi %add3A_1021, %add3A_1041 : i32
        %get3A_1043 = arith.index_cast %add3A_1042 : i32 to index
        %get3A_1044 = tpu.vector_load %arg6[%get3A_1043] {strides = array<i32>} : memref<13312xf32, #tpu.memory_space<vmem>>, vector<16xf32>,
        %mul3A_1045 = vector.broadcast %squeeze3A_1019 : f32 to vector<16xf32>
        %mul3A_1046 = arith.mulf %mul3A_1045, %get3A_1044 : vector<16xf32>
        %add3A_1047 = arith.addf %add3A_1017, %mul3A_1046 : vector<16xf32>
        %slice3A_1048 = vector.extract_strided_slice %get3A_777 {offsets = [9], sizes = [1], strides = [1]} : vector<16xf32> to vector<1xf32>
        %squeeze3A_1049 = vector.extract %slice3A_1048[0] : f32 from vector<1xf32>
        %add3A_1050 = arith.constant 576 : i32
        %add3A_1051 = arith.addi %mul3A_779, %add3A_1050 : i32
        %get3A_1052 = arith.index_cast %add3A_1051 : i32 to index
        %get3A_1053 = tpu.vector_load %arg6[%get3A_1052] {strides = array<i32>} : memref<13312xf32, #tpu.memory_space<vmem>>, vector<16xf32>,
        %mul3A_1054 = vector.broadcast %squeeze3A_1049 : f32 to vector<16xf32>
        %mul3A_1055 = arith.mulf %mul3A_1054, %get3A_1053 : vector<16xf32>
        %add3A_1056 = arith.addf %add3A_1026, %mul3A_1055 : vector<16xf32>
        %add3A_1057 = arith.constant 16 : i32
        %add3A_1058 = arith.addi %add3A_1051, %add3A_1057 : i32
        %get3A_1059 = arith.index_cast %add3A_1058 : i32 to index
        %get3A_1060 = tpu.vector_load %arg6[%get3A_1059] {strides = array<i32>} : memref<13312xf32, #tpu.memory_space<vmem>>, vector<16xf32>,
        %mul3A_1061 = vector.broadcast %squeeze3A_1049 : f32 to vector<16xf32>
        %mul3A_1062 = arith.mulf %mul3A_1061, %get3A_1060 : vector<16xf32>
        %add3A_1063 = arith.addf %add3A_1033, %mul3A_1062 : vector<16xf32>
        %add3A_1064 = arith.constant 32 : i32
        %add3A_1065 = arith.addi %add3A_1051, %add3A_1064 : i32
        %get3A_1066 = arith.index_cast %add3A_1065 : i32 to index
        %get3A_1067 = tpu.vector_load %arg6[%get3A_1066] {strides = array<i32>} : memref<13312xf32, #tpu.memory_space<vmem>>, vector<16xf32>,
        %mul3A_1068 = vector.broadcast %squeeze3A_1049 : f32 to vector<16xf32>
        %mul3A_1069 = arith.mulf %mul3A_1068, %get3A_1067 : vector<16xf32>
        %add3A_1070 = arith.addf %add3A_1040, %mul3A_1069 : vector<16xf32>
        %add3A_1071 = arith.constant 48 : i32
        %add3A_1072 = arith.addi %add3A_1051, %add3A_1071 : i32
        %get3A_1073 = arith.index_cast %add3A_1072 : i32 to index
        %get3A_1074 = tpu.vector_load %arg6[%get3A_1073] {strides = array<i32>} : memref<13312xf32, #tpu.memory_space<vmem>>, vector<16xf32>,
        %mul3A_1075 = vector.broadcast %squeeze3A_1049 : f32 to vector<16xf32>
        %mul3A_1076 = arith.mulf %mul3A_1075, %get3A_1074 : vector<16xf32>
        %add3A_1077 = arith.addf %add3A_1047, %mul3A_1076 : vector<16xf32>
        %slice3A_1078 = vector.extract_strided_slice %get3A_777 {offsets = [10], sizes = [1], strides = [1]} : vector<16xf32> to vector<1xf32>
        %squeeze3A_1079 = vector.extract %slice3A_1078[0] : f32 from vector<1xf32>
        %add3A_1080 = arith.constant 640 : i32
        %add3A_1081 = arith.addi %mul3A_779, %add3A_1080 : i32
        %get3A_1082 = arith.index_cast %add3A_1081 : i32 to index
        %get3A_1083 = tpu.vector_load %arg6[%get3A_1082] {strides = array<i32>} : memref<13312xf32, #tpu.memory_space<vmem>>, vector<16xf32>,
        %mul3A_1084 = vector.broadcast %squeeze3A_1079 : f32 to vector<16xf32>
        %mul3A_1085 = arith.mulf %mul3A_1084, %get3A_1083 : vector<16xf32>
        %add3A_1086 = arith.addf %add3A_1056, %mul3A_1085 : vector<16xf32>
        %add3A_1087 = arith.constant 16 : i32
        %add3A_1088 = arith.addi %add3A_1081, %add3A_1087 : i32
        %get3A_1089 = arith.index_cast %add3A_1088 : i32 to index
        %get3A_1090 = tpu.vector_load %arg6[%get3A_1089] {strides = array<i32>} : memref<13312xf32, #tpu.memory_space<vmem>>, vector<16xf32>,
        %mul3A_1091 = vector.broadcast %squeeze3A_1079 : f32 to vector<16xf32>
        %mul3A_1092 = arith.mulf %mul3A_1091, %get3A_1090 : vector<16xf32>
        %add3A_1093 = arith.addf %add3A_1063, %mul3A_1092 : vector<16xf32>
        %add3A_1094 = arith.constant 32 : i32
        %add3A_1095 = arith.addi %add3A_1081, %add3A_1094 : i32
        %get3A_1096 = arith.index_cast %add3A_1095 : i32 to index
        %get3A_1097 = tpu.vector_load %arg6[%get3A_1096] {strides = array<i32>} : memref<13312xf32, #tpu.memory_space<vmem>>, vector<16xf32>,
        %mul3A_1098 = vector.broadcast %squeeze3A_1079 : f32 to vector<16xf32>
        %mul3A_1099 = arith.mulf %mul3A_1098, %get3A_1097 : vector<16xf32>
        %add3A_1100 = arith.addf %add3A_1070, %mul3A_1099 : vector<16xf32>
        %add3A_1101 = arith.constant 48 : i32
        %add3A_1102 = arith.addi %add3A_1081, %add3A_1101 : i32
        %get3A_1103 = arith.index_cast %add3A_1102 : i32 to index
        %get3A_1104 = tpu.vector_load %arg6[%get3A_1103] {strides = array<i32>} : memref<13312xf32, #tpu.memory_space<vmem>>, vector<16xf32>,
        %mul3A_1105 = vector.broadcast %squeeze3A_1079 : f32 to vector<16xf32>
        %mul3A_1106 = arith.mulf %mul3A_1105, %get3A_1104 : vector<16xf32>
        %add3A_1107 = arith.addf %add3A_1077, %mul3A_1106 : vector<16xf32>
        %slice3A_1108 = vector.extract_strided_slice %get3A_777 {offsets = [11], sizes = [1], strides = [1]} : vector<16xf32> to vector<1xf32>
        %squeeze3A_1109 = vector.extract %slice3A_1108[0] : f32 from vector<1xf32>
        %add3A_1110 = arith.constant 704 : i32
        %add3A_1111 = arith.addi %mul3A_779, %add3A_1110 : i32
        %get3A_1112 = arith.index_cast %add3A_1111 : i32 to index
        %get3A_1113 = tpu.vector_load %arg6[%get3A_1112] {strides = array<i32>} : memref<13312xf32, #tpu.memory_space<vmem>>, vector<16xf32>,
        %mul3A_1114 = vector.broadcast %squeeze3A_1109 : f32 to vector<16xf32>
        %mul3A_1115 = arith.mulf %mul3A_1114, %get3A_1113 : vector<16xf32>
        %add3A_1116 = arith.addf %add3A_1086, %mul3A_1115 : vector<16xf32>
        %add3A_1117 = arith.constant 16 : i32
        %add3A_1118 = arith.addi %add3A_1111, %add3A_1117 : i32
        %get3A_1119 = arith.index_cast %add3A_1118 : i32 to index
        %get3A_1120 = tpu.vector_load %arg6[%get3A_1119] {strides = array<i32>} : memref<13312xf32, #tpu.memory_space<vmem>>, vector<16xf32>,
        %mul3A_1121 = vector.broadcast %squeeze3A_1109 : f32 to vector<16xf32>
        %mul3A_1122 = arith.mulf %mul3A_1121, %get3A_1120 : vector<16xf32>
        %add3A_1123 = arith.addf %add3A_1093, %mul3A_1122 : vector<16xf32>
        %add3A_1124 = arith.constant 32 : i32
        %add3A_1125 = arith.addi %add3A_1111, %add3A_1124 : i32
        %get3A_1126 = arith.index_cast %add3A_1125 : i32 to index
        %get3A_1127 = tpu.vector_load %arg6[%get3A_1126] {strides = array<i32>} : memref<13312xf32, #tpu.memory_space<vmem>>, vector<16xf32>,
        %mul3A_1128 = vector.broadcast %squeeze3A_1109 : f32 to vector<16xf32>
        %mul3A_1129 = arith.mulf %mul3A_1128, %get3A_1127 : vector<16xf32>
        %add3A_1130 = arith.addf %add3A_1100, %mul3A_1129 : vector<16xf32>
        %add3A_1131 = arith.constant 48 : i32
        %add3A_1132 = arith.addi %add3A_1111, %add3A_1131 : i32
        %get3A_1133 = arith.index_cast %add3A_1132 : i32 to index
        %get3A_1134 = tpu.vector_load %arg6[%get3A_1133] {strides = array<i32>} : memref<13312xf32, #tpu.memory_space<vmem>>, vector<16xf32>,
        %mul3A_1135 = vector.broadcast %squeeze3A_1109 : f32 to vector<16xf32>
        %mul3A_1136 = arith.mulf %mul3A_1135, %get3A_1134 : vector<16xf32>
        %add3A_1137 = arith.addf %add3A_1107, %mul3A_1136 : vector<16xf32>
        %slice3A_1138 = vector.extract_strided_slice %get3A_777 {offsets = [12], sizes = [1], strides = [1]} : vector<16xf32> to vector<1xf32>
        %squeeze3A_1139 = vector.extract %slice3A_1138[0] : f32 from vector<1xf32>
        %add3A_1140 = arith.constant 768 : i32
        %add3A_1141 = arith.addi %mul3A_779, %add3A_1140 : i32
        %get3A_1142 = arith.index_cast %add3A_1141 : i32 to index
        %get3A_1143 = tpu.vector_load %arg6[%get3A_1142] {strides = array<i32>} : memref<13312xf32, #tpu.memory_space<vmem>>, vector<16xf32>,
        %mul3A_1144 = vector.broadcast %squeeze3A_1139 : f32 to vector<16xf32>
        %mul3A_1145 = arith.mulf %mul3A_1144, %get3A_1143 : vector<16xf32>
        %add3A_1146 = arith.addf %add3A_1116, %mul3A_1145 : vector<16xf32>
        %add3A_1147 = arith.constant 16 : i32
        %add3A_1148 = arith.addi %add3A_1141, %add3A_1147 : i32
        %get3A_1149 = arith.index_cast %add3A_1148 : i32 to index
        %get3A_1150 = tpu.vector_load %arg6[%get3A_1149] {strides = array<i32>} : memref<13312xf32, #tpu.memory_space<vmem>>, vector<16xf32>,
        %mul3A_1151 = vector.broadcast %squeeze3A_1139 : f32 to vector<16xf32>
        %mul3A_1152 = arith.mulf %mul3A_1151, %get3A_1150 : vector<16xf32>
        %add3A_1153 = arith.addf %add3A_1123, %mul3A_1152 : vector<16xf32>
        %add3A_1154 = arith.constant 32 : i32
        %add3A_1155 = arith.addi %add3A_1141, %add3A_1154 : i32
        %get3A_1156 = arith.index_cast %add3A_1155 : i32 to index
        %get3A_1157 = tpu.vector_load %arg6[%get3A_1156] {strides = array<i32>} : memref<13312xf32, #tpu.memory_space<vmem>>, vector<16xf32>,
        %mul3A_1158 = vector.broadcast %squeeze3A_1139 : f32 to vector<16xf32>
        %mul3A_1159 = arith.mulf %mul3A_1158, %get3A_1157 : vector<16xf32>
        %add3A_1160 = arith.addf %add3A_1130, %mul3A_1159 : vector<16xf32>
        %add3A_1161 = arith.constant 48 : i32
        %add3A_1162 = arith.addi %add3A_1141, %add3A_1161 : i32
        %get3A_1163 = arith.index_cast %add3A_1162 : i32 to index
        %get3A_1164 = tpu.vector_load %arg6[%get3A_1163] {strides = array<i32>} : memref<13312xf32, #tpu.memory_space<vmem>>, vector<16xf32>,
        %mul3A_1165 = vector.broadcast %squeeze3A_1139 : f32 to vector<16xf32>
        %mul3A_1166 = arith.mulf %mul3A_1165, %get3A_1164 : vector<16xf32>
        %add3A_1167 = arith.addf %add3A_1137, %mul3A_1166 : vector<16xf32>
        %slice3A_1168 = vector.extract_strided_slice %get3A_777 {offsets = [13], sizes = [1], strides = [1]} : vector<16xf32> to vector<1xf32>
        %squeeze3A_1169 = vector.extract %slice3A_1168[0] : f32 from vector<1xf32>
        %add3A_1170 = arith.constant 832 : i32
        %add3A_1171 = arith.addi %mul3A_779, %add3A_1170 : i32
        %get3A_1172 = arith.index_cast %add3A_1171 : i32 to index
        %get3A_1173 = tpu.vector_load %arg6[%get3A_1172] {strides = array<i32>} : memref<13312xf32, #tpu.memory_space<vmem>>, vector<16xf32>,
        %mul3A_1174 = vector.broadcast %squeeze3A_1169 : f32 to vector<16xf32>
        %mul3A_1175 = arith.mulf %mul3A_1174, %get3A_1173 : vector<16xf32>
        %add3A_1176 = arith.addf %add3A_1146, %mul3A_1175 : vector<16xf32>
        %add3A_1177 = arith.constant 16 : i32
        %add3A_1178 = arith.addi %add3A_1171, %add3A_1177 : i32
        %get3A_1179 = arith.index_cast %add3A_1178 : i32 to index
        %get3A_1180 = tpu.vector_load %arg6[%get3A_1179] {strides = array<i32>} : memref<13312xf32, #tpu.memory_space<vmem>>, vector<16xf32>,
        %mul3A_1181 = vector.broadcast %squeeze3A_1169 : f32 to vector<16xf32>
        %mul3A_1182 = arith.mulf %mul3A_1181, %get3A_1180 : vector<16xf32>
        %add3A_1183 = arith.addf %add3A_1153, %mul3A_1182 : vector<16xf32>
        %add3A_1184 = arith.constant 32 : i32
        %add3A_1185 = arith.addi %add3A_1171, %add3A_1184 : i32
        %get3A_1186 = arith.index_cast %add3A_1185 : i32 to index
        %get3A_1187 = tpu.vector_load %arg6[%get3A_1186] {strides = array<i32>} : memref<13312xf32, #tpu.memory_space<vmem>>, vector<16xf32>,
        %mul3A_1188 = vector.broadcast %squeeze3A_1169 : f32 to vector<16xf32>
        %mul3A_1189 = arith.mulf %mul3A_1188, %get3A_1187 : vector<16xf32>
        %add3A_1190 = arith.addf %add3A_1160, %mul3A_1189 : vector<16xf32>
        %add3A_1191 = arith.constant 48 : i32
        %add3A_1192 = arith.addi %add3A_1171, %add3A_1191 : i32
        %get3A_1193 = arith.index_cast %add3A_1192 : i32 to index
        %get3A_1194 = tpu.vector_load %arg6[%get3A_1193] {strides = array<i32>} : memref<13312xf32, #tpu.memory_space<vmem>>, vector<16xf32>,
        %mul3A_1195 = vector.broadcast %squeeze3A_1169 : f32 to vector<16xf32>
        %mul3A_1196 = arith.mulf %mul3A_1195, %get3A_1194 : vector<16xf32>
        %add3A_1197 = arith.addf %add3A_1167, %mul3A_1196 : vector<16xf32>
        %slice3A_1198 = vector.extract_strided_slice %get3A_777 {offsets = [14], sizes = [1], strides = [1]} : vector<16xf32> to vector<1xf32>
        %squeeze3A_1199 = vector.extract %slice3A_1198[0] : f32 from vector<1xf32>
        %add3A_1200 = arith.constant 896 : i32
        %add3A_1201 = arith.addi %mul3A_779, %add3A_1200 : i32
        %get3A_1202 = arith.index_cast %add3A_1201 : i32 to index
        %get3A_1203 = tpu.vector_load %arg6[%get3A_1202] {strides = array<i32>} : memref<13312xf32, #tpu.memory_space<vmem>>, vector<16xf32>,
        %mul3A_1204 = vector.broadcast %squeeze3A_1199 : f32 to vector<16xf32>
        %mul3A_1205 = arith.mulf %mul3A_1204, %get3A_1203 : vector<16xf32>
        %add3A_1206 = arith.addf %add3A_1176, %mul3A_1205 : vector<16xf32>
        %add3A_1207 = arith.constant 16 : i32
        %add3A_1208 = arith.addi %add3A_1201, %add3A_1207 : i32
        %get3A_1209 = arith.index_cast %add3A_1208 : i32 to index
        %get3A_1210 = tpu.vector_load %arg6[%get3A_1209] {strides = array<i32>} : memref<13312xf32, #tpu.memory_space<vmem>>, vector<16xf32>,
        %mul3A_1211 = vector.broadcast %squeeze3A_1199 : f32 to vector<16xf32>
        %mul3A_1212 = arith.mulf %mul3A_1211, %get3A_1210 : vector<16xf32>
        %add3A_1213 = arith.addf %add3A_1183, %mul3A_1212 : vector<16xf32>
        %add3A_1214 = arith.constant 32 : i32
        %add3A_1215 = arith.addi %add3A_1201, %add3A_1214 : i32
        %get3A_1216 = arith.index_cast %add3A_1215 : i32 to index
        %get3A_1217 = tpu.vector_load %arg6[%get3A_1216] {strides = array<i32>} : memref<13312xf32, #tpu.memory_space<vmem>>, vector<16xf32>,
        %mul3A_1218 = vector.broadcast %squeeze3A_1199 : f32 to vector<16xf32>
        %mul3A_1219 = arith.mulf %mul3A_1218, %get3A_1217 : vector<16xf32>
        %add3A_1220 = arith.addf %add3A_1190, %mul3A_1219 : vector<16xf32>
        %add3A_1221 = arith.constant 48 : i32
        %add3A_1222 = arith.addi %add3A_1201, %add3A_1221 : i32
        %get3A_1223 = arith.index_cast %add3A_1222 : i32 to index
        %get3A_1224 = tpu.vector_load %arg6[%get3A_1223] {strides = array<i32>} : memref<13312xf32, #tpu.memory_space<vmem>>, vector<16xf32>,
        %mul3A_1225 = vector.broadcast %squeeze3A_1199 : f32 to vector<16xf32>
        %mul3A_1226 = arith.mulf %mul3A_1225, %get3A_1224 : vector<16xf32>
        %add3A_1227 = arith.addf %add3A_1197, %mul3A_1226 : vector<16xf32>
        %slice3A_1228 = vector.extract_strided_slice %get3A_777 {offsets = [15], sizes = [1], strides = [1]} : vector<16xf32> to vector<1xf32>
        %squeeze3A_1229 = vector.extract %slice3A_1228[0] : f32 from vector<1xf32>
        %add3A_1230 = arith.constant 960 : i32
        %add3A_1231 = arith.addi %mul3A_779, %add3A_1230 : i32
        %get3A_1232 = arith.index_cast %add3A_1231 : i32 to index
        %get3A_1233 = tpu.vector_load %arg6[%get3A_1232] {strides = array<i32>} : memref<13312xf32, #tpu.memory_space<vmem>>, vector<16xf32>,
        %mul3A_1234 = vector.broadcast %squeeze3A_1229 : f32 to vector<16xf32>
        %mul3A_1235 = arith.mulf %mul3A_1234, %get3A_1233 : vector<16xf32>
        %add3A_1236 = arith.addf %add3A_1206, %mul3A_1235 : vector<16xf32>
        %add3A_1237 = arith.constant 16 : i32
        %add3A_1238 = arith.addi %add3A_1231, %add3A_1237 : i32
        %get3A_1239 = arith.index_cast %add3A_1238 : i32 to index
        %get3A_1240 = tpu.vector_load %arg6[%get3A_1239] {strides = array<i32>} : memref<13312xf32, #tpu.memory_space<vmem>>, vector<16xf32>,
        %mul3A_1241 = vector.broadcast %squeeze3A_1229 : f32 to vector<16xf32>
        %mul3A_1242 = arith.mulf %mul3A_1241, %get3A_1240 : vector<16xf32>
        %add3A_1243 = arith.addf %add3A_1213, %mul3A_1242 : vector<16xf32>
        %add3A_1244 = arith.constant 32 : i32
        %add3A_1245 = arith.addi %add3A_1231, %add3A_1244 : i32
        %get3A_1246 = arith.index_cast %add3A_1245 : i32 to index
        %get3A_1247 = tpu.vector_load %arg6[%get3A_1246] {strides = array<i32>} : memref<13312xf32, #tpu.memory_space<vmem>>, vector<16xf32>,
        %mul3A_1248 = vector.broadcast %squeeze3A_1229 : f32 to vector<16xf32>
        %mul3A_1249 = arith.mulf %mul3A_1248, %get3A_1247 : vector<16xf32>
        %add3A_1250 = arith.addf %add3A_1220, %mul3A_1249 : vector<16xf32>
        %add3A_1251 = arith.constant 48 : i32
        %add3A_1252 = arith.addi %add3A_1231, %add3A_1251 : i32
        %get3A_1253 = arith.index_cast %add3A_1252 : i32 to index
        %get3A_1254 = tpu.vector_load %arg6[%get3A_1253] {strides = array<i32>} : memref<13312xf32, #tpu.memory_space<vmem>>, vector<16xf32>,
        %mul3A_1255 = vector.broadcast %squeeze3A_1229 : f32 to vector<16xf32>
        %mul3A_1256 = arith.mulf %mul3A_1255, %get3A_1254 : vector<16xf32>
        %add3A_1257 = arith.addf %add3A_1227, %mul3A_1256 : vector<16xf32>
        scf.yield %add3A_1236, %add3A_1243, %add3A_1250, %add3A_1257 : vector<16xf32>, vector<16xf32>, vector<16xf32>, vector<16xf32>
      }
      %scan3A_728 = arith.constant 13 : i32
      %mul3A_729 = arith.constant 64 : i32
      %mul3A_730 = arith.muli %select_n3A_491, %mul3A_729 : i32
      %mul3A_731 = arith.mulf %scan3A_727#0, %div3A_720 : vector<16xf32>
      %swap3A_732 = arith.index_cast %mul3A_730 : i32 to index
      %swap3A_733 = tpu.vector_load %arg9[%swap3A_732] {strides = array<i32>} : memref<1024xf32, #tpu.memory_space<vmem>>, vector<16xf32>,
      tpu.vector_store %arg9[%swap3A_732], %mul3A_731 {strides = array<i32>} : memref<1024xf32, #tpu.memory_space<vmem>>, vector<16xf32>,
      %mul3A_734 = arith.mulf %scan3A_727#1, %div3A_720 : vector<16xf32>
      %add3A_735 = arith.constant 16 : i32
      %add3A_736 = arith.addi %mul3A_730, %add3A_735 : i32
      %swap3A_737 = arith.index_cast %add3A_736 : i32 to index
      %swap3A_738 = tpu.vector_load %arg9[%swap3A_737] {strides = array<i32>} : memref<1024xf32, #tpu.memory_space<vmem>>, vector<16xf32>,
      tpu.vector_store %arg9[%swap3A_737], %mul3A_734 {strides = array<i32>} : memref<1024xf32, #tpu.memory_space<vmem>>, vector<16xf32>,
      %mul3A_739 = arith.mulf %scan3A_727#2, %div3A_720 : vector<16xf32>
      %add3A_740 = arith.constant 32 : i32
      %add3A_741 = arith.addi %mul3A_730, %add3A_740 : i32
      %swap3A_742 = arith.index_cast %add3A_741 : i32 to index
      %swap3A_743 = tpu.vector_load %arg9[%swap3A_742] {strides = array<i32>} : memref<1024xf32, #tpu.memory_space<vmem>>, vector<16xf32>,
      tpu.vector_store %arg9[%swap3A_742], %mul3A_739 {strides = array<i32>} : memref<1024xf32, #tpu.memory_space<vmem>>, vector<16xf32>,
      %mul3A_744 = arith.mulf %scan3A_727#3, %div3A_720 : vector<16xf32>
      %add3A_745 = arith.constant 48 : i32
      %add3A_746 = arith.addi %mul3A_730, %add3A_745 : i32
      %swap3A_747 = arith.index_cast %add3A_746 : i32 to index
      %swap3A_748 = tpu.vector_load %arg9[%swap3A_747] {strides = array<i32>} : memref<1024xf32, #tpu.memory_space<vmem>>, vector<16xf32>,
      tpu.vector_store %arg9[%swap3A_747], %mul3A_744 {strides = array<i32>} : memref<1024xf32, #tpu.memory_space<vmem>>, vector<16xf32>,
      %jit3A_749 = arith.constant 8 : i32
      %eq3A_750 = arith.constant 0 : i32
      %eq3A_751 = arith.cmpi eq, %jit3A_749, %eq3A_750 : i32
      %jit3A_752 = arith.constant 1 : i32
      %select_n3A_753 = arith.select %eq3A_751, %jit3A_752, %jit3A_749 : i32
      %rem3A_754 = arith.remsi %scan3A_158, %select_n3A_753 : i32
      %ne3A_755 = arith.constant 0 : i32
      %ne3A_756 = arith.cmpi ne, %rem3A_754, %ne3A_755 : i32
      %lt3A_757 = arith.constant 0 : i32
      %lt3A_758 = arith.cmpi slt, %rem3A_754, %lt3A_757 : i32
      %lt3A_759 = arith.constant 0 : i32
      %lt3A_760 = arith.cmpi slt, %select_n3A_753, %lt3A_759 : i32
      %ne3A_761 = arith.xori %lt3A_758, %lt3A_760 : i1
      %and3A_762 = arith.andi %ne3A_761, %ne3A_756 : i1
      %add3A_763 = arith.addi %rem3A_754, %select_n3A_753 : i32
      %select_n3A_764 = arith.select %and3A_762, %add3A_763, %rem3A_754 : i32
      %eq3A_765 = arith.constant 7 : i32
      %eq3A_766 = arith.cmpi eq, %select_n3A_764, %eq3A_765 : i32
      %convert_element_type3A = arith.extui %eq3A_766 : i1 to i32
      %cond3A = arith.constant 0 : i32
      %cond3A_767 = arith.cmpi ne, %convert_element_type3A, %cond3A : i32
      scf.if %cond3A_767 {
        %jit3A_769 = arith.constant 8 : i32
        %div3A_770 = arith.divsi %scan3A_158, %jit3A_769 : i32
        %sign3A = arith.constant 0 : i32
        %sign3A_771 = arith.cmpi sgt, %scan3A_158, %sign3A : i32
        %sign3A_772 = arith.extui %sign3A_771 : i1 to i32
        %sign3A_773 = arith.constant 0 : i32
        %sign3A_774 = arith.cmpi slt, %scan3A_158, %sign3A_773 : i32
        %sign3A_775 = arith.extui %sign3A_774 : i1 to i32
        %sign3A_776 = arith.subi %sign3A_772, %sign3A_775 : i32
        %sign3A_777 = arith.constant 0 : i32
        %sign3A_778 = arith.cmpi sgt, %jit3A_769, %sign3A_777 : i32
        %sign3A_779 = arith.extui %sign3A_778 : i1 to i32
        %sign3A_780 = arith.constant 0 : i32
        %sign3A_781 = arith.cmpi slt, %jit3A_769, %sign3A_780 : i32
        %sign3A_782 = arith.extui %sign3A_781 : i1 to i32
        %sign3A_783 = arith.subi %sign3A_779, %sign3A_782 : i32
        %ne3A_784 = arith.cmpi ne, %sign3A_776, %sign3A_783 : i32
        %rem3A_785 = arith.remsi %scan3A_158, %jit3A_769 : i32
        %ne3A_786 = arith.constant 0 : i32
        %ne3A_787 = arith.cmpi ne, %rem3A_785, %ne3A_786 : i32
        %and3A_788 = arith.andi %ne3A_784, %ne3A_787 : i1
        %sub3A_789 = arith.constant 1 : i32
        %sub3A_790 = arith.subi %div3A_770, %sub3A_789 : i32
        %select_n3A_791 = arith.select %and3A_788, %sub3A_790, %div3A_770 : i32
        %mul3A_792 = arith.constant 16 : i32
        %mul3A_793 = arith.muli %select_n3A_791, %mul3A_792 : i32
        %add3A_794 = arith.addi %mul3A_2, %mul3A_793 : i32
        %mul3A_795 = arith.constant 64 : i32
        %mul3A_796 = arith.muli %add3A_794, %mul3A_795 : i32
        "tpu.region"() ({
          %run_scoped3A = tpu.sem_alloc : memref<!tpu.dma_semaphore, #tpu.memory_space<semaphore_mem>>
          %dma_start3A_797 = tpu.memref_slice %arg4[%mul3A_796] : memref<262144xf32, #tpu.memory_space<hbm>> -> memref<1024xf32, #tpu.memory_space<hbm>>
          %dma_start3A_798 = tpu.memref_slice %arg4[%mul3A_796] : memref<262144xf32, #tpu.memory_space<hbm>> -> memref<1024xf32, #tpu.memory_space<hbm>>
          tpu.enqueue_dma source(%arg9 : memref<1024xf32, #tpu.memory_space<vmem>>) target(%dma_start3A_798 : memref<1024xf32, #tpu.memory_space<hbm>>) target_semaphore(%run_scoped3A : memref<!tpu.dma_semaphore, #tpu.memory_space<semaphore_mem>>)
          %dma_wait3A_799 = tpu.memref_slice %arg4[%mul3A_796] : memref<262144xf32, #tpu.memory_space<hbm>> -> memref<1024xf32, #tpu.memory_space<hbm>>
          %dma_wait3A_800 = tpu.memref_slice %arg4[%mul3A_796] : memref<262144xf32, #tpu.memory_space<hbm>> -> memref<1024xf32, #tpu.memory_space<hbm>>
          tpu.wait_dma2 semaphore(%run_scoped3A : memref<!tpu.dma_semaphore, #tpu.memory_space<semaphore_mem>>) src(%arg9 : memref<1024xf32, #tpu.memory_space<vmem>>) dst(%dma_wait3A_800 : memref<1024xf32, #tpu.memory_space<hbm>>)
          tpu.yield
        }) : () -> ()
      } else {
      }
      %scan3A_768 = arith.constant 0 : i32
      scf.yield %scan3A_768 : i32
    }
    %scan3A_145 = arith.constant 64 : i32
    %add3A_146 = arith.constant 128 : i32
    %add3A_147 = arith.addi %mul3A_2, %add3A_146 : i32
    %sub3A = arith.constant 1 : i32
    %sub3A_148 = arith.subi %add3A_147, %sub3A : i32
    %dma_wait3A = arith.constant 0 : i32
    %dma_wait3A_149 = tpu.memref_slice %arg5[%dma_wait3A] : memref<13312xf32, #tpu.memory_space<vmem>> -> memref<12800xf32, #tpu.memory_space<vmem>>
    %dma_wait3A_150 = arith.constant 0 : i32
    %dma_wait3A_151 = tpu.memref_slice %arg2[%sub3A_148, %dma_wait3A_150] : memref<4096x12800xf32, #tpu.memory_space<hbm>> -> memref<1x12800xf32, #tpu.memory_space<hbm>>
    %dma_wait3A_152 = tpu.memref_squeeze %dma_wait3A_151 : memref<1x12800xf32, #tpu.memory_space<hbm>> -> memref<12800xf32, #tpu.memory_space<hbm>>
    %dma_wait3A_153 = arith.constant 0 : i32
    %dma_wait3A_154 = tpu.memref_slice %arg5[%dma_wait3A_153] : memref<13312xf32, #tpu.memory_space<vmem>> -> memref<12800xf32, #tpu.memory_space<vmem>>
    %dma_wait3A_155 = arith.constant 0 : i32
    %dma_wait3A_156 = tpu.memref_slice %arg2[%sub3A_148, %dma_wait3A_155] : memref<4096x12800xf32, #tpu.memory_space<hbm>> -> memref<1x12800xf32, #tpu.memory_space<hbm>>
    %dma_wait3A_157 = tpu.memref_squeeze %dma_wait3A_156 : memref<1x12800xf32, #tpu.memory_space<hbm>> -> memref<12800xf32, #tpu.memory_space<hbm>>
    tpu.wait_dma2 semaphore(%arg11 : memref<!tpu.dma_semaphore, #tpu.memory_space<semaphore_mem>>) src(%dma_wait3A_157 : memref<12800xf32, #tpu.memory_space<hbm>>) dst(%dma_wait3A_154 : memref<12800xf32, #tpu.memory_space<vmem>>)
    return
  }
}

</mosaic_0001>

<sc_bundles>
// kernel: _attention_pool.3.cloned.1.call-start
scs
__scs_entry_jumppad:
0x0: {  	(pc) =	sbr.rel $0x88, $3  }
0x1: {  	(tag) =	ssettag $0x0;
	lr =	simm.s32 $0x1  }
0x2: {  	[smem:$0x3F9F] =	sst lr;
	_ =	strace $0xD0000000  }
0x3: {  	_ = 	snop  }
0x4: {  	_ = 	snop  }
0x5: {  	_ = 	snop  }
0x6: {  	_ = 	snop  }
0x7: {  	_ = 	snop  }
__scs_overlays_trampoline_lowered:
0x8: {  	[smem:$0x3FAE] =	sst s0  }
0x9: {  	[smem:$0x3FAF] =	sst s1  }
0xa: {  	[smem:$0x3FB0] =	sst s2  }
0xb: {  	[smem:$0x3FB1] =	sst s3  }
0xc: {  	[smem:$0x3FB2] =	sst s4  }
0xd: {  	[smem:$0x3FB3] =	sst s5  }
0xe: {  	[smem:$0x3FB4] =	sst s6  }
0xf: {  	[smem:$0x3FB5] =	sst s7  }
0x10: {  	[smem:$0x3FB6] =	sst s8  }
0x11: {  	[smem:$0x3FB7] =	sst s9;
	s0 =	simm.s32 @!p0 $0x0  }
0x12: {  	s1 =	sld [smem:$0x3F9D];
	s0 =	simm.s32 @p0 $0x1  }
0x13: {  	[smem:$0x3FB8] =	sst s0;
	s0 =	simm.s32 @!p1 $0x0  }
0x14: {  	s2 =	sld [smem:$0x3F9C];
	s0 =	simm.s32 @p1 $0x1  }
0x15: {  	[smem:$0x3FB9] =	sst s0;
	s0 =	simm.s32 @!p2 $0x0  }
0x16: {  	s3 =	sld [smem:$0x3FDB];
	s0 =	simm.s32 @p2 $0x1  }
0x17: {  	s4 =	simm.s32 $0x1BF5;
	[smem:$0x3FBB] =	sst s0  }
0x18: {  	s0 =	sld [smem:$0x3F9E];
	_ =	swait.ge [sflag:s4], $0x0  }
0x19: {  	s7 =	sld [smem:$0x3F9F]  }
0x1a: {  	s8 =	sadd.s32 $0xFFFFE003, lr  }
0x1b: {  	s9 =	sadd.s32 $0xFFFFFEF7, lr;
	s5 =	simm.s32 $0xFFFFFFFF;
	p2 =	slt.u32 s8, $0xFFFFF086  }
0x1c: {  	p1 =	slt.u32 s9, $0xF7A;
	s5 =	simm.s32 @!p2 $0x0  }
0x1d: {  	s5 =	simm.s32 @p1 $0x1;
	p0 =	seq.s32 s7, s2  }
0x1e: {  	s7 =	smul.u32 @!p0 $0xF7A, s2;
	p2 =	seq.s32 @!p0 s5, $0x0  }
0x1f: {  	s9 =	smul.u32 $0xF7A, s1;
	s8 =	simm.s32 @!p0 $0x1BF5;
	p2 =	por !p2, p0  }
0x20: {  	[sflag:s8] =	ssyncset.s32 @!p0 $0xFFFFF086;
	s6 =	sadd.s32 @!p0 s3, s7;
	s7 =	simm.s32 @!p0 $0x108  }
0x21: {  	s3 =	sadd.s32 s3, s9;
	s6 =	sadd.s32 @!p0 $0x88, s6;
	s7 =	simm.s32 @p2 $0x1082  }
0x22: {  	[simem:s7], [sflag:s8] =	dma.local @!p0 [hbm:s6], $0xF7A  }
0x23: {  	s9 =	sor.u32 $0xD0000000, s2;
	s6 =	simm.s32 $0x108;
	_ =	swait.ge @!p0 [sflag:s8], $0x0  }
0x24: {  	s3 =	sadd.s32 $0x88, s3;
	s6 =	simm.s32 @!p1 $0x1082;
	[sflag:s4] =	ssyncset.s32 $0xFFFFF086  }
0x25: {  	[simem:s6], [sflag:s4] =	dma.local [hbm:s3], $0xF7A  }
0x26: {  	[smem:$0x3F9F] =	sst s1;
	(tag) =	ssettag s2;
	_ =	strace s9  }
0x27: {  	s1 =	sld [smem:$0x3FAF]  }
0x28: {  	s2 =	sld [smem:$0x3FB0]  }
0x29: {  	s4 =	sld [smem:$0x3FB2]  }
0x2a: {  	p0 =	seq.s32 s5, $0x0;
	s5 =	sld [smem:$0x3FB3]  }
0x2b: {  	s6 =	sld [smem:$0x3FB4]  }
0x2c: {  	s7 =	sld [smem:$0x3FB5]  }
0x2d: {  	s3 =	simm.s32 $0x108;
	s8 =	sld [smem:$0x3FB6]  }
0x2e: {  	s3 =	simm.s32 @!p0 $0x1082;
	s9 =	sld [smem:$0x3FB7]  }
0x2f: {  	lr =	sadd.s32 s0, s3;
	s0 =	sld [smem:$0x3FAE]  }
0x30: {  	s3 =	sld [smem:$0x3FB1]  }
0x31: {  	[smem:$0x3FBA] =	sst s10  }
0x32: {  	s10 =	sld [smem:$0x3FB8];
	_ =	sdelay $0x3  }
0x33: {  	p0 =	seq.s32 s10, $0x1;
	s10 =	sld [smem:$0x3FBA];
	_ =	sdelay $0x3  }
0x34: {  	[smem:$0x3FBA] =	sst s10  }
0x35: {  	s10 =	sld [smem:$0x3FB9];
	_ =	sdelay $0x3  }
0x36: {  	p1 =	seq.s32 s10, $0x1;
	s10 =	sld [smem:$0x3FBA];
	_ =	sdelay $0x3  }
0x37: {  	[smem:$0x3FBA] =	sst s10  }
0x38: {  	s10 =	sld [smem:$0x3FBB]  }
0x39: {  	_ = 	snop;
	(pc) =	sbr.ind lr, $3  }
0x3a: {  	_ = 	snop  }
0x3b: {  	_ = 	snop  }
0x3c: {  	p2 =	seq.s32 s10, $0x1;
	s10 =	sld [smem:$0x3FBA]  }
0x3d: {  	_ =	shalt  }
0x3e: {  	_ =	shalt  }
0x3f: {  	_ =	shalt  }
0x40: {  	_ =	shalt  }
0x41: {  	_ =	shalt  }
0x42: {  	_ =	shalt  }
0x43: {  	_ =	shalt  }
0x44: {  	_ =	shalt  }
0x45: {  	_ =	shalt  }
0x46: {  	_ =	shalt  }
0x47: {  	_ =	shalt  }
0x48: {  	_ =	shalt  }
0x49: {  	_ =	shalt  }
0x4a: {  	_ =	shalt  }
0x4b: {  	_ =	shalt  }
0x4c: {  	_ =	shalt  }
0x4d: {  	_ =	shalt  }
0x4e: {  	_ =	shalt  }
0x4f: {  	_ =	shalt  }
0x50: {  	_ =	shalt  }
0x51: {  	_ =	shalt  }
0x52: {  	_ =	shalt  }
0x53: {  	_ =	shalt  }
0x54: {  	_ =	shalt  }
0x55: {  	_ =	shalt  }
0x56: {  	_ =	shalt  }
0x57: {  	_ =	shalt  }
0x58: {  	_ =	shalt  }
0x59: {  	_ =	shalt  }
0x5a: {  	_ =	shalt  }
0x5b: {  	_ =	shalt  }
0x5c: {  	_ =	shalt  }
0x5d: {  	_ =	shalt  }
0x5e: {  	_ =	shalt  }
0x5f: {  	_ =	shalt  }
0x60: {  	_ =	shalt  }
0x61: {  	_ =	shalt  }
0x62: {  	_ =	shalt  }
0x63: {  	_ =	shalt  }
0x64: {  	_ =	shalt  }
0x65: {  	_ =	shalt  }
0x66: {  	_ =	shalt  }
0x67: {  	_ =	shalt  }
0x68: {  	_ =	shalt  }
0x69: {  	_ =	shalt  }
0x6a: {  	_ =	shalt  }
0x6b: {  	_ =	shalt  }
0x6c: {  	_ =	shalt  }
0x6d: {  	_ =	shalt  }
0x6e: {  	_ =	shalt  }
0x6f: {  	_ =	shalt  }
0x70: {  	_ =	shalt  }
0x71: {  	_ =	shalt  }
0x72: {  	_ =	shalt  }
0x73: {  	_ =	shalt  }
0x74: {  	_ =	shalt  }
0x75: {  	_ =	shalt  }
0x76: {  	_ =	shalt  }
0x77: {  	_ =	shalt  }
0x78: {  	_ =	shalt  }
0x79: {  	_ =	shalt  }
0x7a: {  	_ =	shalt  }
0x7b: {  	_ =	shalt  }
0x7c: {  	_ =	shalt  }
0x7d: {  	_ =	shalt  }
0x7e: {  	_ =	shalt  }
0x7f: {  	_ =	shalt  }
0x80: {  	_ =	shalt  }
0x81: {  	_ =	shalt  }
0x82: {  	_ =	shalt  }
0x83: {  	_ =	shalt  }
0x84: {  	_ =	shalt  }
0x85: {  	_ =	shalt  }
0x86: {  	_ =	shalt  }
0x87: {  	_ =	shalt  }
.Lfunc_end0:
.L_simem_size_0:
called_computation_lowered:
.L_overlay_start_0:
0x88: {  	s2 =	sld [smem:$0x3FD9]  }
0x89: {  	s3 =	sld [smem:$0x3FFE];
	_ =	sdelay $0x1  }
0x8a: {  	s1 =	srdreg.scid  }
0x8b: {  	s0 =	sand.u32 $0x1, s1  }
0x8c: {  	s18 =	sshll.u32 s0, $0xA;
	s2 =	sadd.s32 s3, s2  }
0x8d: {  	s2 =	sadd.s32 s2, s18  }
0x8e: {  	[smem:$0x3FC6] =	sst s2  }
0x8f: {  	_ = 	snop  }
0x90: {  	s2 =	sld [smem:$0x3FC9]  }
0x91: {  	s19 =	sld [smem:$0x3FC8]  }
0x92: {  	s4 =	sld [smem:$0x3FD0];
	(tm) =	ssettm $0x1  }
0x93: {  	s5 =	sld [smem:$0x3FFB];
	_ =	sdelay $0x3  }
0x94: {  	_ =	strace s5  }
0x95: {  	s5 =	sld [smem:$0x3FFC];
	_ =	sdelay $0x3  }
0x96: {  	_ =	strace s5  }
0x97: {  	s5 =	sld [smem:$0x3FFD];
	_ =	sdelay $0x3  }
0x98: {  	_ =	strace s5  }
0x99: {  	_ =	strace $0x8FFFFFFF  }
0x9a: {  	s20 =	sld [smem:$0x3FDB];
	_ =	sdelay $0x1  }
0x9b: {  	s6 =	simm.s32 $_scs_section_size  }
0x9c: {  	s7 =	simm.s32 $_size__tile_overlayer_lowered;
	s8 =	simm.s32 $_tile_overlayer_lowered  }
0x9d: {  	s23 =	simm.s32 $0x1BFF;
	s22 =	sshll.u32 s8, $0x1;
	s5 =	sadd.s32 s6, s20  }
0x9e: {  	s9 =	simm.s32 $0x0;
	s21 =	sshll.u32 s7, $0x1;
	s7 =	sadd.s32 s22, s5  }
0x9f: {  	[timem:s9], [sflag:s23] =	dma.local [hbm:s7], s21  }
0xa0: {  	_ =	swait.ge [sflag:s23], s21  }
0xa1: {  	s6 =	ssub.s32 $0x0, s21;
	[sflag:s23] =	ssyncset.done $0x0  }
0xa2: {  	[sflag:s23] =	ssyncadd.s32 s6;
	_ =	sdelay $0x1  }
0xa3: {  	s24 =	simm.s32 $0x1B8B  }
0xa4: {  	_ =	swait.ge [sflag:s24], $0x1  }
0xa5: {  	[sflag:s24] =	ssyncset.done $0x0  }
0xa6: {  	s25 =	simm.s32 $0x1B8E;
	[sflag:s24] =	ssyncadd.s32 $0xFFFFFFFF  }
0xa7: {  	s26 =	simm.s32 $execute0_lowered;
	[smem:$0x3FD2] =	sst s25  }
0xa8: {  	s6 =	sshll.u32 s26, $0x1;
	_ =	strace $0x80000046;
	[dreg:$0x1] =	wrdreg $0xFFFFFFFF  }
0xa9: {  	s28 =	simm.s32 $_size_execute0_lowered;
	s5 =	sadd.s32 s5, s6;
	[dreg:$0x0] =	wrdreg $0x0  }
0xaa: {  	s6 =	sshll.u32 s28, $0x1;
	[dreg:$0x2] =	wrdreg s5  }
0xab: {  	[dreg:$0x3] =	wrdreg s6  }
0xac: {  	[dreg:$0x4] =	wrdreg $0xC0  }
0xad: {  	_ =	task [dreg:s9], $0x5FFFF  }
0xae: {  	[dreg:$0x1] =	wrdreg $0xFFFFFFFF  }
0xaf: {  	[dreg:$0x0] =	wrdreg $0x60  }
0xb0: {  	[dreg:$0x2] =	wrdreg s2  }
0xb1: {  	[dreg:$0x3] =	wrdreg s19  }
0xb2: {  	[dreg:$0x4] =	wrdreg s4  }
0xb3: {  	[dreg:$0x5] =	wrdreg $0x9  }
0xb4: {  	_ =	task.clear_ibuf [dreg:s9], $0x6FFFF;
	_ =	strace $0x90000046  }
0xb5: {  	s29 =	simm.s32 $0x9;
	_ =	strace $0x80000048  }
0xb6: {  	_ =	swait.ge [sflag:s29], $0x1  }
0xb7: {  	[sflag:s29] =	ssyncadd.s32 $0xFFFFFFFF  }
0xb8: {  	_ =	strace $0x90000048  }
0xb9: {  	_ =	sfence  }
0xba: {  	s30 =	sld [smem:$0x0];
	_ =	sdelay $0x2  }
0xbb: {  	s31 =	sshll.u32 s1, $0xD;
	s1 =	sshrl.u32 s1, $0x2  }
0xbc: {  	s3 =	sand.u32 $0x4000, s31;
	s1 =	sadd.s32 s1, s30  }
0xbd: {  	s0 =	sor.u32 s3, s0;
	s1 =	sshll.u32 s1, $0x11  }
0xbe: {  	s0 =	sor.u32 s1, s0  }
0xbf: {  	s0 =	sadd.s32 $0x8F2B, s0  }
0xc0: {  	[sflag:s0] =	ssyncadd.remote.s32 $0x1  }
0xc1: {  	_ =	sfence.sel $0xFFFF  }
0xc2: {  	[dreg:$0x0] =	wrdreg $0xFFFFFFFF;
	(pc) =	sbr.abs _section_cstart, $3  }
0xc3: {  	[dreg:$0x1] =	wrdreg $0xFFFFFFFF  }
0xc4: {  	_ =	task.clear_ibuf [dreg:s9], $0x2FFFF;
	_ =	strace $0x9FFFFFFF  }
0xc5: {  	(tm) =	ssettm $0x7FFFFFFF  }
tec
execute0_lowered:
.L_overlay_start_1:
0x0: {  	(tag) =	ssettag $0x1  }
0x1: {  	s1 =	rddreg [dreg:$0x0];
	v0 =	vlaneseq.u32  }
0x2: {  	s3 =	rddreg [dreg:$0x1];
	v0 =	vmul.u32 $0x10, v0  }
0x3: {  	s8 =	rddreg [dreg:$0x2];
	s5 =	simm.s32 $0x0  }
0x4: {  	s2 =	srdreg.scid;
	[smem:$0x7FF] =	sst s5;
	v1 =	vor.u32 $0xC00, v0  }
0x5: {  	s6 =	sand.u32 $0x1, s2;
	s2 =	rddreg [dreg:$0x3];
	_ =	strace $0x80000047;
	[tilespmem:$0x1FF00] =	vst v1;
	v1 =	vor.u32 $0xC01, v0  }
0x6: {  	[tilespmem:$0x1FF10] =	vst v1;
	v1 =	vor.u32 $0xC02, v0  }
0x7: {  	[tilespmem:$0x1FF20] =	vst v1;
	v1 =	vor.u32 $0xC03, v0  }
0x8: {  	[tilespmem:$0x1FF30] =	vst v1;
	v1 =	vor.u32 $0xC04, v0  }
0x9: {  	[tilespmem:$0x1FF40] =	vst v1;
	v1 =	vor.u32 $0xC05, v0  }
0xa: {  	[tilespmem:$0x1FF50] =	vst v1;
	v1 =	vor.u32 $0xC06, v0  }
0xb: {  	[tilespmem:$0x1FF60] =	vst v1;
	v1 =	vor.u32 $0xC07, v0  }
0xc: {  	[tilespmem:$0x1FF70] =	vst v1;
	v1 =	vor.u32 $0xC08, v0  }
0xd: {  	s0 =	stileid.u32;
	s11 =	simm.s32 $0x3;
	[tilespmem:$0x1FF80] =	vst v1;
	v1 =	vor.u32 $0xC09, v0  }
0xe: {  	s12 =	simm.s32 $0x80;
	s13 =	simm.s32 $0x400;
	s14 =	simm.s32 $0x3400;
	[tilespmem:$0x1FF90] =	vst v1;
	v1 =	vor.u32 $0xC0A, v0  }
0xf: {  	s15 =	simm.s32 $0x1;
	s31 =	sshll.u32 s0, $0x8;
	s4 =	sshll.u32 s6, $0x7;
	[tilespmem:$0x1FFA0] =	vst v1;
	v1 =	vor.u32 $0xC0B, v0  }
0x10: {  	s16 =	simm.s32 $0x6D80;
	s6 =	ssub.s32 $0x2, s6;
	s4 =	sor.u32 s4, s31;
	[tilespmem:$0x1FFB0] =	vst v1;
	v1 =	vor.u32 $0xC0C, v0  }
0x11: {  	s17 =	simm.s32 $0x2;
	s9 =	sshrl.u32 s6, $0x1;
	s7 =	sshrl.u32 s4, $0x3;
	[tilespmem:$0x1FFC0] =	vst v1;
	v1 =	vor.u32 $0xC0D, v0  }
0x12: {  	s9 =	ssub.s32 s6, s9;
	s10 =	sshll.u32 s4, $0x3;
	s7 =	smul.u32 $0x3200, s7;
	[tilespmem:$0x1FFD0] =	vst v1;
	v1 =	vor.u32 $0xC0E, v0  }
0x13: {  	s18 =	simm.s32 $0x0;
	s8 =	sadd.s32 s8, s10;
	s9 =	smax.u32 s9, $0x1;
	[tilespmem:$0x1FFE0] =	vst v1;
	v1 =	vor.u32 $0xC0F, v0  }
0x14: {  	vm0 =	vmmov $0xff;
	s10 =	simm.s32 $0x6800;
	s6 =	sadd.s32 s1, s7;
	s7 =	sor.u32 $0x7F, s4;
	[tilespmem:$0x1FFF0] =	vst v1  }
.LBB2_1:
0x15: {  	[tilespmem:s10], [sflag:$0x3] =	stream.linear.gather [hbm4b:s3+s5], $0x80, $0x38;
	[tilespmem:$0x7A80] =	vst v63  }
0x16: {  	_ =	swait.ge [sflag:s11], $0x80  }
0x17: {  	[sflag:s11] =	ssyncset.done $0x0  }
0x18: {  	v1 =	vimm.f32 $0.0e+00;
	[sflag:s11] =	ssyncadd.s32 $0xFFFFFF80  }
0x19: {  	[tilespmem:$0x3200] =	vst v1  }
0x1a: {  	[tilespmem:$0x3210] =	vst v1  }
0x1b: {  	[tilespmem:$0x3220] =	vst v1  }
0x1c: {  	[tilespmem:$0x3230] =	vst v1  }
0x1d: {  	[tilespmem:$0x3240] =	vst v1  }
0x1e: {  	[tilespmem:$0x3250] =	vst v1  }
0x1f: {  	[tilespmem:$0x3260] =	vst v1  }
0x20: {  	[tilespmem:$0x3270] =	vst v1  }
0x21: {  	[tilespmem:$0x3280] =	vst v1  }
0x22: {  	[tilespmem:$0x3290] =	vst v1  }
0x23: {  	[tilespmem:$0x32A0] =	vst v1  }
0x24: {  	[tilespmem:$0x32B0] =	vst v1  }
0x25: {  	[tilespmem:$0x32C0] =	vst v1  }
0x26: {  	[tilespmem:$0x32D0] =	vst v1  }
0x27: {  	[tilespmem:$0x32E0] =	vst v1  }
0x28: {  	[tilespmem:$0x32F0] =	vst v1  }
0x29: {  	[tilespmem:$0x3300] =	vst v1  }
0x2a: {  	[tilespmem:$0x3310] =	vst v1  }
0x2b: {  	[tilespmem:$0x3320] =	vst v1  }
0x2c: {  	[tilespmem:$0x3330] =	vst v1  }
0x2d: {  	[tilespmem:$0x3340] =	vst v1  }
0x2e: {  	[tilespmem:$0x3350] =	vst v1  }
0x2f: {  	[tilespmem:$0x3360] =	vst v1  }
0x30: {  	[tilespmem:$0x3370] =	vst v1  }
0x31: {  	[tilespmem:$0x3380] =	vst v1  }
0x32: {  	[tilespmem:$0x3390] =	vst v1  }
0x33: {  	[tilespmem:$0x33A0] =	vst v1  }
0x34: {  	[tilespmem:$0x33B0] =	vst v1  }
0x35: {  	[tilespmem:$0x33C0] =	vst v1  }
0x36: {  	[tilespmem:$0x33D0] =	vst v1  }
0x37: {  	[tilespmem:$0x33E0] =	vst v1  }
0x38: {  	[tilespmem:$0x33F0] =	vst v1  }
0x39: {  	[tilespmem:$0x6600] =	vst v1  }
0x3a: {  	[tilespmem:$0x6610] =	vst v1  }
0x3b: {  	[tilespmem:$0x6620] =	vst v1  }
0x3c: {  	[tilespmem:$0x6630] =	vst v1  }
0x3d: {  	[tilespmem:$0x6640] =	vst v1  }
0x3e: {  	[tilespmem:$0x6650] =	vst v1  }
0x3f: {  	[tilespmem:$0x6660] =	vst v1  }
0x40: {  	[tilespmem:$0x6670] =	vst v1  }
0x41: {  	[tilespmem:$0x6680] =	vst v1  }
0x42: {  	[tilespmem:$0x6690] =	vst v1  }
0x43: {  	[tilespmem:$0x66A0] =	vst v1  }
0x44: {  	[tilespmem:$0x66B0] =	vst v1  }
0x45: {  	[tilespmem:$0x66C0] =	vst v1  }
0x46: {  	[tilespmem:$0x66D0] =	vst v1  }
0x47: {  	[tilespmem:$0x66E0] =	vst v1  }
0x48: {  	[tilespmem:$0x66F0] =	vst v1  }
0x49: {  	[tilespmem:$0x6700] =	vst v1  }
0x4a: {  	[tilespmem:$0x6710] =	vst v1  }
0x4b: {  	[tilespmem:$0x6720] =	vst v1  }
0x4c: {  	[tilespmem:$0x6730] =	vst v1  }
0x4d: {  	[tilespmem:$0x6740] =	vst v1  }
0x4e: {  	[tilespmem:$0x6750] =	vst v1  }
0x4f: {  	[tilespmem:$0x6760] =	vst v1  }
0x50: {  	[tilespmem:$0x6770] =	vst v1  }
0x51: {  	[tilespmem:$0x6780] =	vst v1  }
0x52: {  	[tilespmem:$0x6790] =	vst v1  }
0x53: {  	[tilespmem:$0x67A0] =	vst v1  }
0x54: {  	[tilespmem:$0x67B0] =	vst v1  }
0x55: {  	[tilespmem:$0x67C0] =	vst v1  }
0x56: {  	[tilespmem:$0x67D0] =	vst v1  }
0x57: {  	[tilespmem:$0x67E0] =	vst v1  }
0x58: {  	s19 =	simm.s32 $0x0;
	[tilespmem:$0x67F0] =	vst v1  }
0x59: {  	[tilespmem:s5], [sflag:$0x1] =	stream.strided.gather [hbm4b:s6+s12], $0x3200, s13, s12, $0x38;
	[tilespmem:$0x7A80] =	vst v63  }
.LBB2_2:
0x5a: {  	s20 =	sshll.u32 s19, $0x1  }
0x5b: {  	s20 =	sadd.s32 s4, s20  }
0x5c: {  	s21 =	sshrl.u32 s20, $0x3  }
0x5d: {  	s22 =	sshll.u32 s19, $0x8;
	s21 =	smul.u32 $0x19000, s21  }
0x5e: {  	s22 =	sand.u32 $0x300, s22  }
0x5f: {  	s21 =	sor.u32 s21, s22  }
0x60: {  	s21 =	sor.u32 $0x80, s21  }
0x61: {  	s21 =	sshrl.u32 s21, $0x3  }
0x62: {  	s25 =	simm.s32 $0x80;
	s21 =	sadd.s32 s1, s21  }
0x63: {  	[tilespmem:s14], [sflag:$0x2] =	stream.strided.gather [hbm4b:s21+s25], $0x3200, s13, s25, $0x38;
	[tilespmem:$0x7A80] =	vst v63  }
0x64: {  	_ =	swait.ge [sflag:s15], $0x3200  }
0x65: {  	[sflag:s15] =	ssyncset.done $0x0  }
0x66: {  	[sflag:s15] =	ssyncadd.s32 $0xFFFFCE00  }
0x67: {  	v3 =	vld [tilespmem:$0x6800]  }
0x68: {  	v4 =	vld [tilespmem:$0x6810]  }
0x69: {  	v2 =	vld [tilespmem:$0x6820]  }
0x6a: {  	v1 =	vld [tilespmem:$0x6830]  }
0x6b: {  	v5 =	vld [tilespmem:s25+$0x40]  }
0x6c: {  	v6 =	vld [tilespmem:s25+$0x50]  }
0x6d: {  	v9 =	vld [tilespmem:s25+$0xFFFFFF90]  }
0x6e: {  	v7 =	vld [tilespmem:s25+$0x60]  }
0x6f: {  	v8 =	vld [tilespmem:s25+$0xFFFFFFC0]  }
0x70: {  	v10 =	vld [tilespmem:s25+$0x70]  }
0x71: {  	v11 =	vld [tilespmem:s25+$0xFFFFFFD0]  }
0x72: {  	v12 =	vld [tilespmem:s25+$0x0];
	v5 =	vmul.f32 v5, v3;
	v6 =	vmul.f32 v6, v4  }
0x73: {  	v13 =	vld [tilespmem:s25+$0x10]  }
0x74: {  	v14 =	vld [tilespmem:s25+$0xFFFFFF80];
	v5 =	vadd.f32 v6, v5;
	v6 =	vmul.f32 v7, v2  }
0x75: {  	v15 =	vld [tilespmem:s25+$0xFFFFFFA0]  }
0x76: {  	v7 =	vmul.f32 v10, v1;
	v5 =	vadd.f32 v6, v5;
	v6 =	vld [tilespmem:s25+$0xFFFFFFE0]  }
0x77: {  	v18 =	vimm.f32 $-1.000000020e+30;
	v11 =	vmul.f32 v11, v4;
	v10 =	vmul.f32 v8, v3;
	v8 =	vld [tilespmem:s25+$0x20]  }
0x78: {  	v12 =	vmul.f32 v12, v3;
	v17 =	vmul.f32 v13, v4;
	v16 =	vadd.f32 v7, v5;
	v7 =	vld [tilespmem:s25+$0xFFFFFFB0]  }
0x79: {  	s24 =	simm.s32 $0x0;
	s22 =	simm.s32 $0x6DA0;
	v14 =	vmul.f32 v14, v3;
	v5 =	vmul.f32 v9, v4;
	v9 =	vadd.f32 v11, v10;
	v10 =	vld [tilespmem:s25+$0xFFFFFFF0]  }
0x7a: {  	s23 =	simm.s32 $0x10F;
	s21 =	simm.s32 $0x6890;
	v13 =	vmul.f32 v15, v2;
	v12 =	vadd.f32 v17, v12;
	v11 =	vld [tilespmem:s25+$0x30];
	s25 =	simm.s32 $0x180;
	[tilespmem:s22+$0x10] =	vst v16  }
.LBB2_3:
0x7b: {  	v15 =	vld [tilespmem:s25+$0x40];
	v5 =	vadd.f32 v5, v14;
	v6 =	vmul.f32 v6, v2  }
0x7c: {  	s24 =	sadd.s32 $0x4, s24;
	v14 =	vld [tilespmem:s25+$0x50];
	v8 =	vmul.f32 v8, v2  }
0x7d: {  	p0 =	slt.u32 s24, $0xCC;
	v16 =	vld [tilespmem:s25+$0xFFFFFF90];
	v5 =	vadd.f32 v13, v5;
	v7 =	vmul.f32 v7, v1;
	v6 =	vadd.f32 v6, v9  }
0x7e: {  	v9 =	vld [tilespmem:s25+$0x60];
	v10 =	vmul.f32 v10, v1;
	v8 =	vadd.f32 v8, v12  }
0x7f: {  	v12 =	vld [tilespmem:s25+$0xFFFFFFC0];
	v5 =	vadd.f32 v7, v5;
	v7 =	vmul.f32 v11, v1  }
0x80: {  	v11 =	vld [tilespmem:s25+$0x70];
	v6 =	vadd.f32 v10, v6  }
0x81: {  	v13 =	vmul.f32 v15, v3;
	v10 =	vld [tilespmem:s25+$0xFFFFFFD0];
	v14 =	vmul.f32 v14, v4;
	[tilespmem:s22+$0xFFFFFFE0] =	vst v5;
	v7 =	vadd.f32 v7, v8  }
0x82: {  	v5 =	vmul.f32 v16, v4;
	v8 =	vld [tilespmem:s25+$0x0];
	[tilespmem:s22+$0xFFFFFFF0] =	vst v6  }
0x83: {  	v15 =	vld [tilespmem:s25+$0x10];
	v6 =	vadd.f32 v14, v13;
	v9 =	vmul.f32 v9, v2;
	[tilespmem:s22+$0x0] =	vst v7  }
0x84: {  	v13 =	vld [tilespmem:s25+$0xFFFFFF80];
	v12 =	vmul.f32 v12, v3  }
0x85: {  	v16 =	vld [tilespmem:s25+$0xFFFFFFA0];
	v7 =	vadd.f32 v9, v6;
	v9 =	vmul.f32 v11, v1  }
.Ltmp0:
0x86: {  	v10 =	vmul.f32 v10, v4;
	v6 =	vld [tilespmem:s25+$0xFFFFFFE0];
	(pc) =	sbr.rel @p0 .LBB2_3-.Ltmp0, $4  }
0x87: {  	v11 =	vmul.f32 v8, v3;
	v8 =	vld [tilespmem:s25+$0x20];
	v17 =	vadd.f32 v9, v7  }
0x88: {  	s22 =	sadd.s32 $0x40, s22;
	v7 =	vld [tilespmem:s25+$0xFFFFFFB0];
	v9 =	vadd.f32 v10, v12;
	v12 =	vmul.f32 v15, v4  }
0x89: {  	v14 =	vmul.f32 v13, v3;
	v10 =	vld [tilespmem:s25+$0xFFFFFFF0];
	[tilespmem:s22+$0x10] =	vst v17  }
0x8a: {  	v13 =	vmul.f32 v16, v2;
	v12 =	vadd.f32 v12, v11;
	v11 =	vld [tilespmem:s25+$0x30];
	s25 =	sadd.s32 $0x100, s25  }
0x8b: {  	v3 =	vadd.f32 v5, v14  }
0x8c: {  	v4 =	vmul.f32 v6, v2;
	v2 =	vmul.f32 v8, v2  }
0x8d: {  	v3 =	vadd.f32 v13, v3;
	v5 =	vmul.f32 v7, v1  }
0x8e: {  	v4 =	vadd.f32 v4, v9;
	v6 =	vmul.f32 v10, v1;
	v2 =	vadd.f32 v2, v12  }
0x8f: {  	s30 =	simm.s32 $0xA;
	v3 =	vadd.f32 v5, v3;
	v1 =	vmul.f32 v11, v1;
	v5 =	vor.u32 s23, v0  }
0x90: {  	v7 =	vor.u32 s30, v0;
	s30 =	simm.s32 $0x2;
	v4 =	vadd.f32 v6, v4  }
0x91: {  	s24 =	simm.s32 $0x102;
	v13 =	vor.u32 s30, v0;
	[tilespmem:s22+$0xFFFFFFE0] =	vst v3;
	v1 =	vadd.f32 v1, v2  }
0x92: {  	v6 =	vor.u32 s24, v0;
	s24 =	simm.s32 $0x10D;
	[tilespmem:s22+$0xFFFFFFF0] =	vst v4  }
0x93: {  	s25 =	simm.s32 $0x0;
	v2 =	vor.u32 s24, v0;
	[tilespmem:s22+$0x0] =	vst v1  }
0x94: {  	s28 =	simm.s32 $0xC;
	v3 =	vor.u32 s25, v0;
	v19 =	vld.idx.msk [tilespmem:v5+s16+$0x0], $0xffff  }
0x95: {  	s24 =	simm.s32 $0x9;
	v4 =	vor.u32 s28, v0;
	v7 =	vld.idx.msk [tilespmem:v7+s16+$0x0], $0xffff  }
0x96: {  	s26 =	simm.s32 $0x6;
	v9 =	vor.u32 s24, v0;
	v13 =	vld.idx.msk [tilespmem:v13+s16+$0x0], $0xffff  }
0x97: {  	s28 =	simm.s32 $0xD;
	v1 =	vor.u32 s26, v0;
	v6 =	vld.idx.msk [tilespmem:v6+s16+$0x0], $0xffff  }
0x98: {  	s29 =	simm.s32 $0xB;
	v11 =	vor.u32 s28, v0;
	v20 =	vld.idx.msk [tilespmem:v2+s16+$0x0], $0xffff  }
0x99: {  	s31 =	simm.s32 $0xF;
	v5 =	vor.u32 s29, v0;
	v8 =	vld.idx.msk [tilespmem:v3+s16+$0x0], $0xffff  }
0x9a: {  	s26 =	simm.s32 $0x8;
	v2 =	vor.u32 s31, v0;
	v12 =	vld.idx.msk [tilespmem:v4+s16+$0x0], $0xffff  }
0x9b: {  	s23 =	simm.s32 $0x103;
	v10 =	vor.u32 s26, v0;
	v9 =	vld.idx.msk [tilespmem:v9+s16+$0x0], $0xffff  }
0x9c: {  	s25 =	simm.s32 $0x7;
	v3 =	vor.u32 s23, v0;
	v1 =	vld.idx.msk [tilespmem:v1+s16+$0x0], $0xffff  }
0x9d: {  	s31 =	simm.s32 $0x3;
	v4 =	vor.u32 s25, v0;
	v17 =	vld.idx.msk [tilespmem:v11+s16+$0x0], $0xffff  }
0x9e: {  	s29 =	simm.s32 $0x1;
	v14 =	vor.u32 s31, v0;
	v5 =	vld.idx.msk [tilespmem:v5+s16+$0x0], $0xffff  }
0x9f: {  	s26 =	simm.s32 $0x100;
	v21 =	vld.idx.msk [tilespmem:v2+s16+$0x0], $0xffff;
	v2 =	vor.u32 s29, v0  }
0xa0: {  	s24 =	simm.s32 $0x5;
	v11 =	vor.u32 s26, v0;
	v16 =	vld.idx.msk [tilespmem:v10+s16+$0x0], $0xffff  }
0xa1: {  	s23 =	simm.s32 $0x4;
	v10 =	vor.u32 s24, v0;
	v3 =	vld.idx.msk [tilespmem:v3+s16+$0x0], $0xffff  }
0xa2: {  	s29 =	simm.s32 $0x104;
	v15 =	vld.idx.msk [tilespmem:v4+s16+$0x0], $0xffff;
	v4 =	vor.u32 s23, v0  }
0xa3: {  	s25 =	simm.s32 $0x101;
	v14 =	vld.idx.msk [tilespmem:v14+s16+$0x0], $0xffff;
	v25 =	vor.u32 s29, v0  }
0xa4: {  	s30 =	simm.s32 $0x106;
	v23 =	vld.idx.msk [tilespmem:v2+s16+$0x0], $0xffff;
	v2 =	vor.u32 s25, v0  }
0xa5: {  	v27 =	vor.u32 s30, v0;
	s31 =	simm.s32 $0xE;
	v11 =	vld.idx.msk [tilespmem:v11+s16+$0x0], $0xffff  }
0xa6: {  	s28 =	simm.s32 $0x105;
	v28 =	vor.u32 s31, v0;
	v26 =	vld.idx.msk [tilespmem:v10+s16+$0x0], $0xffff;
	v5 =	vadd.f32 v5, v7;
	v7 =	vadd.f32 v9, v16  }
0xa7: {  	v22 =	vor.u32 s28, v0;
	s24 =	simm.s32 $0x108;
	v24 =	vld.idx.msk [tilespmem:v4+s16+$0x0], $0xffff  }
0xa8: {  	s26 =	simm.s32 $0x10B;
	v29 =	vor.u32 s24, v0;
	v9 =	vadd.f32 v15, v1;
	v1 =	vadd.f32 v5, v7;
	v5 =	vld.idx.msk [tilespmem:v25+s16+$0x0], $0xffff  }
0xa9: {  	s28 =	simm.s32 $0x10A;
	v16 =	vor.u32 s26, v0;
	v10 =	vld.idx.msk [tilespmem:v2+s16+$0x0], $0xffff  }
0xaa: {  	s29 =	simm.s32 $0x10C;
	v4 =	vadd.f32 v3, v6;
	v3 =	vadd.f32 v17, v12;
	v6 =	vld.idx.msk [tilespmem:v27+s16+$0x0], $0xffff;
	v17 =	vor.u32 s28, v0  }
0xab: {  	s30 =	simm.s32 $0x107;
	v12 =	vld.idx.msk [tilespmem:v28+s16+$0x0], $0xffff;
	v7 =	vadd.f32 v23, v8;
	v8 =	vadd.f32 v14, v13;
	v14 =	vor.u32 s29, v0  }
0xac: {  	s31 =	simm.s32 $0x10E;
	s25 =	simm.s32 $0x109;
	v15 =	vor.u32 s30, v0;
	v2 =	vld.idx.msk [tilespmem:v22+s16+$0x0], $0xffff;
	v23 =	vadd.f32 v26, v24  }
0xad: {  	s22 =	simm.s32 $0x0;
	s24 =	simm.s32 $0x68B0;
	s23 =	simm.s32 $0x30F;
	v22 =	vor.u32 s25, v0;
	v13 =	vor.u32 s31, v0;
	v7 =	vadd.f32 v8, v7;
	v8 =	vld.idx.msk [tilespmem:v29+s16+$0x0], $0xffff  }
.LBB2_5:
0xae: {  	s25 =	sadd.s32 $0xFFFFFEF1, s23;
	s26 =	sadd.s32 $0xFFFFFEF7, s23;
	s28 =	sadd.s32 $0xFFFFFEFD, s23;
	v9 =	vadd.f32 v9, v23;
	v16 =	vld.idx.msk [tilespmem:v16+s16+$0x0], $0xffff;
	v10 =	vadd.f32 v10, v11  }
0xaf: {  	s29 =	sadd.s32 $0xFFFFFEF8, s23;
	v24 =	vor.u32 s23, v0;
	v11 =	vor.u32 s25, v0;
	s25 =	sadd.s32 $0xFFFFFEF2, s23;
	v23 =	vor.u32 s28, v0;
	s28 =	sadd.s32 $0xFFFFFFF3, s23;
	v17 =	vld.idx.msk [tilespmem:v17+s16+$0x0], $0xffff  }
0xb0: {  	v26 =	vor.u32 s29, v0;
	s29 =	sadd.s32 $0xFFFFFEFE, s23;
	v25 =	vor.u32 s25, v0;
	s25 =	sadd.s32 $0xFFFFFEF3, s23;
	v27 =	vor.u32 s28, v0;
	s28 =	sadd.s32 $0xFFFFFFFE, s23;
	v14 =	vld.idx.msk [tilespmem:v14+s16+$0x0], $0xffff  }
0xb1: {  	s30 =	sadd.s32 $0xFFFFFEF9, s23;
	v29 =	vor.u32 s29, v0;
	s29 =	sadd.s32 $0xFFFFFFFA, s23;
	v28 =	vor.u32 s25, v0;
	s25 =	sadd.s32 $0xFFFFFEF4, s23;
	v30 =	vor.u32 s28, v0;
	v15 =	vld.idx.msk [tilespmem:v15+s16+$0x0], $0xffff  }
0xb2: {  	v32 =	vor.u32 s26, v0;
	s26 =	sadd.s32 $0xFFFFFEFA, s23;
	s28 =	sadd.s32 $0xFFFFFEF5, s23;
	v12 =	vadd.f32 v21, v12;
	v31 =	vor.u32 s25, v0;
	s25 =	sadd.s32 $0xFFFFFFF8, s23;
	v13 =	vld.idx.msk [tilespmem:v13+s16+$0x0], $0xffff  }
0xb3: {  	s31 =	sadd.s32 $0xFFFFFF00, s23;
	v34 =	vor.u32 s30, v0;
	s30 =	sadd.s32 $0xFFFFFEFC, s23;
	v4 =	vadd.f32 v4, v10;
	v33 =	vor.u32 s28, v0;
	s28 =	sadd.s32 $0xFFFFFEF6, s23;
	v21 =	vld.idx.msk [tilespmem:v22+s16+$0x0], $0xffff  }
0xb4: {  	s22 =	sadd.s32 $0x2, s22;
	v35 =	vor.u32 s26, v0;
	s26 =	sadd.s32 $0xFFFFFEFB, s23;
	v36 =	vor.u32 s30, v0;
	v10 =	vor.u32 s28, v0;
	s28 =	sadd.s32 $0xFFFFFEFF, s23;
	v24 =	vld.idx.msk [tilespmem:v24+s16+$0x0], $0xffff  }
0xb5: {  	v39 =	vor.u32 s31, v0;
	p0 =	slt.u32 s22, $0xA;
	v37 =	vor.u32 s26, v0;
	s26 =	sadd.s32 $0xFFFFFFF4, s23;
	v38 =	vor.u32 s28, v0;
	v27 =	vld.idx.msk [tilespmem:v27+s16+$0x0], $0xffff  }
0xb6: {  	v40 =	vor.u32 s26, v0;
	v3 =	vadd.f32 v12, v3;
	v12 =	vadd.f32 v20, v14;
	v20 =	vld.idx.msk [tilespmem:v30+s16+$0x0], $0xffff  }
0xb7: {  	v7 =	vadd.f32 v9, v7;
	v22 =	vor.u32 s29, v0;
	v6 =	vadd.f32 v15, v6;
	v14 =	vld.idx.msk [tilespmem:v11+s16+$0x0], $0xffff  }
0xb8: {  	v2 =	vadd.f32 v2, v5;
	v5 =	vadd.f32 v19, v13;
	v9 =	vld.idx.msk [tilespmem:v32+s16+$0x0], $0xffff  }
0xb9: {  	v13 =	vadd.f32 v16, v17;
	v8 =	vadd.f32 v21, v8;
	v11 =	vld.idx.msk [tilespmem:v23+s16+$0x0], $0xffff  }
0xba: {  	v1 =	vadd.f32 v3, v1;
	v2 =	vadd.f32 v6, v2;
	v19 =	vmov v24;
	v15 =	vld.idx.msk [tilespmem:v36+s16+$0x0], $0xffff  }
0xbb: {  	v5 =	vadd.f32 v5, v12;
	v6 =	vadd.f32 v13, v8;
	v3 =	vld.idx.msk [tilespmem:v37+s16+$0x0], $0xffff  }
0xbc: {  	v1 =	vadd.f32 v1, v7;
	v21 =	vld.idx.msk [tilespmem:v39+s16+$0x0], $0xffff  }
0xbd: {  	v2 =	vadd.f32 v2, v4;
	v4 =	vadd.f32 v5, v6;
	v7 =	vld.idx.msk [tilespmem:v40+s16+$0x0], $0xffff  }
0xbe: {  	v5 =	vld.idx.msk [tilespmem:v35+s16+$0x0], $0xffff;
	[tilespmem:s21+$0xFFFFFFF0] =	vst v1  }
0xbf: {  	v2 =	vadd.f32 v4, v2;
	v6 =	vld.idx.msk [tilespmem:v26+s16+$0x0], $0xffff  }
0xc0: {  	v1 =	vmax.f32 v18, v1;
	v8 =	vld.idx.msk [tilespmem:v34+s16+$0x0], $0xffff  }
0xc1: {  	s26 =	sadd.s32 $0xFFFFFFF2, s23;
	v13 =	vadd.f32 v15, v3;
	v18 =	vmax.f32 v1, v2;
	v12 =	vld.idx.msk [tilespmem:v29+s16+$0x0], $0xffff;
	[tilespmem:s21+$0x0] =	vst v2;
	s21 =	smov.u32 s24  }
0xc2: {  	s28 =	sadd.s32 $0xFFFFFFF1, s23;
	v1 =	vor.u32 s26, v0;
	v15 =	vld.idx.msk [tilespmem:v25+s16+$0x0], $0xffff  }
0xc3: {  	s26 =	sadd.s32 $0xFFFFFFF6, s23;
	v2 =	vor.u32 s28, v0;
	v4 =	vadd.f32 v7, v27;
	v17 =	vld.idx.msk [tilespmem:v28+s16+$0x0], $0xffff  }
0xc4: {  	s28 =	sadd.s32 $0xFFFFFFF5, s23;
	v16 =	vor.u32 s26, v0;
	v7 =	vld.idx.msk [tilespmem:v31+s16+$0x0], $0xffff  }
0xc5: {  	s26 =	sadd.s32 $0xFFFFFFF7, s23;
	v9 =	vadd.f32 v6, v9;
	v6 =	vor.u32 s28, v0;
	v23 =	vld.idx.msk [tilespmem:v33+s16+$0x0], $0xffff  }
0xc6: {  	v5 =	vadd.f32 v5, v8;
	v8 =	vor.u32 s26, v0;
	v24 =	vld.idx.msk [tilespmem:v10+s16+$0x0], $0xffff  }
0xc7: {  	s26 =	sadd.s32 $0xFFFFFFF9, s23;
	v10 =	vld.idx.msk [tilespmem:v1+s16+$0x0], $0xffff  }
0xc8: {  	v3 =	vadd.f32 v12, v11;
	v1 =	vadd.f32 v13, v5;
	v13 =	vor.u32 s26, v0;
	s26 =	sadd.s32 $0xFFFFFFFC, s23;
	v11 =	vld.idx.msk [tilespmem:v2+s16+$0x0], $0xffff  }
.Ltmp1:
0xc9: {  	s28 =	sadd.s32 $0xFFFFFFFB, s23;
	v2 =	vld.idx.msk [tilespmem:v16+s16+$0x0], $0xffff;
	v16 =	vor.u32 s26, v0;
	(pc) =	sbr.rel @p0 .LBB2_5-.Ltmp1, $4  }
0xca: {  	v15 =	vadd.f32 v15, v14;
	v7 =	vadd.f32 v7, v17;
	v17 =	vor.u32 s28, v0;
	s26 =	sadd.s32 $0xFFFFFFFD, s23;
	v5 =	vld.idx.msk [tilespmem:v6+s16+$0x0], $0xffff  }
0xcb: {  	v14 =	vor.u32 s26, v0;
	v6 =	vld.idx.msk [tilespmem:v8+s16+$0x0], $0xffff  }
0xcc: {  	v23 =	vadd.f32 v24, v23;
	v7 =	vadd.f32 v7, v15;
	v15 =	vor.u32 s25, v0;
	s25 =	sadd.s32 $0xFFFFFFFF, s23;
	v12 =	vld.idx.msk [tilespmem:v38+s16+$0x0], $0xffff  }
0xcd: {  	s24 =	sadd.s32 $0x20, s24;
	s23 =	sadd.s32 $0x200, s23;
	v8 =	vld.idx.msk [tilespmem:v13+s16+$0x0], $0xffff;
	v13 =	vor.u32 s25, v0  }
0xce: {  	_ =	sdelay $0x3  }
0xcf: {  	v16 =	vld.idx.msk [tilespmem:v16+s16+$0x0], $0xffff  }
0xd0: {  	v17 =	vld.idx.msk [tilespmem:v17+s16+$0x0], $0xffff  }
0xd1: {  	v14 =	vld.idx.msk [tilespmem:v14+s16+$0x0], $0xffff  }
0xd2: {  	v15 =	vld.idx.msk [tilespmem:v15+s16+$0x0], $0xffff  }
0xd3: {  	v13 =	vld.idx.msk [tilespmem:v13+s16+$0x0], $0xffff  }
0xd4: {  	v10 =	vadd.f32 v10, v11;
	v11 =	vld.idx.msk [tilespmem:v22+s16+$0x0], $0xffff  }
0xd5: {  	v9 =	vadd.f32 v9, v23  }
0xd6: {  	v2 =	vadd.f32 v2, v5;
	v4 =	vadd.f32 v4, v10  }
0xd7: {  	v12 =	vadd.f32 v21, v12;
	v10 =	vadd.f32 v20, v14  }
0xd8: {  	v6 =	vadd.f32 v15, v6;
	v5 =	vadd.f32 v19, v13  }
0xd9: {  	v8 =	vadd.f32 v11, v8;
	v11 =	vadd.f32 v16, v17  }
0xda: {  	v3 =	vadd.f32 v12, v3;
	v2 =	vadd.f32 v6, v2  }
0xdb: {  	v6 =	vadd.f32 v11, v8;
	v5 =	vadd.f32 v5, v10  }
0xdc: {  	v7 =	vadd.f32 v9, v7;
	v1 =	vadd.f32 v3, v1  }
0xdd: {  	v2 =	vadd.f32 v2, v4;
	v3 =	vadd.f32 v5, v6  }
0xde: {  	v1 =	vadd.f32 v1, v7  }
0xdf: {  	v2 =	vadd.f32 v3, v2  }
0xe0: {  	[tilespmem:s21+$0xFFFFFFF0] =	vst v1  }
0xe1: {  	[tilespmem:s21+$0x0] =	vst v2  }
0xe2: {  	v3 =	vld [tilespmem:$0x1FF00]  }
0xe3: {  	v4 =	vld [tilespmem:$0x1FF10]  }
0xe4: {  	v5 =	vld [tilespmem:$0x1FF20]  }
0xe5: {  	v6 =	vld [tilespmem:$0x1FF30]  }
0xe6: {  	v7 =	vld [tilespmem:$0x1FF40]  }
0xe7: {  	v8 =	vld [tilespmem:$0x1FF50]  }
0xe8: {  	v9 =	vld [tilespmem:$0x1FF60]  }
0xe9: {  	v10 =	vld [tilespmem:$0x1FF70]  }
0xea: {  	v11 =	vld [tilespmem:$0x1FF80]  }
0xeb: {  	v12 =	vld [tilespmem:$0x1FF90]  }
0xec: {  	v13 =	vld [tilespmem:$0x1FFA0]  }
0xed: {  	v14 =	vld [tilespmem:$0x1FFB0]  }
0xee: {  	v15 =	vld [tilespmem:$0x1FFC0]  }
0xef: {  	v16 =	vld [tilespmem:$0x1FFD0]  }
0xf0: {  	v17 =	vld [tilespmem:$0x1FFE0]  }
0xf1: {  	v19 =	vld [tilespmem:$0x1FFF0]  }
0xf2: {  	v3 =	vld.idx.msk [tilespmem:v3+s16+$0x0], $0xffff  }
0xf3: {  	v4 =	vld.idx.msk [tilespmem:v4+s16+$0x0], $0xffff  }
0xf4: {  	v5 =	vld.idx.msk [tilespmem:v5+s16+$0x0], $0xffff  }
0xf5: {  	v6 =	vld.idx.msk [tilespmem:v6+s16+$0x0], $0xffff  }
0xf6: {  	v7 =	vld.idx.msk [tilespmem:v7+s16+$0x0], $0xffff  }
0xf7: {  	v8 =	vld.idx.msk [tilespmem:v8+s16+$0x0], $0xffff  }
0xf8: {  	v9 =	vld.idx.msk [tilespmem:v9+s16+$0x0], $0xffff  }
0xf9: {  	v10 =	vld.idx.msk [tilespmem:v10+s16+$0x0], $0xffff  }
0xfa: {  	v11 =	vld.idx.msk [tilespmem:v11+s16+$0x0], $0xffff  }
0xfb: {  	v12 =	vld.idx.msk [tilespmem:v12+s16+$0x0], $0xffff  }
0xfc: {  	v13 =	vld.idx.msk [tilespmem:v13+s16+$0x0], $0xffff  }
0xfd: {  	v14 =	vld.idx.msk [tilespmem:v14+s16+$0x0], $0xffff  }
0xfe: {  	v15 =	vld.idx.msk [tilespmem:v15+s16+$0x0], $0xffff  }
0xff: {  	v16 =	vld.idx.msk [tilespmem:v16+s16+$0x0], $0xffff  }
0x100: {  	v17 =	vld.idx.msk [tilespmem:v17+s16+$0x0], $0xffff  }
0x101: {  	v19 =	vld.idx.msk [tilespmem:v19+s16+$0x0], $0xffff;
	_ =	sdelay $0x1  }
0x102: {  	v3 =	vadd.f32 v4, v3;
	v4 =	vadd.f32 v6, v5  }
0x103: {  	v5 =	vadd.f32 v8, v7;
	v6 =	vadd.f32 v10, v9  }
0x104: {  	v7 =	vadd.f32 v12, v11;
	v8 =	vadd.f32 v14, v13  }
0x105: {  	v9 =	vadd.f32 v16, v15;
	v10 =	vadd.f32 v19, v17  }
0x106: {  	v3 =	vadd.f32 v4, v3;
	v4 =	vadd.f32 v6, v5  }
0x107: {  	v5 =	vadd.f32 v8, v7;
	v6 =	vadd.f32 v10, v9;
	_ =	sdelay $0x1  }
0x108: {  	v3 =	vadd.f32 v4, v3;
	v4 =	vadd.f32 v6, v5;
	_ =	sdelay $0x1  }
0x109: {  	v3 =	vadd.f32 v4, v3  }
0x10a: {  	v1 =	vmax.f32 v18, v1  }
0x10b: {  	v1 =	vmax.f32 v1, v2;
	v2 =	vnsel vm0, $0xF149F2CA, v3  }
0x10c: {  	v1 =	vmax.f32 v1, v2  }
0x10d: {  	(xrf0) =	vmax.scan.msk.f32 $0xffff, v1;
	_ =	sdelay $0x3  }
0x10e: {  	v1 =	vld [tilespmem:$0x6880];
	_ =	sdelay $0x1  }
0x10f: {  	v3 =	vld [tilespmem:$0x6890];
	v4, _, _ =	vpop (xrf0)  }
0x110: {  	v5 =	vld [tilespmem:$0x68A0];
	v4 =	vbroadcast v4, $0xF  }
0x111: {  	v6 =	vld [tilespmem:$0x68B0]  }
0x112: {  	v7 =	vld [tilespmem:$0x68C0];
	v1 =	vsub.f32 v1, v4  }
0x113: {  	v8 =	vld [tilespmem:$0x68D0]  }
0x114: {  	v9 =	vld [tilespmem:$0x68E0];
	v3 =	vsub.f32 v3, v4;
	v1 =	vmul.f32 $1.442695020e+00, v1  }
0x115: {  	v5 =	vsub.f32 v5, v4  }
0x116: {  	v10 =	vld [tilespmem:$0x68F0];
	v6 =	vsub.f32 v6, v4;
	v3 =	vmul.f32 $1.442695020e+00, v3;
	(erf) = vpow2.f32 v1  }
0x117: {  	v11 =	vld [tilespmem:$0x6900];
	v1 =	vmul.f32 $1.442695020e+00, v5;
	v5 =	vsub.f32 v7, v4  }
0x118: {  	v7 =	vld [tilespmem:$0x6910];
	(erf) = vpow2.f32 v3;
	v3 =	vmul.f32 $1.442695020e+00, v6;
	v6 =	vsub.f32 v8, v4  }
0x119: {  	v8 =	vld [tilespmem:$0x6920];
	(erf) = vpow2.f32 v1;
	v1 =	vmul.f32 $1.442695020e+00, v5;
	v5 =	vsub.f32 v9, v4  }
0x11a: {  	v9 =	vld [tilespmem:$0x6930];
	(erf) = vpow2.f32 v3;
	v3 =	vmul.f32 $1.442695020e+00, v6  }
0x11b: {  	v6 =	vsub.f32 v10, v4;
	(erf) = vpow2.f32 v1;
	v1 =	vmul.f32 $1.442695020e+00, v5  }
0x11c: {  	v5 =	vsub.f32 v11, v4;
	(erf) = vpow2.f32 v3  }
0x11d: {  	v3 =	vmul.f32 $1.442695020e+00, v6;
	v6 =	vsub.f32 v7, v4;
	(erf) = vpow2.f32 v1  }
0x11e: {  	v2 =	vsub.f32 v2, v4;
	v1 =	vmul.f32 $1.442695020e+00, v5;
	v5 =	vsub.f32 v8, v4  }
0x11f: {  	(erf) = vpow2.f32 v3;
	v3 =	vmul.f32 $1.442695020e+00, v6;
	v6 =	vsub.f32 v9, v4;
	v4 =	vpop (erf)  }
0x120: {  	[tilespmem:$0x1FE70] =	vst v4  }
0x121: {  	(erf) = vpow2.f32 v1;
	[tilespmem:$0x6880] =	vst v4;
	v4 =	vpop (erf)  }
0x122: {  	v1 =	vmul.f32 $1.442695020e+00, v5;
	[tilespmem:$0x6890] =	vst v4;
	v36 =	vpop (erf)  }
0x123: {  	(erf) = vpow2.f32 v3;
	v3 =	vmul.f32 $1.442695020e+00, v6;
	[tilespmem:$0x68A0] =	vst v36;
	v37 =	vpop (erf)  }
0x124: {  	(erf) = vpow2.f32 v1;
	v1 =	vmul.f32 $1.442695020e+00, v2;
	v38 =	vpop (erf);
	[tilespmem:$0x68B0] =	vst v37  }
0x125: {  	v35 =	vpop (erf);
	[tilespmem:$0x68C0] =	vst v38  }
0x126: {  	(erf) = vpow2.f32 v3;
	v2 =	vpop (erf);
	[tilespmem:$0x68D0] =	vst v35  }
0x127: {  	[tilespmem:$0x1FE90] =	vst v2  }
0x128: {  	(erf) = vpow2.f32 v1;
	v1 =	vpop (erf);
	[tilespmem:$0x68E0] =	vst v2  }
0x129: {  	[tilespmem:$0x1FEA0] =	vst v1  }
0x12a: {  	v2 =	vpop (erf);
	[tilespmem:$0x68F0] =	vst v1  }
0x12b: {  	[tilespmem:$0x1FEB0] =	vst v2  }
0x12c: {  	v1 =	vpop (erf);
	[tilespmem:$0x6900] =	vst v2  }
0x12d: {  	[tilespmem:$0x1FEC0] =	vst v1  }
0x12e: {  	v2 =	vpop (erf);
	[tilespmem:$0x6910] =	vst v1  }
0x12f: {  	v1 =	vpop (erf);
	[tilespmem:$0x6920] =	vst v2  }
0x130: {  	[tilespmem:$0x1FEE0] =	vst v1  }
0x131: {  	[tilespmem:$0x6930] =	vst v1;
	v1 =	vpop (erf)  }
0x132: {  	s21 =	simm.s32 $0x200;
	[tilespmem:$0x6940] =	vst v1  }
0x133: {  	v3 =	vld [tilespmem:s21+$0x1C0]  }
0x134: {  	[tilespmem:$0x1FE80] =	vst v4;
	v4 =	vld [tilespmem:s21+$0x1D0]  }
0x135: {  	v5 =	vld [tilespmem:s21+$0x180]  }
0x136: {  	v7 =	vld [tilespmem:s21+$0x190]  }
0x137: {  	v12 =	vld [tilespmem:s21+$0x140]  }
0x138: {  	v13 =	vld [tilespmem:s21+$0x150]  }
0x139: {  	v14 =	vld [tilespmem:s21+$0x100]  }
0x13a: {  	v15 =	vld [tilespmem:s21+$0x110]  }
0x13b: {  	s22 =	simm.s32 $0x0;
	v16 =	vld [tilespmem:s21+$0xC0]  }
0x13c: {  	v6 =	vld [tilespmem:s22+$0x6880]  }
0x13d: {  	v17 =	vld [tilespmem:s21+$0xD0]  }
0x13e: {  	v21 =	vld [tilespmem:s21+$0x80]  }
0x13f: {  	v49 =	vld [tilespmem:s21+$0x90]  }
0x140: {  	v53 =	vld [tilespmem:s21+$0x40]  }
0x141: {  	v56 =	vld [tilespmem:s21+$0x50];
	v19 =	vbroadcast v6, $0xE;
	v18 =	vbroadcast v6, $0xF  }
0x142: {  	v57 =	vld [tilespmem:s21+$0x0];
	v25 =	vbroadcast v6, $0xC;
	v20 =	vbroadcast v6, $0xD  }
0x143: {  	v59 =	vld [tilespmem:s21+$0x10];
	v42 =	vbroadcast v6, $0xA;
	v39 =	vbroadcast v6, $0xB  }
0x144: {  	v60 =	vld [tilespmem:s21+$0xFFFFFFC0];
	v46 =	vbroadcast v6, $0x8;
	v45 =	vbroadcast v6, $0x9  }
0x145: {  	v23 =	vld [tilespmem:s21+$0xFFFFFFD0];
	v52 =	vbroadcast v6, $0x6;
	v50 =	vbroadcast v6, $0x7  }
0x146: {  	v62 =	vld [tilespmem:s21+$0xFFFFFF80];
	v58 =	vbroadcast v6, $0x4;
	v55 =	vbroadcast v6, $0x5  }
0x147: {  	[tilespmem:$0x1FEF0] =	vst v1;
	v1 =	vld [tilespmem:s21+$0xFFFFFF90];
	v63 =	vbroadcast v6, $0x2;
	v61 =	vbroadcast v6, $0x3  }
0x148: {  	[tilespmem:$0x1FED0] =	vst v2;
	v2 =	vld [tilespmem:s21+$0xFFFFFF40];
	v11 =	vbroadcast v6, $0x0;
	v8 =	vbroadcast v6, $0x1  }
0x149: {  	v9 =	vld [tilespmem:s21+$0xFFFFFF00];
	v24 =	vmul.f32 v3, v18;
	v22 =	vmul.f32 v4, v18  }
0x14a: {  	v10 =	vld [tilespmem:s21+$0xFFFFFF10];
	v31 =	vmul.f32 v5, v19;
	v30 =	vmul.f32 v7, v19  }
0x14b: {  	v6 =	vld [tilespmem:s21+$0xFFFFFF50];
	v41 =	vmul.f32 v12, v20;
	v40 =	vmul.f32 v13, v20  }
0x14c: {  	v12 =	vld [tilespmem:s21+$0xFFFFFEC0];
	v44 =	vmul.f32 v14, v25;
	v43 =	vmul.f32 v15, v25  }
0x14d: {  	v13 =	vld [tilespmem:s21+$0xFFFFFED0];
	v48 =	vmul.f32 v16, v39;
	v47 =	vmul.f32 v17, v39  }
0x14e: {  	v14 =	vld [tilespmem:s21+$0xFFFFFE80];
	v51 =	vmul.f32 v21, v42;
	v49 =	vmul.f32 v49, v42  }
0x14f: {  	v15 =	vld [tilespmem:s21+$0xFFFFFE90];
	v54 =	vmul.f32 v53, v45;
	v53 =	vmul.f32 v56, v45  }
0x150: {  	v16 =	vld [tilespmem:s21+$0xFFFFFE40];
	v56 =	vmul.f32 v57, v46;
	v57 =	vmul.f32 v59, v46  }
0x151: {  	v5 =	vimm.f32 $0.0e+00;
	v17 =	vld [tilespmem:s21+$0xFFFFFE50];
	v60 =	vmul.f32 v60, v50;
	v59 =	vmul.f32 v23, v50  }
0x152: {  	s22 =	simm.s32 $0x40;
	v21 =	vld [tilespmem:s21+$0xFFFFFE00];
	v7 =	vimm.f32 $0.0e+00;
	v4 =	vimm.f32 $0.0e+00;
	v3 =	vimm.f32 $0.0e+00  }
.LBB2_7:
0x153: {  	p0 =	sne.s32 s22, $0x300;
	v23 =	vld [tilespmem:s21+$0xFFFFFE10];
	v62 =	vmul.f32 v62, v52;
	v1 =	vmul.f32 v1, v52  }
0x154: {  	v2 =	vmul.f32 v2, v55;
	v6 =	vmul.f32 v6, v55;
	v26 =	vld [tilespmem:s21+$0xFFFFFE20]  }
0x155: {  	v9 =	vmul.f32 v9, v58;
	v10 =	vmul.f32 v10, v58;
	v27 =	vld [tilespmem:s21+$0xFFFFFE30]  }
0x156: {  	v12 =	vmul.f32 v12, v61;
	v13 =	vmul.f32 v13, v61;
	v28 =	vld [tilespmem:s21+$0xFFFFFE60]  }
0x157: {  	v14 =	vmul.f32 v14, v63;
	v15 =	vmul.f32 v15, v63;
	v29 =	vld [tilespmem:s21+$0xFFFFFE70]  }
0x158: {  	v16 =	vmul.f32 v16, v8;
	v17 =	vmul.f32 v17, v8;
	v32 =	vld [tilespmem:s21+$0xFFFFFEA0]  }
0x159: {  	v21 =	vmul.f32 v21, v11;
	v23 =	vmul.f32 v23, v11;
	v33 =	vld [tilespmem:s21+$0xFFFFFEB0]  }
0x15a: {  	v26 =	vmul.f32 v26, v11;
	v11 =	vmul.f32 v27, v11;
	v27 =	vld [tilespmem:s21+$0xFFFFFEE0]  }
0x15b: {  	v5 =	vadd.f32 v21, v5;
	v7 =	vadd.f32 v23, v7;
	v21 =	vmul.f32 v28, v8;
	v23 =	vld [tilespmem:s21+$0xFFFFFEF0]  }
0x15c: {  	v4 =	vadd.f32 v26, v4;
	v3 =	vadd.f32 v11, v3;
	v8 =	vmul.f32 v29, v8;
	v11 =	vld [tilespmem:s21+$0xFFFFFF20]  }
0x15d: {  	v5 =	vadd.f32 v16, v5;
	v7 =	vadd.f32 v17, v7;
	v16 =	vmul.f32 v32, v63;
	v17 =	vld [tilespmem:s21+$0xFFFFFF30]  }
0x15e: {  	v4 =	vadd.f32 v21, v4;
	v3 =	vadd.f32 v8, v3;
	v8 =	vmul.f32 v33, v63;
	v21 =	vld [tilespmem:s21+$0xFFFFFF60]  }
0x15f: {  	v5 =	vadd.f32 v14, v5;
	v7 =	vadd.f32 v15, v7;
	v14 =	vmul.f32 v27, v61;
	v15 =	vld [tilespmem:s21+$0xFFFFFF70]  }
0x160: {  	v4 =	vadd.f32 v16, v4;
	v3 =	vadd.f32 v8, v3;
	v8 =	vmul.f32 v23, v61;
	v16 =	vld [tilespmem:s21+$0xFFFFFFA0]  }
0x161: {  	v5 =	vadd.f32 v12, v5;
	v7 =	vadd.f32 v13, v7;
	v11 =	vmul.f32 v11, v58;
	v12 =	vld [tilespmem:s21+$0xFFFFFFB0]  }
0x162: {  	v4 =	vadd.f32 v14, v4;
	v3 =	vadd.f32 v8, v3;
	v8 =	vmul.f32 v17, v58;
	v13 =	vld [tilespmem:s21+$0xFFFFFFE0]  }
0x163: {  	v5 =	vadd.f32 v9, v5;
	v7 =	vadd.f32 v10, v7;
	v9 =	vmul.f32 v21, v55;
	v10 =	vld [tilespmem:s21+$0xFFFFFFF0]  }
0x164: {  	v4 =	vadd.f32 v11, v4;
	v3 =	vadd.f32 v8, v3;
	v8 =	vmul.f32 v15, v55;
	v11 =	vld [tilespmem:s21+$0x20]  }
0x165: {  	v2 =	vadd.f32 v2, v5;
	v5 =	vadd.f32 v6, v7;
	v6 =	vmul.f32 v16, v52;
	v7 =	vld [tilespmem:s21+$0x30]  }
0x166: {  	v4 =	vadd.f32 v9, v4;
	v3 =	vadd.f32 v8, v3;
	v8 =	vmul.f32 v12, v52;
	v9 =	vld [tilespmem:s21+$0x60]  }
0x167: {  	v2 =	vadd.f32 v62, v2;
	v1 =	vadd.f32 v1, v5;
	v5 =	vmul.f32 v13, v50;
	v12 =	vld [tilespmem:s21+$0x70]  }
0x168: {  	v4 =	vadd.f32 v6, v4;
	v3 =	vadd.f32 v8, v3;
	v6 =	vmul.f32 v10, v50;
	v8 =	vld [tilespmem:s21+$0xA0]  }
0x169: {  	v2 =	vadd.f32 v60, v2;
	v1 =	vadd.f32 v59, v1;
	v10 =	vmul.f32 v11, v46;
	v11 =	vld [tilespmem:s21+$0xB0]  }
0x16a: {  	v4 =	vadd.f32 v5, v4;
	v3 =	vadd.f32 v6, v3;
	v5 =	vmul.f32 v7, v46;
	v6 =	vld [tilespmem:s21+$0xE0]  }
0x16b: {  	v2 =	vadd.f32 v56, v2;
	v1 =	vadd.f32 v57, v1;
	v7 =	vmul.f32 v9, v45;
	v9 =	vld [tilespmem:s21+$0xF0]  }
0x16c: {  	v4 =	vadd.f32 v10, v4;
	v3 =	vadd.f32 v5, v3;
	v5 =	vmul.f32 v12, v45;
	v10 =	vld [tilespmem:s21+$0x120]  }
0x16d: {  	v2 =	vadd.f32 v54, v2;
	v1 =	vadd.f32 v53, v1;
	v8 =	vmul.f32 v8, v42;
	v12 =	vld [tilespmem:s21+$0x130]  }
0x16e: {  	v4 =	vadd.f32 v7, v4;
	v3 =	vadd.f32 v5, v3;
	v5 =	vmul.f32 v11, v42;
	v7 =	vld [tilespmem:s21+$0x160]  }
0x16f: {  	v2 =	vadd.f32 v51, v2;
	v1 =	vadd.f32 v49, v1;
	v6 =	vmul.f32 v6, v39;
	v11 =	vld [tilespmem:s21+$0x170]  }
0x170: {  	v4 =	vadd.f32 v8, v4;
	v3 =	vadd.f32 v5, v3;
	v5 =	vmul.f32 v9, v39;
	v8 =	vld [tilespmem:s21+$0x1A0]  }
0x171: {  	v2 =	vadd.f32 v48, v2;
	v1 =	vadd.f32 v47, v1;
	v9 =	vmul.f32 v10, v25;
	v10 =	vld [tilespmem:s21+$0x1B0]  }
0x172: {  	v4 =	vadd.f32 v6, v4;
	v3 =	vadd.f32 v5, v3;
	v5 =	vmul.f32 v12, v25;
	v6 =	vld [tilespmem:s21+$0x1E0]  }
0x173: {  	v2 =	vadd.f32 v44, v2;
	v1 =	vadd.f32 v43, v1;
	v7 =	vmul.f32 v7, v20;
	v12 =	vld [tilespmem:s21+$0x1F0];
	s21 =	sadd.s32 $0x400, s21  }
0x174: {  	v4 =	vadd.f32 v9, v4;
	v13 =	vld [tilespmem:s21+$0x1C0];
	v3 =	vadd.f32 v5, v3;
	v5 =	vmul.f32 v11, v20  }
0x175: {  	v2 =	vadd.f32 v41, v2;
	v1 =	vadd.f32 v40, v1;
	v14 =	vld [tilespmem:s21+$0x1D0];
	v8 =	vmul.f32 v8, v19  }
0x176: {  	v4 =	vadd.f32 v7, v4;
	v15 =	vld [tilespmem:s21+$0x180];
	v3 =	vadd.f32 v5, v3;
	v5 =	vmul.f32 v10, v19  }
0x177: {  	v2 =	vadd.f32 v31, v2;
	v1 =	vadd.f32 v30, v1;
	v16 =	vld [tilespmem:s21+$0x190];
	v6 =	vmul.f32 v6, v18  }
0x178: {  	v4 =	vadd.f32 v8, v4;
	v17 =	vld [tilespmem:s21+$0x140];
	v3 =	vadd.f32 v5, v3;
	v8 =	vmul.f32 v12, v18  }
0x179: {  	v5 =	vadd.f32 v24, v2;
	v7 =	vadd.f32 v22, v1;
	v21 =	vld [tilespmem:s21+$0x150]  }
0x17a: {  	v4 =	vadd.f32 v6, v4;
	v23 =	vld [tilespmem:s21+$0x100];
	v3 =	vadd.f32 v8, v3  }
0x17b: {  	v26 =	vld [tilespmem:s21+$0x110]  }
0x17c: {  	v27 =	vld [tilespmem:s21+$0xC0]  }
0x17d: {  	s23 =	sshra.s32 s22, $0x2;
	v28 =	vld [tilespmem:s21+$0xD0]  }
0x17e: {  	v6 =	vld [tilespmem:s23+$0x6880]  }
0x17f: {  	v29 =	vld [tilespmem:s21+$0x80]  }
0x180: {  	v32 =	vld [tilespmem:s21+$0x90]  }
0x181: {  	v33 =	vld [tilespmem:s21+$0x40]  }
0x182: {  	v53 =	vld [tilespmem:s21+$0x50]  }
0x183: {  	v56 =	vld [tilespmem:s21+$0x0];
	v19 =	vbroadcast v6, $0xE;
	v18 =	vbroadcast v6, $0xF  }
0x184: {  	v25 =	vbroadcast v6, $0xC;
	v20 =	vbroadcast v6, $0xD;
	v57 =	vld [tilespmem:s21+$0x10]  }
0x185: {  	v42 =	vbroadcast v6, $0xA;
	v39 =	vbroadcast v6, $0xB;
	v59 =	vld [tilespmem:s21+$0xFFFFFFC0]  }
0x186: {  	v46 =	vbroadcast v6, $0x8;
	v45 =	vbroadcast v6, $0x9;
	v34 =	vld [tilespmem:s21+$0xFFFFFFD0]  }
0x187: {  	v52 =	vbroadcast v6, $0x6;
	v50 =	vbroadcast v6, $0x7;
	v62 =	vld [tilespmem:s21+$0xFFFFFF80]  }
0x188: {  	v58 =	vbroadcast v6, $0x4;
	v55 =	vbroadcast v6, $0x5;
	v1 =	vld [tilespmem:s21+$0xFFFFFF90]  }
0x189: {  	v63 =	vbroadcast v6, $0x2;
	v61 =	vbroadcast v6, $0x3;
	v2 =	vld [tilespmem:s21+$0xFFFFFF40]  }
0x18a: {  	v11 =	vbroadcast v6, $0x0;
	v8 =	vbroadcast v6, $0x1;
	v6 =	vld [tilespmem:s21+$0xFFFFFF50]  }
0x18b: {  	v24 =	vmul.f32 v13, v18;
	v22 =	vmul.f32 v14, v18;
	v9 =	vld [tilespmem:s21+$0xFFFFFF00]  }
0x18c: {  	v31 =	vmul.f32 v15, v19;
	v30 =	vmul.f32 v16, v19;
	v10 =	vld [tilespmem:s21+$0xFFFFFF10]  }
0x18d: {  	v41 =	vmul.f32 v17, v20;
	v40 =	vmul.f32 v21, v20;
	v12 =	vld [tilespmem:s21+$0xFFFFFEC0]  }
0x18e: {  	v44 =	vmul.f32 v23, v25;
	v43 =	vmul.f32 v26, v25;
	v13 =	vld [tilespmem:s21+$0xFFFFFED0]  }
.Ltmp2:
0x18f: {  	v48 =	vmul.f32 v27, v39;
	v47 =	vmul.f32 v28, v39;
	v14 =	vld [tilespmem:s21+$0xFFFFFE80];
	(pc) =	sbr.rel @p0 .LBB2_7-.Ltmp2, $4  }
0x190: {  	v51 =	vmul.f32 v29, v42;
	v49 =	vmul.f32 v32, v42;
	v15 =	vld [tilespmem:s21+$0xFFFFFE90]  }
0x191: {  	v54 =	vmul.f32 v33, v45;
	v53 =	vmul.f32 v53, v45;
	v16 =	vld [tilespmem:s21+$0xFFFFFE40]  }
0x192: {  	v56 =	vmul.f32 v56, v46;
	v57 =	vmul.f32 v57, v46;
	v17 =	vld [tilespmem:s21+$0xFFFFFE50]  }
0x193: {  	s22 =	sadd.s32 $0x40, s22;
	v60 =	vmul.f32 v59, v50;
	v59 =	vmul.f32 v34, v50;
	v21 =	vld [tilespmem:s21+$0xFFFFFE00]  }
0x194: {  	v23 =	vld [tilespmem:$0x1FE70];
	_ =	sdelay $0x1  }
0x195: {  	v26 =	vld [tilespmem:$0x1FE80];
	_ =	sdelay $0x2  }
0x196: {  	v23 =	vadd.f32 $0.0e+00, v23;
	_ =	sdelay $0x1  }
0x197: {  	v27 =	vld [tilespmem:s21+$0xFFFFFE20];
	v23 =	vadd.f32 v23, v26  }
0x198: {  	v28 =	vld [tilespmem:s21+$0xFFFFFE30]  }
0x199: {  	v23 =	vadd.f32 v23, v36;
	v36 =	vld [tilespmem:s21+$0xFFFFFE10];
	_ =	sdelay $0x1  }
0x19a: {  	v29 =	vld [tilespmem:s21+$0xFFFFFE60]  }
0x19b: {  	v32 =	vld [tilespmem:s21+$0xFFFFFE70];
	v23 =	vadd.f32 v23, v37  }
0x19c: {  	v21 =	vmul.f32 v21, v11;
	v37 =	vmul.f32 v27, v11  }
0x19d: {  	v23 =	vadd.f32 v23, v38;
	v38 =	vld [tilespmem:$0x1FE90];
	v26 =	vmul.f32 v36, v11;
	v11 =	vmul.f32 v28, v11  }
0x19e: {  	v16 =	vmul.f32 v16, v8  }
0x19f: {  	v17 =	vmul.f32 v17, v8;
	v5 =	vadd.f32 v21, v5;
	v3 =	vadd.f32 v11, v3;
	v11 =	vld [tilespmem:$0x1FEA0]  }
0x1a0: {  	v33 =	vld [tilespmem:s21+$0xFFFFFEB0];
	v34 =	vmul.f32 v29, v8;
	v8 =	vmul.f32 v32, v8;
	v23 =	vadd.f32 v23, v35  }
0x1a1: {  	v5 =	vadd.f32 v16, v5;
	v35 =	vld [tilespmem:$0x1FEB0];
	v7 =	vadd.f32 v26, v7  }
0x1a2: {  	v14 =	vmul.f32 v14, v63;
	v23 =	vadd.f32 v23, v38;
	v3 =	vadd.f32 v8, v3;
	v8 =	vld [tilespmem:s21+$0xFFFFFEF0]  }
0x1a3: {  	v15 =	vmul.f32 v15, v63;
	v7 =	vadd.f32 v17, v7;
	v38 =	vld [tilespmem:$0x1FEC0]  }
0x1a4: {  	v5 =	vadd.f32 v14, v5;
	v14 =	vld [tilespmem:s21+$0xFFFFFF20];
	v11 =	vadd.f32 v11, v23  }
0x1a5: {  	v13 =	vmul.f32 v13, v61;
	v21 =	vmul.f32 v33, v63;
	v7 =	vadd.f32 v15, v7;
	v15 =	vld [tilespmem:$0x1FED0]  }
0x1a6: {  	v28 =	vld [tilespmem:s21+$0xFFFFFEA0];
	v11 =	vadd.f32 v35, v11  }
0x1a7: {  	v3 =	vadd.f32 v21, v3;
	v7 =	vadd.f32 v13, v7;
	v13 =	vld [tilespmem:$0x1FEE0];
	v8 =	vmul.f32 v8, v61  }
0x1a8: {  	v12 =	vmul.f32 v12, v61;
	v36 =	vld [tilespmem:s21+$0xFFFFFEE0];
	v11 =	vadd.f32 v38, v11  }
0x1a9: {  	v4 =	vadd.f32 v37, v4;
	v3 =	vadd.f32 v8, v3;
	v8 =	vld [tilespmem:$0x1FEF0]  }
0x1aa: {  	v5 =	vadd.f32 v12, v5;
	v12 =	vld [tilespmem:s21+$0xFFFFFF60];
	v11 =	vadd.f32 v15, v11  }
0x1ab: {  	v4 =	vadd.f32 v34, v4;
	v37 =	vmul.f32 v28, v63;
	v15 =	vld [tilespmem:s21+$0xFFFFFF30]  }
0x1ac: {  	v9 =	vmul.f32 v9, v58;
	v11 =	vadd.f32 v13, v11;
	v13 =	vld [tilespmem:s21+$0xFFFFFF70]  }
0x1ad: {  	v16 =	vmul.f32 v36, v61;
	v4 =	vadd.f32 v37, v4  }
0x1ae: {  	v10 =	vmul.f32 v10, v58;
	v5 =	vadd.f32 v9, v5;
	v9 =	vld [tilespmem:s21+$0xFFFFFFB0];
	v8 =	vadd.f32 v11, v8  }
0x1af: {  	v2 =	vmul.f32 v2, v55;
	v14 =	vmul.f32 v14, v58;
	v4 =	vadd.f32 v16, v4;
	v11 =	vld [tilespmem:s21+$0xFFFFFFA0]  }
0x1b0: {  	v6 =	vmul.f32 v6, v55;
	v7 =	vadd.f32 v10, v7;
	v15 =	vmul.f32 v15, v58;
	(xrf2) =	vadd.scan.msk.f32 $0xffff, v8;
	v8 =	vld [tilespmem:s21+$0xFFFFFFE0]  }
0x1b1: {  	v10 =	vmul.f32 v12, v55;
	v4 =	vadd.f32 v14, v4;
	v12 =	vmul.f32 v13, v55;
	v13 =	vld [tilespmem:s21+$0xFFFFFFF0]  }
0x1b2: {  	v1 =	vmul.f32 v1, v52;
	v2 =	vadd.f32 v2, v5;
	v3 =	vadd.f32 v15, v3  }
0x1b3: {  	v5 =	vmul.f32 v62, v52;
	v6 =	vadd.f32 v6, v7;
	v4 =	vadd.f32 v10, v4;
	v10 =	vld [tilespmem:s21+$0x30]  }
0x1b4: {  	v9 =	vmul.f32 v9, v52;
	v3 =	vadd.f32 v12, v3  }
0x1b5: {  	v2 =	vadd.f32 v5, v2;
	v7 =	vld [tilespmem:s21+$0x20];
	v1 =	vadd.f32 v1, v6;
	v11 =	vmul.f32 v11, v52  }
0x1b6: {  	v6 =	vmul.f32 v8, v50;
	v3 =	vadd.f32 v9, v3;
	v8 =	vmul.f32 v13, v50  }
0x1b7: {  	v5 =	vld [tilespmem:s21+$0x60];
	v4 =	vadd.f32 v11, v4  }
0x1b8: {  	v2 =	vadd.f32 v60, v2;
	v9 =	vld [tilespmem:s21+$0x70];
	v3 =	vadd.f32 v8, v3;
	v8 =	vmul.f32 v10, v46  }
0x1b9: {  	v1 =	vadd.f32 v59, v1;
	v4 =	vadd.f32 v6, v4;
	v6 =	vld [tilespmem:s21+$0xA0]  }
0x1ba: {  	v7 =	vmul.f32 v7, v46  }
0x1bb: {  	v2 =	vadd.f32 v56, v2;
	v1 =	vadd.f32 v57, v1;
	v10 =	vld [tilespmem:s21+$0xB0]  }
0x1bc: {  	v5 =	vmul.f32 v5, v45;
	v4 =	vadd.f32 v7, v4;
	v7 =	vld [tilespmem:s21+$0xE0];
	v3 =	vadd.f32 v8, v3;
	v8, _, _ =	vpop (xrf2)  }
0x1bd: {  	v2 =	vadd.f32 v54, v2;
	v11 =	vld [tilespmem:s21+$0xF0];
	v9 =	vmul.f32 v9, v45;
	v8 =	vadd.f32 $0.0e+00, v8  }
0x1be: {  	v1 =	vadd.f32 v53, v1;
	v4 =	vadd.f32 v5, v4;
	v5 =	vld [tilespmem:s21+$0x120];
	v6 =	vmul.f32 v6, v42  }
0x1bf: {  	v2 =	vadd.f32 v51, v2;
	v3 =	vadd.f32 v9, v3;
	v9 =	vld [tilespmem:s21+$0x130];
	v8 =	vbroadcast v8, $0xF  }
0x1c0: {  	v1 =	vadd.f32 v49, v1;
	v10 =	vmul.f32 v10, v42;
	v4 =	vadd.f32 v6, v4;
	v6 =	vld [tilespmem:s21+$0x160]  }
0x1c1: {  	v2 =	vadd.f32 v48, v2;
	v7 =	vmul.f32 v7, v39;
	(erf) = vrcp.f32 v8;
	v8 =	vld [tilespmem:s21+$0x170]  }
0x1c2: {  	v1 =	vadd.f32 v47, v1;
	v3 =	vadd.f32 v10, v3;
	v10 =	vmul.f32 v11, v39;
	v11 =	vld [tilespmem:s21+$0x1A0]  }
0x1c3: {  	v2 =	vadd.f32 v44, v2;
	v4 =	vadd.f32 v7, v4;
	v5 =	vmul.f32 v5, v25;
	v7 =	vld [tilespmem:s21+$0x1B0]  }
0x1c4: {  	v1 =	vadd.f32 v43, v1;
	v3 =	vadd.f32 v10, v3;
	v9 =	vmul.f32 v9, v25;
	v10 =	vld [tilespmem:s21+$0x1E0]  }
0x1c5: {  	v2 =	vadd.f32 v41, v2;
	v4 =	vadd.f32 v5, v4;
	v5 =	vmul.f32 v6, v20;
	v6 =	vld [tilespmem:s21+$0x1F0]  }
0x1c6: {  	v1 =	vadd.f32 v40, v1;
	v3 =	vadd.f32 v9, v3;
	v8 =	vmul.f32 v8, v20  }
0x1c7: {  	v2 =	vadd.f32 v31, v2;
	v4 =	vadd.f32 v5, v4;
	v5 =	vmul.f32 v11, v19  }
0x1c8: {  	v1 =	vadd.f32 v30, v1;
	v7 =	vmul.f32 v7, v19;
	v3 =	vadd.f32 v8, v3  }
0x1c9: {  	s20 =	sadd.s32 $0x2, s20;
	v2 =	vadd.f32 v24, v2;
	v4 =	vadd.f32 v5, v4;
	v8 =	vmul.f32 v10, v18  }
0x1ca: {  	s29 =	smin.u32 s20, s7;
	v1 =	vadd.f32 v22, v1;
	v5 =	vmul.f32 v6, v18;
	v3 =	vadd.f32 v7, v3;
	v6 =	vpop (erf)  }
0x1cb: {  	s30 =	sshll.u32 s19, $0x7;
	s22 =	sshrl.u32 s29, $0x3;
	v4 =	vadd.f32 v8, v4;
	v2 =	vmul.f32 v2, v6  }
0x1cc: {  	s20 =	sand.u32 $0x380, s30;
	s22 =	smul.u32 $0x19000, s22;
	s21 =	sshll.u32 s29, $0x7;
	v1 =	vmul.f32 v1, v6;
	v3 =	vadd.f32 v5, v3  }
0x1cd: {  	s21 =	sand.u32 $0x380, s21;
	[tilespmem:s20+$0x6980] =	vst v2;
	v2 =	vmul.f32 v4, v6  }
0x1ce: {  	s21 =	sor.u32 s21, s22;
	[tilespmem:s20+$0x6990] =	vst v1;
	v1 =	vmul.f32 v3, v6  }
0x1cf: {  	s21 =	sshrl.u32 s21, $0x3;
	[tilespmem:s20+$0x69A0] =	vst v2  }
0x1d0: {  	s21 =	sadd.s32 s1, s21;
	[tilespmem:s20+$0x69B0] =	vst v1  }
0x1d1: {  	[tilespmem:s5], [sflag:$0x1] =	stream.strided.gather [hbm4b:s21+s12], $0x3200, s13, s12, $0x38;
	[tilespmem:$0x7A80] =	vst v63  }
0x1d2: {  	_ =	swait.ge [sflag:s17], $0x3200  }
0x1d3: {  	[sflag:s17] =	ssyncset.done $0x0  }
0x1d4: {  	[sflag:s17] =	ssyncadd.s32 $0xFFFFCE00  }
0x1d5: {  	v3 =	vld [tilespmem:$0x6800]  }
0x1d6: {  	v4 =	vld [tilespmem:$0x6810]  }
0x1d7: {  	v2 =	vld [tilespmem:$0x6820]  }
0x1d8: {  	s31 =	simm.s32 $0x3480;
	v1 =	vld [tilespmem:$0x6830]  }
0x1d9: {  	v5 =	vld [tilespmem:s31+$0x40]  }
0x1da: {  	v6 =	vld [tilespmem:s31+$0x50]  }
0x1db: {  	v9 =	vld [tilespmem:s31+$0xFFFFFF90]  }
0x1dc: {  	v7 =	vld [tilespmem:s31+$0x60]  }
0x1dd: {  	v8 =	vld [tilespmem:s31+$0xFFFFFFC0]  }
0x1de: {  	v10 =	vld [tilespmem:s31+$0x70]  }
0x1df: {  	v11 =	vld [tilespmem:s31+$0xFFFFFFD0]  }
0x1e0: {  	v12 =	vld [tilespmem:s31+$0x0];
	v5 =	vmul.f32 v5, v3;
	v6 =	vmul.f32 v6, v4  }
0x1e1: {  	v13 =	vld [tilespmem:s31+$0x10]  }
0x1e2: {  	v14 =	vld [tilespmem:s31+$0xFFFFFF80];
	v5 =	vadd.f32 v6, v5;
	v6 =	vmul.f32 v7, v2  }
0x1e3: {  	v15 =	vld [tilespmem:s31+$0xFFFFFFA0]  }
0x1e4: {  	v7 =	vmul.f32 v10, v1;
	v5 =	vadd.f32 v6, v5;
	v6 =	vld [tilespmem:s31+$0xFFFFFFE0]  }
0x1e5: {  	v11 =	vmul.f32 v11, v4;
	v10 =	vmul.f32 v8, v3;
	v8 =	vld [tilespmem:s31+$0x20]  }
0x1e6: {  	v12 =	vmul.f32 v12, v3;
	v63 =	vmul.f32 v13, v4;
	v62 =	vadd.f32 v7, v5;
	v7 =	vld [tilespmem:s31+$0xFFFFFFB0]  }
0x1e7: {  	s22 =	simm.s32 $0x6DA0;
	v14 =	vmul.f32 v14, v3;
	v5 =	vmul.f32 v9, v4;
	v9 =	vadd.f32 v11, v10;
	v10 =	vld [tilespmem:s31+$0xFFFFFFF0]  }
0x1e8: {  	s23 =	simm.s32 $0x0;
	s24 =	simm.s32 $0x3580;
	v13 =	vmul.f32 v15, v2;
	v12 =	vadd.f32 v63, v12;
	v11 =	vld [tilespmem:s31+$0x30];
	[tilespmem:s22+$0x10] =	vst v62  }
.LBB2_9:
0x1e9: {  	v15 =	vld [tilespmem:s24+$0x40];
	v5 =	vadd.f32 v5, v14;
	v6 =	vmul.f32 v6, v2  }
0x1ea: {  	s23 =	sadd.s32 $0x4, s23;
	v14 =	vld [tilespmem:s24+$0x50];
	v8 =	vmul.f32 v8, v2  }
0x1eb: {  	p0 =	slt.u32 s23, $0xCC;
	v16 =	vld [tilespmem:s24+$0xFFFFFF90];
	v5 =	vadd.f32 v13, v5;
	v7 =	vmul.f32 v7, v1;
	v6 =	vadd.f32 v6, v9  }
0x1ec: {  	v9 =	vld [tilespmem:s24+$0x60];
	v10 =	vmul.f32 v10, v1;
	v8 =	vadd.f32 v8, v12  }
0x1ed: {  	v12 =	vld [tilespmem:s24+$0xFFFFFFC0];
	v5 =	vadd.f32 v7, v5;
	v7 =	vmul.f32 v11, v1  }
0x1ee: {  	v11 =	vld [tilespmem:s24+$0x70];
	v6 =	vadd.f32 v10, v6  }
0x1ef: {  	v13 =	vmul.f32 v15, v3;
	v10 =	vld [tilespmem:s24+$0xFFFFFFD0];
	v14 =	vmul.f32 v14, v4;
	[tilespmem:s22+$0xFFFFFFE0] =	vst v5;
	v7 =	vadd.f32 v7, v8  }
0x1f0: {  	v5 =	vmul.f32 v16, v4;
	v8 =	vld [tilespmem:s24+$0x0];
	[tilespmem:s22+$0xFFFFFFF0] =	vst v6  }
0x1f1: {  	v15 =	vld [tilespmem:s24+$0x10];
	v6 =	vadd.f32 v14, v13;
	v9 =	vmul.f32 v9, v2;
	[tilespmem:s22+$0x0] =	vst v7  }
0x1f2: {  	v13 =	vld [tilespmem:s24+$0xFFFFFF80];
	v12 =	vmul.f32 v12, v3  }
0x1f3: {  	v16 =	vld [tilespmem:s24+$0xFFFFFFA0];
	v7 =	vadd.f32 v9, v6;
	v9 =	vmul.f32 v11, v1  }
.Ltmp3:
0x1f4: {  	v10 =	vmul.f32 v10, v4;
	v6 =	vld [tilespmem:s24+$0xFFFFFFE0];
	(pc) =	sbr.rel @p0 .LBB2_9-.Ltmp3, $4  }
0x1f5: {  	v11 =	vmul.f32 v8, v3;
	v8 =	vld [tilespmem:s24+$0x20];
	v17 =	vadd.f32 v9, v7  }
0x1f6: {  	s21 =	simm.s32 $0x6890;
	s22 =	sadd.s32 $0x40, s22;
	v7 =	vld [tilespmem:s24+$0xFFFFFFB0];
	v9 =	vadd.f32 v10, v12;
	v12 =	vmul.f32 v15, v4  }
0x1f7: {  	v18 =	vimm.f32 $-1.000000020e+30;
	s25 =	simm.s32 $0x10F;
	v14 =	vmul.f32 v13, v3;
	v10 =	vld [tilespmem:s24+$0xFFFFFFF0];
	[tilespmem:s22+$0x10] =	vst v17  }
0x1f8: {  	v13 =	vmul.f32 v16, v2;
	v12 =	vadd.f32 v12, v11;
	v11 =	vld [tilespmem:s24+$0x30];
	s24 =	sadd.s32 $0x100, s24  }
0x1f9: {  	v3 =	vadd.f32 v5, v14  }
0x1fa: {  	v4 =	vmul.f32 v6, v2;
	v2 =	vmul.f32 v8, v2  }
0x1fb: {  	v3 =	vadd.f32 v13, v3;
	v5 =	vmul.f32 v7, v1  }
0x1fc: {  	v4 =	vadd.f32 v4, v9;
	v6 =	vmul.f32 v10, v1;
	v2 =	vadd.f32 v2, v12  }
0x1fd: {  	s30 =	simm.s32 $0xA;
	v3 =	vadd.f32 v5, v3;
	v1 =	vmul.f32 v11, v1;
	v5 =	vor.u32 s25, v0  }
0x1fe: {  	v7 =	vor.u32 s30, v0;
	s30 =	simm.s32 $0x2;
	v4 =	vadd.f32 v6, v4  }
0x1ff: {  	s23 =	simm.s32 $0x102;
	v13 =	vor.u32 s30, v0;
	[tilespmem:s22+$0xFFFFFFE0] =	vst v3;
	v1 =	vadd.f32 v1, v2  }
0x200: {  	s25 =	simm.s32 $0x10D;
	v6 =	vor.u32 s23, v0;
	[tilespmem:s22+$0xFFFFFFF0] =	vst v4  }
0x201: {  	s24 =	simm.s32 $0x0;
	v2 =	vor.u32 s25, v0;
	[tilespmem:s22+$0x0] =	vst v1  }
0x202: {  	s28 =	simm.s32 $0xC;
	v3 =	vor.u32 s24, v0;
	v19 =	vld.idx.msk [tilespmem:v5+s16+$0x0], $0xffff  }
0x203: {  	s24 =	simm.s32 $0x9;
	v4 =	vor.u32 s28, v0;
	v7 =	vld.idx.msk [tilespmem:v7+s16+$0x0], $0xffff  }
0x204: {  	s26 =	simm.s32 $0x6;
	v9 =	vor.u32 s24, v0;
	v13 =	vld.idx.msk [tilespmem:v13+s16+$0x0], $0xffff  }
0x205: {  	s28 =	simm.s32 $0xD;
	v1 =	vor.u32 s26, v0;
	v6 =	vld.idx.msk [tilespmem:v6+s16+$0x0], $0xffff  }
0x206: {  	s29 =	simm.s32 $0xB;
	v11 =	vor.u32 s28, v0;
	v20 =	vld.idx.msk [tilespmem:v2+s16+$0x0], $0xffff  }
0x207: {  	s31 =	simm.s32 $0xF;
	v5 =	vor.u32 s29, v0;
	v8 =	vld.idx.msk [tilespmem:v3+s16+$0x0], $0xffff  }
0x208: {  	s26 =	simm.s32 $0x8;
	v2 =	vor.u32 s31, v0;
	v12 =	vld.idx.msk [tilespmem:v4+s16+$0x0], $0xffff  }
0x209: {  	s23 =	simm.s32 $0x103;
	v10 =	vor.u32 s26, v0;
	v9 =	vld.idx.msk [tilespmem:v9+s16+$0x0], $0xffff  }
0x20a: {  	s25 =	simm.s32 $0x7;
	v3 =	vor.u32 s23, v0;
	v1 =	vld.idx.msk [tilespmem:v1+s16+$0x0], $0xffff  }
0x20b: {  	s31 =	simm.s32 $0x3;
	v4 =	vor.u32 s25, v0;
	v17 =	vld.idx.msk [tilespmem:v11+s16+$0x0], $0xffff  }
0x20c: {  	s29 =	simm.s32 $0x1;
	v14 =	vor.u32 s31, v0;
	v5 =	vld.idx.msk [tilespmem:v5+s16+$0x0], $0xffff  }
0x20d: {  	s26 =	simm.s32 $0x100;
	v21 =	vld.idx.msk [tilespmem:v2+s16+$0x0], $0xffff;
	v2 =	vor.u32 s29, v0  }
0x20e: {  	s24 =	simm.s32 $0x5;
	v11 =	vor.u32 s26, v0;
	v16 =	vld.idx.msk [tilespmem:v10+s16+$0x0], $0xffff  }
0x20f: {  	s23 =	simm.s32 $0x4;
	v10 =	vor.u32 s24, v0;
	v3 =	vld.idx.msk [tilespmem:v3+s16+$0x0], $0xffff  }
0x210: {  	s29 =	simm.s32 $0x104;
	v15 =	vld.idx.msk [tilespmem:v4+s16+$0x0], $0xffff;
	v4 =	vor.u32 s23, v0  }
0x211: {  	s25 =	simm.s32 $0x101;
	v14 =	vld.idx.msk [tilespmem:v14+s16+$0x0], $0xffff;
	v25 =	vor.u32 s29, v0  }
0x212: {  	s30 =	simm.s32 $0x106;
	v23 =	vld.idx.msk [tilespmem:v2+s16+$0x0], $0xffff;
	v2 =	vor.u32 s25, v0  }
0x213: {  	v27 =	vor.u32 s30, v0;
	s31 =	simm.s32 $0xE;
	v11 =	vld.idx.msk [tilespmem:v11+s16+$0x0], $0xffff  }
0x214: {  	s28 =	simm.s32 $0x105;
	v28 =	vor.u32 s31, v0;
	v26 =	vld.idx.msk [tilespmem:v10+s16+$0x0], $0xffff;
	v5 =	vadd.f32 v5, v7;
	v7 =	vadd.f32 v9, v16  }
0x215: {  	v22 =	vor.u32 s28, v0;
	s24 =	simm.s32 $0x108;
	v24 =	vld.idx.msk [tilespmem:v4+s16+$0x0], $0xffff  }
0x216: {  	s26 =	simm.s32 $0x10B;
	v29 =	vor.u32 s24, v0;
	v9 =	vadd.f32 v15, v1;
	v1 =	vadd.f32 v5, v7;
	v5 =	vld.idx.msk [tilespmem:v25+s16+$0x0], $0xffff  }
0x217: {  	s28 =	simm.s32 $0x10A;
	v16 =	vor.u32 s26, v0;
	v10 =	vld.idx.msk [tilespmem:v2+s16+$0x0], $0xffff  }
0x218: {  	s29 =	simm.s32 $0x10C;
	v4 =	vadd.f32 v3, v6;
	v3 =	vadd.f32 v17, v12;
	v6 =	vld.idx.msk [tilespmem:v27+s16+$0x0], $0xffff;
	v17 =	vor.u32 s28, v0  }
0x219: {  	s30 =	simm.s32 $0x107;
	v12 =	vld.idx.msk [tilespmem:v28+s16+$0x0], $0xffff;
	v7 =	vadd.f32 v23, v8;
	v8 =	vadd.f32 v14, v13;
	v14 =	vor.u32 s29, v0  }
0x21a: {  	s31 =	simm.s32 $0x10E;
	s25 =	simm.s32 $0x109;
	v15 =	vor.u32 s30, v0;
	v2 =	vld.idx.msk [tilespmem:v22+s16+$0x0], $0xffff;
	v23 =	vadd.f32 v26, v24  }
0x21b: {  	s22 =	simm.s32 $0x0;
	s24 =	simm.s32 $0x68B0;
	s23 =	simm.s32 $0x30F;
	v22 =	vor.u32 s25, v0;
	v13 =	vor.u32 s31, v0;
	v7 =	vadd.f32 v8, v7;
	v8 =	vld.idx.msk [tilespmem:v29+s16+$0x0], $0xffff  }
.LBB2_11:
0x21c: {  	s25 =	sadd.s32 $0xFFFFFEF1, s23;
	s26 =	sadd.s32 $0xFFFFFEF7, s23;
	s28 =	sadd.s32 $0xFFFFFEFD, s23;
	v9 =	vadd.f32 v9, v23;
	v16 =	vld.idx.msk [tilespmem:v16+s16+$0x0], $0xffff;
	v10 =	vadd.f32 v10, v11  }
0x21d: {  	s29 =	sadd.s32 $0xFFFFFEF8, s23;
	v24 =	vor.u32 s23, v0;
	v11 =	vor.u32 s25, v0;
	s25 =	sadd.s32 $0xFFFFFEF2, s23;
	v23 =	vor.u32 s28, v0;
	s28 =	sadd.s32 $0xFFFFFFF3, s23;
	v17 =	vld.idx.msk [tilespmem:v17+s16+$0x0], $0xffff  }
0x21e: {  	v26 =	vor.u32 s29, v0;
	s29 =	sadd.s32 $0xFFFFFEFE, s23;
	v25 =	vor.u32 s25, v0;
	s25 =	sadd.s32 $0xFFFFFEF3, s23;
	v27 =	vor.u32 s28, v0;
	s28 =	sadd.s32 $0xFFFFFFFE, s23;
	v14 =	vld.idx.msk [tilespmem:v14+s16+$0x0], $0xffff  }
0x21f: {  	s30 =	sadd.s32 $0xFFFFFEF9, s23;
	v29 =	vor.u32 s29, v0;
	s29 =	sadd.s32 $0xFFFFFFFA, s23;
	v28 =	vor.u32 s25, v0;
	s25 =	sadd.s32 $0xFFFFFEF4, s23;
	v30 =	vor.u32 s28, v0;
	v15 =	vld.idx.msk [tilespmem:v15+s16+$0x0], $0xffff  }
0x220: {  	v32 =	vor.u32 s26, v0;
	s26 =	sadd.s32 $0xFFFFFEFA, s23;
	s28 =	sadd.s32 $0xFFFFFEF5, s23;
	v12 =	vadd.f32 v21, v12;
	v31 =	vor.u32 s25, v0;
	s25 =	sadd.s32 $0xFFFFFFF8, s23;
	v13 =	vld.idx.msk [tilespmem:v13+s16+$0x0], $0xffff  }
0x221: {  	s31 =	sadd.s32 $0xFFFFFF00, s23;
	v34 =	vor.u32 s30, v0;
	s30 =	sadd.s32 $0xFFFFFEFC, s23;
	v4 =	vadd.f32 v4, v10;
	v33 =	vor.u32 s28, v0;
	s28 =	sadd.s32 $0xFFFFFEF6, s23;
	v21 =	vld.idx.msk [tilespmem:v22+s16+$0x0], $0xffff  }
0x222: {  	s22 =	sadd.s32 $0x2, s22;
	v35 =	vor.u32 s26, v0;
	s26 =	sadd.s32 $0xFFFFFEFB, s23;
	v36 =	vor.u32 s30, v0;
	v10 =	vor.u32 s28, v0;
	s28 =	sadd.s32 $0xFFFFFEFF, s23;
	v24 =	vld.idx.msk [tilespmem:v24+s16+$0x0], $0xffff  }
0x223: {  	v39 =	vor.u32 s31, v0;
	p0 =	slt.u32 s22, $0xA;
	v37 =	vor.u32 s26, v0;
	s26 =	sadd.s32 $0xFFFFFFF4, s23;
	v38 =	vor.u32 s28, v0;
	v27 =	vld.idx.msk [tilespmem:v27+s16+$0x0], $0xffff  }
0x224: {  	v40 =	vor.u32 s26, v0;
	v3 =	vadd.f32 v12, v3;
	v12 =	vadd.f32 v20, v14;
	v20 =	vld.idx.msk [tilespmem:v30+s16+$0x0], $0xffff  }
0x225: {  	v7 =	vadd.f32 v9, v7;
	v22 =	vor.u32 s29, v0;
	v6 =	vadd.f32 v15, v6;
	v14 =	vld.idx.msk [tilespmem:v11+s16+$0x0], $0xffff  }
0x226: {  	v2 =	vadd.f32 v2, v5;
	v5 =	vadd.f32 v19, v13;
	v9 =	vld.idx.msk [tilespmem:v32+s16+$0x0], $0xffff  }
0x227: {  	v13 =	vadd.f32 v16, v17;
	v8 =	vadd.f32 v21, v8;
	v11 =	vld.idx.msk [tilespmem:v23+s16+$0x0], $0xffff  }
0x228: {  	v1 =	vadd.f32 v3, v1;
	v2 =	vadd.f32 v6, v2;
	v19 =	vmov v24;
	v15 =	vld.idx.msk [tilespmem:v36+s16+$0x0], $0xffff  }
0x229: {  	v5 =	vadd.f32 v5, v12;
	v6 =	vadd.f32 v13, v8;
	v3 =	vld.idx.msk [tilespmem:v37+s16+$0x0], $0xffff  }
0x22a: {  	v1 =	vadd.f32 v1, v7;
	v21 =	vld.idx.msk [tilespmem:v39+s16+$0x0], $0xffff  }
0x22b: {  	v2 =	vadd.f32 v2, v4;
	v4 =	vadd.f32 v5, v6;
	v7 =	vld.idx.msk [tilespmem:v40+s16+$0x0], $0xffff  }
0x22c: {  	v5 =	vld.idx.msk [tilespmem:v35+s16+$0x0], $0xffff;
	[tilespmem:s21+$0xFFFFFFF0] =	vst v1  }
0x22d: {  	v2 =	vadd.f32 v4, v2;
	v6 =	vld.idx.msk [tilespmem:v26+s16+$0x0], $0xffff  }
0x22e: {  	v1 =	vmax.f32 v18, v1;
	v8 =	vld.idx.msk [tilespmem:v34+s16+$0x0], $0xffff  }
0x22f: {  	s26 =	sadd.s32 $0xFFFFFFF2, s23;
	v13 =	vadd.f32 v15, v3;
	v18 =	vmax.f32 v1, v2;
	v12 =	vld.idx.msk [tilespmem:v29+s16+$0x0], $0xffff;
	[tilespmem:s21+$0x0] =	vst v2;
	s21 =	smov.u32 s24  }
0x230: {  	s28 =	sadd.s32 $0xFFFFFFF1, s23;
	v1 =	vor.u32 s26, v0;
	v15 =	vld.idx.msk [tilespmem:v25+s16+$0x0], $0xffff  }
0x231: {  	s26 =	sadd.s32 $0xFFFFFFF6, s23;
	v2 =	vor.u32 s28, v0;
	v4 =	vadd.f32 v7, v27;
	v17 =	vld.idx.msk [tilespmem:v28+s16+$0x0], $0xffff  }
0x232: {  	s28 =	sadd.s32 $0xFFFFFFF5, s23;
	v16 =	vor.u32 s26, v0;
	v7 =	vld.idx.msk [tilespmem:v31+s16+$0x0], $0xffff  }
0x233: {  	s26 =	sadd.s32 $0xFFFFFFF7, s23;
	v9 =	vadd.f32 v6, v9;
	v6 =	vor.u32 s28, v0;
	v23 =	vld.idx.msk [tilespmem:v33+s16+$0x0], $0xffff  }
0x234: {  	v5 =	vadd.f32 v5, v8;
	v8 =	vor.u32 s26, v0;
	v24 =	vld.idx.msk [tilespmem:v10+s16+$0x0], $0xffff  }
0x235: {  	s26 =	sadd.s32 $0xFFFFFFF9, s23;
	v10 =	vld.idx.msk [tilespmem:v1+s16+$0x0], $0xffff  }
0x236: {  	v3 =	vadd.f32 v12, v11;
	v1 =	vadd.f32 v13, v5;
	v13 =	vor.u32 s26, v0;
	s26 =	sadd.s32 $0xFFFFFFFC, s23;
	v11 =	vld.idx.msk [tilespmem:v2+s16+$0x0], $0xffff  }
.Ltmp4:
0x237: {  	s28 =	sadd.s32 $0xFFFFFFFB, s23;
	v2 =	vld.idx.msk [tilespmem:v16+s16+$0x0], $0xffff;
	v16 =	vor.u32 s26, v0;
	(pc) =	sbr.rel @p0 .LBB2_11-.Ltmp4, $4  }
0x238: {  	v15 =	vadd.f32 v15, v14;
	v7 =	vadd.f32 v7, v17;
	v17 =	vor.u32 s28, v0;
	s26 =	sadd.s32 $0xFFFFFFFD, s23;
	v5 =	vld.idx.msk [tilespmem:v6+s16+$0x0], $0xffff  }
0x239: {  	v14 =	vor.u32 s26, v0;
	v6 =	vld.idx.msk [tilespmem:v8+s16+$0x0], $0xffff  }
0x23a: {  	v23 =	vadd.f32 v24, v23;
	v7 =	vadd.f32 v7, v15;
	v15 =	vor.u32 s25, v0;
	s25 =	sadd.s32 $0xFFFFFFFF, s23;
	v12 =	vld.idx.msk [tilespmem:v38+s16+$0x0], $0xffff  }
0x23b: {  	s24 =	sadd.s32 $0x20, s24;
	s23 =	sadd.s32 $0x200, s23;
	v8 =	vld.idx.msk [tilespmem:v13+s16+$0x0], $0xffff;
	v13 =	vor.u32 s25, v0  }
0x23c: {  	_ =	sdelay $0x3  }
0x23d: {  	v16 =	vld.idx.msk [tilespmem:v16+s16+$0x0], $0xffff  }
0x23e: {  	v17 =	vld.idx.msk [tilespmem:v17+s16+$0x0], $0xffff  }
0x23f: {  	v14 =	vld.idx.msk [tilespmem:v14+s16+$0x0], $0xffff  }
0x240: {  	v15 =	vld.idx.msk [tilespmem:v15+s16+$0x0], $0xffff  }
0x241: {  	v13 =	vld.idx.msk [tilespmem:v13+s16+$0x0], $0xffff  }
0x242: {  	v10 =	vadd.f32 v10, v11;
	v11 =	vld.idx.msk [tilespmem:v22+s16+$0x0], $0xffff  }
0x243: {  	v9 =	vadd.f32 v9, v23  }
0x244: {  	v2 =	vadd.f32 v2, v5;
	v4 =	vadd.f32 v4, v10  }
0x245: {  	v12 =	vadd.f32 v21, v12;
	v10 =	vadd.f32 v20, v14  }
0x246: {  	v6 =	vadd.f32 v15, v6;
	v5 =	vadd.f32 v19, v13  }
0x247: {  	v8 =	vadd.f32 v11, v8;
	v11 =	vadd.f32 v16, v17  }
0x248: {  	v3 =	vadd.f32 v12, v3;
	v2 =	vadd.f32 v6, v2  }
0x249: {  	v6 =	vadd.f32 v11, v8;
	v5 =	vadd.f32 v5, v10  }
0x24a: {  	v7 =	vadd.f32 v9, v7;
	v1 =	vadd.f32 v3, v1  }
0x24b: {  	v2 =	vadd.f32 v2, v4;
	v3 =	vadd.f32 v5, v6  }
0x24c: {  	v1 =	vadd.f32 v1, v7  }
0x24d: {  	v2 =	vadd.f32 v3, v2  }
0x24e: {  	[tilespmem:s21+$0xFFFFFFF0] =	vst v1  }
0x24f: {  	[tilespmem:s21+$0x0] =	vst v2  }
0x250: {  	v3 =	vld [tilespmem:$0x1FF00]  }
0x251: {  	v4 =	vld [tilespmem:$0x1FF10]  }
0x252: {  	v5 =	vld [tilespmem:$0x1FF20]  }
0x253: {  	v6 =	vld [tilespmem:$0x1FF30]  }
0x254: {  	v7 =	vld [tilespmem:$0x1FF40]  }
0x255: {  	v8 =	vld [tilespmem:$0x1FF50]  }
0x256: {  	v9 =	vld [tilespmem:$0x1FF60]  }
0x257: {  	v10 =	vld [tilespmem:$0x1FF70]  }
0x258: {  	v11 =	vld [tilespmem:$0x1FF80]  }
0x259: {  	v12 =	vld [tilespmem:$0x1FF90]  }
0x25a: {  	v13 =	vld [tilespmem:$0x1FFA0]  }
0x25b: {  	v14 =	vld [tilespmem:$0x1FFB0]  }
0x25c: {  	v15 =	vld [tilespmem:$0x1FFC0]  }
0x25d: {  	v16 =	vld [tilespmem:$0x1FFD0]  }
0x25e: {  	v17 =	vld [tilespmem:$0x1FFE0]  }
0x25f: {  	v19 =	vld [tilespmem:$0x1FFF0]  }
0x260: {  	v3 =	vld.idx.msk [tilespmem:v3+s16+$0x0], $0xffff  }
0x261: {  	v4 =	vld.idx.msk [tilespmem:v4+s16+$0x0], $0xffff  }
0x262: {  	v5 =	vld.idx.msk [tilespmem:v5+s16+$0x0], $0xffff  }
0x263: {  	v6 =	vld.idx.msk [tilespmem:v6+s16+$0x0], $0xffff  }
0x264: {  	v7 =	vld.idx.msk [tilespmem:v7+s16+$0x0], $0xffff  }
0x265: {  	v8 =	vld.idx.msk [tilespmem:v8+s16+$0x0], $0xffff  }
0x266: {  	v9 =	vld.idx.msk [tilespmem:v9+s16+$0x0], $0xffff  }
0x267: {  	v10 =	vld.idx.msk [tilespmem:v10+s16+$0x0], $0xffff  }
0x268: {  	v11 =	vld.idx.msk [tilespmem:v11+s16+$0x0], $0xffff  }
0x269: {  	v12 =	vld.idx.msk [tilespmem:v12+s16+$0x0], $0xffff  }
0x26a: {  	v13 =	vld.idx.msk [tilespmem:v13+s16+$0x0], $0xffff  }
0x26b: {  	v14 =	vld.idx.msk [tilespmem:v14+s16+$0x0], $0xffff  }
0x26c: {  	v15 =	vld.idx.msk [tilespmem:v15+s16+$0x0], $0xffff  }
0x26d: {  	v16 =	vld.idx.msk [tilespmem:v16+s16+$0x0], $0xffff  }
0x26e: {  	v17 =	vld.idx.msk [tilespmem:v17+s16+$0x0], $0xffff  }
0x26f: {  	v19 =	vld.idx.msk [tilespmem:v19+s16+$0x0], $0xffff;
	_ =	sdelay $0x1  }
0x270: {  	v3 =	vadd.f32 v4, v3;
	v4 =	vadd.f32 v6, v5  }
0x271: {  	v5 =	vadd.f32 v8, v7;
	v6 =	vadd.f32 v10, v9  }
0x272: {  	v7 =	vadd.f32 v12, v11;
	v8 =	vadd.f32 v14, v13  }
0x273: {  	v9 =	vadd.f32 v16, v15;
	v10 =	vadd.f32 v19, v17  }
0x274: {  	v3 =	vadd.f32 v4, v3;
	v4 =	vadd.f32 v6, v5  }
0x275: {  	v5 =	vadd.f32 v8, v7;
	v6 =	vadd.f32 v10, v9;
	_ =	sdelay $0x1  }
0x276: {  	v3 =	vadd.f32 v4, v3;
	v4 =	vadd.f32 v6, v5;
	_ =	sdelay $0x1  }
0x277: {  	v3 =	vadd.f32 v4, v3  }
0x278: {  	v1 =	vmax.f32 v18, v1  }
0x279: {  	v1 =	vmax.f32 v1, v2;
	v2 =	vnsel vm0, $0xF149F2CA, v3  }
0x27a: {  	v1 =	vmax.f32 v1, v2  }
0x27b: {  	(xrf0) =	vmax.scan.msk.f32 $0xffff, v1;
	_ =	sdelay $0x3  }
0x27c: {  	v1 =	vld [tilespmem:$0x6880];
	_ =	sdelay $0x1  }
0x27d: {  	v3 =	vld [tilespmem:$0x6890];
	v4, _, _ =	vpop (xrf0)  }
0x27e: {  	v5 =	vld [tilespmem:$0x68A0];
	v4 =	vbroadcast v4, $0xF  }
0x27f: {  	v6 =	vld [tilespmem:$0x68B0]  }
0x280: {  	v7 =	vld [tilespmem:$0x68C0];
	v1 =	vsub.f32 v1, v4  }
0x281: {  	v8 =	vld [tilespmem:$0x68D0]  }
0x282: {  	v9 =	vld [tilespmem:$0x68E0];
	v3 =	vsub.f32 v3, v4;
	v1 =	vmul.f32 $1.442695020e+00, v1  }
0x283: {  	v5 =	vsub.f32 v5, v4  }
0x284: {  	v10 =	vld [tilespmem:$0x68F0];
	v6 =	vsub.f32 v6, v4;
	v3 =	vmul.f32 $1.442695020e+00, v3;
	(erf) = vpow2.f32 v1  }
0x285: {  	v11 =	vld [tilespmem:$0x6900];
	v1 =	vmul.f32 $1.442695020e+00, v5;
	v5 =	vsub.f32 v7, v4  }
0x286: {  	v7 =	vld [tilespmem:$0x6910];
	(erf) = vpow2.f32 v3;
	v3 =	vmul.f32 $1.442695020e+00, v6;
	v6 =	vsub.f32 v8, v4  }
0x287: {  	v8 =	vld [tilespmem:$0x6920];
	(erf) = vpow2.f32 v1;
	v1 =	vmul.f32 $1.442695020e+00, v5;
	v5 =	vsub.f32 v9, v4  }
0x288: {  	v9 =	vld [tilespmem:$0x6930];
	(erf) = vpow2.f32 v3;
	v3 =	vmul.f32 $1.442695020e+00, v6  }
0x289: {  	v6 =	vsub.f32 v10, v4;
	(erf) = vpow2.f32 v1;
	v1 =	vmul.f32 $1.442695020e+00, v5  }
0x28a: {  	v5 =	vsub.f32 v11, v4;
	(erf) = vpow2.f32 v3  }
0x28b: {  	v3 =	vmul.f32 $1.442695020e+00, v6;
	v6 =	vsub.f32 v7, v4;
	(erf) = vpow2.f32 v1  }
0x28c: {  	v2 =	vsub.f32 v2, v4;
	v1 =	vmul.f32 $1.442695020e+00, v5;
	v5 =	vsub.f32 v8, v4  }
0x28d: {  	(erf) = vpow2.f32 v3;
	v3 =	vmul.f32 $1.442695020e+00, v6;
	v6 =	vsub.f32 v9, v4;
	v4 =	vpop (erf)  }
0x28e: {  	[tilespmem:$0x1FDE0] =	vst v4  }
0x28f: {  	(erf) = vpow2.f32 v1;
	[tilespmem:$0x6880] =	vst v4;
	v4 =	vpop (erf)  }
0x290: {  	v1 =	vmul.f32 $1.442695020e+00, v5;
	[tilespmem:$0x6890] =	vst v4;
	v36 =	vpop (erf)  }
0x291: {  	(erf) = vpow2.f32 v3;
	v3 =	vmul.f32 $1.442695020e+00, v6;
	[tilespmem:$0x68A0] =	vst v36;
	v37 =	vpop (erf)  }
0x292: {  	(erf) = vpow2.f32 v1;
	v1 =	vmul.f32 $1.442695020e+00, v2;
	v38 =	vpop (erf);
	[tilespmem:$0x68B0] =	vst v37  }
0x293: {  	v35 =	vpop (erf);
	[tilespmem:$0x68C0] =	vst v38  }
0x294: {  	(erf) = vpow2.f32 v3;
	v2 =	vpop (erf);
	[tilespmem:$0x68D0] =	vst v35  }
0x295: {  	[tilespmem:$0x1FE00] =	vst v2  }
0x296: {  	(erf) = vpow2.f32 v1;
	v1 =	vpop (erf);
	[tilespmem:$0x68E0] =	vst v2  }
0x297: {  	[tilespmem:$0x1FE10] =	vst v1  }
0x298: {  	v2 =	vpop (erf);
	[tilespmem:$0x68F0] =	vst v1  }
0x299: {  	[tilespmem:$0x1FE20] =	vst v2  }
0x29a: {  	v1 =	vpop (erf);
	[tilespmem:$0x6900] =	vst v2  }
0x29b: {  	[tilespmem:$0x1FE30] =	vst v1  }
0x29c: {  	v2 =	vpop (erf);
	[tilespmem:$0x6910] =	vst v1  }
0x29d: {  	v1 =	vpop (erf);
	[tilespmem:$0x6920] =	vst v2  }
0x29e: {  	[tilespmem:$0x1FE50] =	vst v1  }
0x29f: {  	[tilespmem:$0x6930] =	vst v1;
	v1 =	vpop (erf)  }
0x2a0: {  	s21 =	simm.s32 $0x3600;
	[tilespmem:$0x6940] =	vst v1  }
0x2a1: {  	v3 =	vld [tilespmem:s21+$0x1C0]  }
0x2a2: {  	[tilespmem:$0x1FDF0] =	vst v4;
	v4 =	vld [tilespmem:s21+$0x1D0]  }
0x2a3: {  	v5 =	vld [tilespmem:s21+$0x180]  }
0x2a4: {  	v7 =	vld [tilespmem:s21+$0x190]  }
0x2a5: {  	v12 =	vld [tilespmem:s21+$0x140]  }
0x2a6: {  	v13 =	vld [tilespmem:s21+$0x150]  }
0x2a7: {  	v14 =	vld [tilespmem:s21+$0x100]  }
0x2a8: {  	v15 =	vld [tilespmem:s21+$0x110]  }
0x2a9: {  	s22 =	simm.s32 $0x0;
	v16 =	vld [tilespmem:s21+$0xC0]  }
0x2aa: {  	v6 =	vld [tilespmem:s22+$0x6880]  }
0x2ab: {  	v17 =	vld [tilespmem:s21+$0xD0]  }
0x2ac: {  	v21 =	vld [tilespmem:s21+$0x80]  }
0x2ad: {  	v49 =	vld [tilespmem:s21+$0x90]  }
0x2ae: {  	v53 =	vld [tilespmem:s21+$0x40]  }
0x2af: {  	v56 =	vld [tilespmem:s21+$0x50];
	v19 =	vbroadcast v6, $0xE;
	v18 =	vbroadcast v6, $0xF  }
0x2b0: {  	v57 =	vld [tilespmem:s21+$0x0];
	v25 =	vbroadcast v6, $0xC;
	v20 =	vbroadcast v6, $0xD  }
0x2b1: {  	v59 =	vld [tilespmem:s21+$0x10];
	v42 =	vbroadcast v6, $0xA;
	v39 =	vbroadcast v6, $0xB  }
0x2b2: {  	v60 =	vld [tilespmem:s21+$0xFFFFFFC0];
	v46 =	vbroadcast v6, $0x8;
	v45 =	vbroadcast v6, $0x9  }
0x2b3: {  	v23 =	vld [tilespmem:s21+$0xFFFFFFD0];
	v52 =	vbroadcast v6, $0x6;
	v50 =	vbroadcast v6, $0x7  }
0x2b4: {  	v62 =	vld [tilespmem:s21+$0xFFFFFF80];
	v58 =	vbroadcast v6, $0x4;
	v55 =	vbroadcast v6, $0x5  }
0x2b5: {  	[tilespmem:$0x1FE60] =	vst v1;
	v1 =	vld [tilespmem:s21+$0xFFFFFF90];
	v63 =	vbroadcast v6, $0x2;
	v61 =	vbroadcast v6, $0x3  }
0x2b6: {  	[tilespmem:$0x1FE40] =	vst v2;
	v2 =	vld [tilespmem:s21+$0xFFFFFF40];
	v11 =	vbroadcast v6, $0x0;
	v8 =	vbroadcast v6, $0x1  }
0x2b7: {  	v9 =	vld [tilespmem:s21+$0xFFFFFF00];
	v24 =	vmul.f32 v3, v18;
	v22 =	vmul.f32 v4, v18  }
0x2b8: {  	v10 =	vld [tilespmem:s21+$0xFFFFFF10];
	v31 =	vmul.f32 v5, v19;
	v30 =	vmul.f32 v7, v19  }
0x2b9: {  	v6 =	vld [tilespmem:s21+$0xFFFFFF50];
	v41 =	vmul.f32 v12, v20;
	v40 =	vmul.f32 v13, v20  }
0x2ba: {  	v12 =	vld [tilespmem:s21+$0xFFFFFEC0];
	v44 =	vmul.f32 v14, v25;
	v43 =	vmul.f32 v15, v25  }
0x2bb: {  	v13 =	vld [tilespmem:s21+$0xFFFFFED0];
	v48 =	vmul.f32 v16, v39;
	v47 =	vmul.f32 v17, v39  }
0x2bc: {  	v14 =	vld [tilespmem:s21+$0xFFFFFE80];
	v51 =	vmul.f32 v21, v42;
	v49 =	vmul.f32 v49, v42  }
0x2bd: {  	v15 =	vld [tilespmem:s21+$0xFFFFFE90];
	v54 =	vmul.f32 v53, v45;
	v53 =	vmul.f32 v56, v45  }
0x2be: {  	v16 =	vld [tilespmem:s21+$0xFFFFFE40];
	v56 =	vmul.f32 v57, v46;
	v57 =	vmul.f32 v59, v46  }
0x2bf: {  	v5 =	vimm.f32 $0.0e+00;
	v17 =	vld [tilespmem:s21+$0xFFFFFE50];
	v60 =	vmul.f32 v60, v50;
	v59 =	vmul.f32 v23, v50  }
0x2c0: {  	s22 =	simm.s32 $0x40;
	v21 =	vld [tilespmem:s21+$0xFFFFFE00];
	v7 =	vimm.f32 $0.0e+00;
	v4 =	vimm.f32 $0.0e+00;
	v3 =	vimm.f32 $0.0e+00  }
.LBB2_13:
0x2c1: {  	p0 =	sne.s32 s22, $0x300;
	v23 =	vld [tilespmem:s21+$0xFFFFFE10];
	v62 =	vmul.f32 v62, v52;
	v1 =	vmul.f32 v1, v52  }
0x2c2: {  	v2 =	vmul.f32 v2, v55;
	v6 =	vmul.f32 v6, v55;
	v26 =	vld [tilespmem:s21+$0xFFFFFE20]  }
0x2c3: {  	v9 =	vmul.f32 v9, v58;
	v10 =	vmul.f32 v10, v58;
	v27 =	vld [tilespmem:s21+$0xFFFFFE30]  }
0x2c4: {  	v12 =	vmul.f32 v12, v61;
	v13 =	vmul.f32 v13, v61;
	v28 =	vld [tilespmem:s21+$0xFFFFFE60]  }
0x2c5: {  	v14 =	vmul.f32 v14, v63;
	v15 =	vmul.f32 v15, v63;
	v29 =	vld [tilespmem:s21+$0xFFFFFE70]  }
0x2c6: {  	v16 =	vmul.f32 v16, v8;
	v17 =	vmul.f32 v17, v8;
	v32 =	vld [tilespmem:s21+$0xFFFFFEA0]  }
0x2c7: {  	v21 =	vmul.f32 v21, v11;
	v23 =	vmul.f32 v23, v11;
	v33 =	vld [tilespmem:s21+$0xFFFFFEB0]  }
0x2c8: {  	v26 =	vmul.f32 v26, v11;
	v11 =	vmul.f32 v27, v11;
	v27 =	vld [tilespmem:s21+$0xFFFFFEE0]  }
0x2c9: {  	v5 =	vadd.f32 v21, v5;
	v7 =	vadd.f32 v23, v7;
	v21 =	vmul.f32 v28, v8;
	v23 =	vld [tilespmem:s21+$0xFFFFFEF0]  }
0x2ca: {  	v4 =	vadd.f32 v26, v4;
	v3 =	vadd.f32 v11, v3;
	v8 =	vmul.f32 v29, v8;
	v11 =	vld [tilespmem:s21+$0xFFFFFF20]  }
0x2cb: {  	v5 =	vadd.f32 v16, v5;
	v7 =	vadd.f32 v17, v7;
	v16 =	vmul.f32 v32, v63;
	v17 =	vld [tilespmem:s21+$0xFFFFFF30]  }
0x2cc: {  	v4 =	vadd.f32 v21, v4;
	v3 =	vadd.f32 v8, v3;
	v8 =	vmul.f32 v33, v63;
	v21 =	vld [tilespmem:s21+$0xFFFFFF60]  }
0x2cd: {  	v5 =	vadd.f32 v14, v5;
	v7 =	vadd.f32 v15, v7;
	v14 =	vmul.f32 v27, v61;
	v15 =	vld [tilespmem:s21+$0xFFFFFF70]  }
0x2ce: {  	v4 =	vadd.f32 v16, v4;
	v3 =	vadd.f32 v8, v3;
	v8 =	vmul.f32 v23, v61;
	v16 =	vld [tilespmem:s21+$0xFFFFFFA0]  }
0x2cf: {  	v5 =	vadd.f32 v12, v5;
	v7 =	vadd.f32 v13, v7;
	v11 =	vmul.f32 v11, v58;
	v12 =	vld [tilespmem:s21+$0xFFFFFFB0]  }
0x2d0: {  	v4 =	vadd.f32 v14, v4;
	v3 =	vadd.f32 v8, v3;
	v8 =	vmul.f32 v17, v58;
	v13 =	vld [tilespmem:s21+$0xFFFFFFE0]  }
0x2d1: {  	v5 =	vadd.f32 v9, v5;
	v7 =	vadd.f32 v10, v7;
	v9 =	vmul.f32 v21, v55;
	v10 =	vld [tilespmem:s21+$0xFFFFFFF0]  }
0x2d2: {  	v4 =	vadd.f32 v11, v4;
	v3 =	vadd.f32 v8, v3;
	v8 =	vmul.f32 v15, v55;
	v11 =	vld [tilespmem:s21+$0x20]  }
0x2d3: {  	v2 =	vadd.f32 v2, v5;
	v5 =	vadd.f32 v6, v7;
	v6 =	vmul.f32 v16, v52;
	v7 =	vld [tilespmem:s21+$0x30]  }
0x2d4: {  	v4 =	vadd.f32 v9, v4;
	v3 =	vadd.f32 v8, v3;
	v8 =	vmul.f32 v12, v52;
	v9 =	vld [tilespmem:s21+$0x60]  }
0x2d5: {  	v2 =	vadd.f32 v62, v2;
	v1 =	vadd.f32 v1, v5;
	v5 =	vmul.f32 v13, v50;
	v12 =	vld [tilespmem:s21+$0x70]  }
0x2d6: {  	v4 =	vadd.f32 v6, v4;
	v3 =	vadd.f32 v8, v3;
	v6 =	vmul.f32 v10, v50;
	v8 =	vld [tilespmem:s21+$0xA0]  }
0x2d7: {  	v2 =	vadd.f32 v60, v2;
	v1 =	vadd.f32 v59, v1;
	v10 =	vmul.f32 v11, v46;
	v11 =	vld [tilespmem:s21+$0xB0]  }
0x2d8: {  	v4 =	vadd.f32 v5, v4;
	v3 =	vadd.f32 v6, v3;
	v5 =	vmul.f32 v7, v46;
	v6 =	vld [tilespmem:s21+$0xE0]  }
0x2d9: {  	v2 =	vadd.f32 v56, v2;
	v1 =	vadd.f32 v57, v1;
	v7 =	vmul.f32 v9, v45;
	v9 =	vld [tilespmem:s21+$0xF0]  }
0x2da: {  	v4 =	vadd.f32 v10, v4;
	v3 =	vadd.f32 v5, v3;
	v5 =	vmul.f32 v12, v45;
	v10 =	vld [tilespmem:s21+$0x120]  }
0x2db: {  	v2 =	vadd.f32 v54, v2;
	v1 =	vadd.f32 v53, v1;
	v8 =	vmul.f32 v8, v42;
	v12 =	vld [tilespmem:s21+$0x130]  }
0x2dc: {  	v4 =	vadd.f32 v7, v4;
	v3 =	vadd.f32 v5, v3;
	v5 =	vmul.f32 v11, v42;
	v7 =	vld [tilespmem:s21+$0x160]  }
0x2dd: {  	v2 =	vadd.f32 v51, v2;
	v1 =	vadd.f32 v49, v1;
	v6 =	vmul.f32 v6, v39;
	v11 =	vld [tilespmem:s21+$0x170]  }
0x2de: {  	v4 =	vadd.f32 v8, v4;
	v3 =	vadd.f32 v5, v3;
	v5 =	vmul.f32 v9, v39;
	v8 =	vld [tilespmem:s21+$0x1A0]  }
0x2df: {  	v2 =	vadd.f32 v48, v2;
	v1 =	vadd.f32 v47, v1;
	v9 =	vmul.f32 v10, v25;
	v10 =	vld [tilespmem:s21+$0x1B0]  }
0x2e0: {  	v4 =	vadd.f32 v6, v4;
	v3 =	vadd.f32 v5, v3;
	v5 =	vmul.f32 v12, v25;
	v6 =	vld [tilespmem:s21+$0x1E0]  }
0x2e1: {  	v2 =	vadd.f32 v44, v2;
	v1 =	vadd.f32 v43, v1;
	v7 =	vmul.f32 v7, v20;
	v12 =	vld [tilespmem:s21+$0x1F0];
	s21 =	sadd.s32 $0x400, s21  }
0x2e2: {  	v4 =	vadd.f32 v9, v4;
	v13 =	vld [tilespmem:s21+$0x1C0];
	v3 =	vadd.f32 v5, v3;
	v5 =	vmul.f32 v11, v20  }
0x2e3: {  	v2 =	vadd.f32 v41, v2;
	v1 =	vadd.f32 v40, v1;
	v14 =	vld [tilespmem:s21+$0x1D0];
	v8 =	vmul.f32 v8, v19  }
0x2e4: {  	v4 =	vadd.f32 v7, v4;
	v15 =	vld [tilespmem:s21+$0x180];
	v3 =	vadd.f32 v5, v3;
	v5 =	vmul.f32 v10, v19  }
0x2e5: {  	v2 =	vadd.f32 v31, v2;
	v1 =	vadd.f32 v30, v1;
	v16 =	vld [tilespmem:s21+$0x190];
	v6 =	vmul.f32 v6, v18  }
0x2e6: {  	v4 =	vadd.f32 v8, v4;
	v17 =	vld [tilespmem:s21+$0x140];
	v3 =	vadd.f32 v5, v3;
	v8 =	vmul.f32 v12, v18  }
0x2e7: {  	v5 =	vadd.f32 v24, v2;
	v7 =	vadd.f32 v22, v1;
	v21 =	vld [tilespmem:s21+$0x150]  }
0x2e8: {  	v4 =	vadd.f32 v6, v4;
	v23 =	vld [tilespmem:s21+$0x100];
	v3 =	vadd.f32 v8, v3  }
0x2e9: {  	v26 =	vld [tilespmem:s21+$0x110]  }
0x2ea: {  	v27 =	vld [tilespmem:s21+$0xC0]  }
0x2eb: {  	s23 =	sshra.s32 s22, $0x2;
	v28 =	vld [tilespmem:s21+$0xD0]  }
0x2ec: {  	v6 =	vld [tilespmem:s23+$0x6880]  }
0x2ed: {  	v29 =	vld [tilespmem:s21+$0x80]  }
0x2ee: {  	v32 =	vld [tilespmem:s21+$0x90]  }
0x2ef: {  	v33 =	vld [tilespmem:s21+$0x40]  }
0x2f0: {  	v53 =	vld [tilespmem:s21+$0x50]  }
0x2f1: {  	v56 =	vld [tilespmem:s21+$0x0];
	v19 =	vbroadcast v6, $0xE;
	v18 =	vbroadcast v6, $0xF  }
0x2f2: {  	v25 =	vbroadcast v6, $0xC;
	v20 =	vbroadcast v6, $0xD;
	v57 =	vld [tilespmem:s21+$0x10]  }
0x2f3: {  	v42 =	vbroadcast v6, $0xA;
	v39 =	vbroadcast v6, $0xB;
	v59 =	vld [tilespmem:s21+$0xFFFFFFC0]  }
0x2f4: {  	v46 =	vbroadcast v6, $0x8;
	v45 =	vbroadcast v6, $0x9;
	v34 =	vld [tilespmem:s21+$0xFFFFFFD0]  }
0x2f5: {  	v52 =	vbroadcast v6, $0x6;
	v50 =	vbroadcast v6, $0x7;
	v62 =	vld [tilespmem:s21+$0xFFFFFF80]  }
0x2f6: {  	v58 =	vbroadcast v6, $0x4;
	v55 =	vbroadcast v6, $0x5;
	v1 =	vld [tilespmem:s21+$0xFFFFFF90]  }
0x2f7: {  	v63 =	vbroadcast v6, $0x2;
	v61 =	vbroadcast v6, $0x3;
	v2 =	vld [tilespmem:s21+$0xFFFFFF40]  }
0x2f8: {  	v11 =	vbroadcast v6, $0x0;
	v8 =	vbroadcast v6, $0x1;
	v6 =	vld [tilespmem:s21+$0xFFFFFF50]  }
0x2f9: {  	v24 =	vmul.f32 v13, v18;
	v22 =	vmul.f32 v14, v18;
	v9 =	vld [tilespmem:s21+$0xFFFFFF00]  }
0x2fa: {  	v31 =	vmul.f32 v15, v19;
	v30 =	vmul.f32 v16, v19;
	v10 =	vld [tilespmem:s21+$0xFFFFFF10]  }
0x2fb: {  	v41 =	vmul.f32 v17, v20;
	v40 =	vmul.f32 v21, v20;
	v12 =	vld [tilespmem:s21+$0xFFFFFEC0]  }
0x2fc: {  	v44 =	vmul.f32 v23, v25;
	v43 =	vmul.f32 v26, v25;
	v13 =	vld [tilespmem:s21+$0xFFFFFED0]  }
.Ltmp5:
0x2fd: {  	v48 =	vmul.f32 v27, v39;
	v47 =	vmul.f32 v28, v39;
	v14 =	vld [tilespmem:s21+$0xFFFFFE80];
	(pc) =	sbr.rel @p0 .LBB2_13-.Ltmp5, $4  }
0x2fe: {  	v51 =	vmul.f32 v29, v42;
	v49 =	vmul.f32 v32, v42;
	v15 =	vld [tilespmem:s21+$0xFFFFFE90]  }
0x2ff: {  	v54 =	vmul.f32 v33, v45;
	v53 =	vmul.f32 v53, v45;
	v16 =	vld [tilespmem:s21+$0xFFFFFE40]  }
0x300: {  	v56 =	vmul.f32 v56, v46;
	v57 =	vmul.f32 v57, v46;
	v17 =	vld [tilespmem:s21+$0xFFFFFE50]  }
0x301: {  	s22 =	sadd.s32 $0x40, s22;
	v60 =	vmul.f32 v59, v50;
	v59 =	vmul.f32 v34, v50;
	v21 =	vld [tilespmem:s21+$0xFFFFFE00]  }
0x302: {  	v23 =	vld [tilespmem:$0x1FDE0];
	_ =	sdelay $0x1  }
0x303: {  	v26 =	vld [tilespmem:$0x1FDF0];
	_ =	sdelay $0x2  }
0x304: {  	v23 =	vadd.f32 $0.0e+00, v23;
	_ =	sdelay $0x1  }
0x305: {  	v23 =	vadd.f32 v23, v26  }
0x306: {  	v27 =	vld [tilespmem:s21+$0xFFFFFE20]  }
0x307: {  	v28 =	vld [tilespmem:s21+$0xFFFFFE30];
	v23 =	vadd.f32 v23, v36  }
0x308: {  	v36 =	vld [tilespmem:s21+$0xFFFFFE10]  }
0x309: {  	v23 =	vadd.f32 v23, v37  }
0x30a: {  	v32 =	vld [tilespmem:s21+$0xFFFFFE70]  }
0x30b: {  	v23 =	vadd.f32 v23, v38;
	v38 =	vld [tilespmem:$0x1FE00]  }
0x30c: {  	v21 =	vmul.f32 v21, v11;
	v37 =	vmul.f32 v28, v11;
	v28 =	vld [tilespmem:s21+$0xFFFFFEB0]  }
0x30d: {  	v33 =	vld [tilespmem:$0x1FE10];
	v26 =	vmul.f32 v36, v11;
	v36 =	vmul.f32 v27, v11  }
0x30e: {  	v23 =	vadd.f32 v23, v35  }
0x30f: {  	v16 =	vmul.f32 v16, v8;
	v5 =	vadd.f32 v21, v5;
	v4 =	vadd.f32 v36, v4;
	v36 =	vld [tilespmem:$0x1FE20]  }
0x310: {  	v29 =	vld [tilespmem:s21+$0xFFFFFE60];
	v23 =	vadd.f32 v23, v38  }
0x311: {  	v14 =	vmul.f32 v14, v63;
	v5 =	vadd.f32 v16, v5;
	v21 =	vmul.f32 v28, v63;
	v28 =	vld [tilespmem:$0x1FE30]  }
0x312: {  	v3 =	vadd.f32 v37, v3;
	v37 =	vld [tilespmem:s21+$0xFFFFFEE0];
	v35 =	vmul.f32 v32, v8;
	v11 =	vadd.f32 v33, v23  }
0x313: {  	v12 =	vmul.f32 v12, v61;
	v5 =	vadd.f32 v14, v5;
	v32 =	vld [tilespmem:$0x1FE40]  }
0x314: {  	v3 =	vadd.f32 v35, v3;
	v35 =	vld [tilespmem:$0x1FE50];
	v11 =	vadd.f32 v36, v11  }
0x315: {  	v13 =	vmul.f32 v13, v61;
	v9 =	vmul.f32 v9, v58;
	v5 =	vadd.f32 v12, v5;
	v38 =	vld [tilespmem:s21+$0xFFFFFEF0]  }
0x316: {  	v17 =	vmul.f32 v17, v8;
	v7 =	vadd.f32 v26, v7;
	v26 =	vld [tilespmem:s21+$0xFFFFFEA0];
	v11 =	vadd.f32 v28, v11  }
0x317: {  	v34 =	vmul.f32 v29, v8;
	v16 =	vmul.f32 v37, v61;
	v37 =	vld [tilespmem:$0x1FE60]  }
0x318: {  	v2 =	vmul.f32 v2, v55;
	v5 =	vadd.f32 v9, v5;
	v11 =	vadd.f32 v32, v11  }
0x319: {  	v15 =	vmul.f32 v15, v63;
	v29 =	vld [tilespmem:s21+$0xFFFFFF20];
	v7 =	vadd.f32 v17, v7;
	v4 =	vadd.f32 v34, v4  }
0x31a: {  	v34 =	vld [tilespmem:s21+$0xFFFFFF60];
	v3 =	vadd.f32 v21, v3;
	v8 =	vmul.f32 v38, v61;
	v11 =	vadd.f32 v35, v11  }
0x31b: {  	v2 =	vadd.f32 v2, v5;
	v7 =	vadd.f32 v15, v7;
	v33 =	vld [tilespmem:s21+$0xFFFFFF30];
	v27 =	vmul.f32 v26, v63  }
0x31c: {  	v23 =	vmul.f32 v62, v52;
	v63 =	vld [tilespmem:s21+$0xFFFFFFE0];
	v3 =	vadd.f32 v8, v3;
	v8 =	vadd.f32 v11, v37  }
0x31d: {  	v10 =	vmul.f32 v10, v58;
	v7 =	vadd.f32 v13, v7;
	v36 =	vld [tilespmem:s21+$0xFFFFFF70];
	v4 =	vadd.f32 v27, v4  }
0x31e: {  	v6 =	vmul.f32 v6, v55;
	v2 =	vadd.f32 v23, v2;
	v38 =	vld [tilespmem:s21+$0xFFFFFFA0];
	(xrf2) =	vadd.scan.msk.f32 $0xffff, v8  }
0x31f: {  	v14 =	vmul.f32 v29, v58;
	v61 =	vld [tilespmem:s21+$0xFFFFFFB0];
	v7 =	vadd.f32 v10, v7;
	v4 =	vadd.f32 v16, v4  }
0x320: {  	v1 =	vmul.f32 v1, v52;
	v21 =	vld [tilespmem:s21+$0xFFFFFFF0];
	v2 =	vadd.f32 v60, v2;
	v15 =	vmul.f32 v33, v58  }
0x321: {  	v26 =	vld [tilespmem:s21+$0x20];
	v16 =	vmul.f32 v34, v55;
	v6 =	vadd.f32 v6, v7;
	v4 =	vadd.f32 v14, v4  }
0x322: {  	v27 =	vld [tilespmem:s21+$0x30];
	v29 =	vmul.f32 v63, v50;
	v3 =	vadd.f32 v15, v3;
	v17 =	vmul.f32 v36, v55  }
0x323: {  	v28 =	vld [tilespmem:s21+$0x60];
	v2 =	vadd.f32 v56, v2;
	v4 =	vadd.f32 v16, v4;
	v11 =	vmul.f32 v38, v52  }
0x324: {  	v34 =	vld [tilespmem:s21+$0xA0];
	v9 =	vmul.f32 v61, v52;
	v1 =	vadd.f32 v1, v6;
	v3 =	vadd.f32 v17, v3  }
0x325: {  	v33 =	vld [tilespmem:s21+$0x70];
	v32 =	vmul.f32 v21, v50;
	v2 =	vadd.f32 v54, v2;
	v4 =	vadd.f32 v11, v4  }
0x326: {  	v7 =	vmul.f32 v26, v46;
	v1 =	vadd.f32 v59, v1;
	v3 =	vadd.f32 v9, v3  }
0x327: {  	v36 =	vld [tilespmem:s21+$0xB0];
	v35 =	vmul.f32 v27, v46;
	v2 =	vadd.f32 v51, v2;
	v4 =	vadd.f32 v29, v4  }
0x328: {  	v5 =	vmul.f32 v28, v45;
	v37 =	vld [tilespmem:s21+$0xE0];
	v1 =	vadd.f32 v57, v1;
	v3 =	vadd.f32 v32, v3;
	v38, _, _ =	vpop (xrf2)  }
0x329: {  	v46 =	vld [tilespmem:s21+$0xF0];
	v6 =	vmul.f32 v34, v42;
	v4 =	vadd.f32 v7, v4;
	v8 =	vadd.f32 $0.0e+00, v38  }
0x32a: {  	v50 =	vld [tilespmem:s21+$0x120];
	v9 =	vmul.f32 v33, v45;
	v1 =	vadd.f32 v53, v1;
	v3 =	vadd.f32 v35, v3  }
0x32b: {  	v52 =	vld [tilespmem:s21+$0x130];
	v2 =	vadd.f32 v48, v2;
	v4 =	vadd.f32 v5, v4;
	v8 =	vbroadcast v8, $0xF  }
0x32c: {  	v10 =	vmul.f32 v36, v42;
	v53 =	vld [tilespmem:s21+$0x160];
	v1 =	vadd.f32 v49, v1;
	v3 =	vadd.f32 v9, v3  }
0x32d: {  	v54 =	vld [tilespmem:s21+$0x170];
	v7 =	vmul.f32 v37, v39;
	v4 =	vadd.f32 v6, v4;
	(erf) = vrcp.f32 v8  }
0x32e: {  	v56 =	vld [tilespmem:s21+$0x1A0];
	v55 =	vmul.f32 v46, v39;
	v1 =	vadd.f32 v47, v1;
	v3 =	vadd.f32 v10, v3  }
0x32f: {  	v57 =	vld [tilespmem:s21+$0x1B0];
	v2 =	vadd.f32 v44, v2;
	v5 =	vmul.f32 v50, v25;
	v4 =	vadd.f32 v7, v4  }
0x330: {  	v58 =	vld [tilespmem:s21+$0x1E0];
	v9 =	vmul.f32 v52, v25;
	v1 =	vadd.f32 v43, v1;
	v3 =	vadd.f32 v55, v3  }
0x331: {  	v60 =	vld [tilespmem:s21+$0x1F0];
	v2 =	vadd.f32 v41, v2;
	v59 =	vmul.f32 v53, v20;
	v4 =	vadd.f32 v5, v4  }
0x332: {  	v1 =	vadd.f32 v40, v1;
	v3 =	vadd.f32 v9, v3;
	v8 =	vmul.f32 v54, v20  }
0x333: {  	v61 =	vmul.f32 v56, v19;
	v2 =	vadd.f32 v31, v2;
	v4 =	vadd.f32 v59, v4  }
0x334: {  	v7 =	vmul.f32 v57, v19;
	v1 =	vadd.f32 v30, v1;
	v3 =	vadd.f32 v8, v3  }
0x335: {  	v62 =	vmul.f32 v58, v18;
	v2 =	vadd.f32 v24, v2;
	v4 =	vadd.f32 v61, v4  }
0x336: {  	v6 =	vmul.f32 v60, v18;
	v1 =	vadd.f32 v22, v1;
	v3 =	vadd.f32 v7, v3;
	v63 =	vpop (erf)  }
0x337: {  	v4 =	vadd.f32 v62, v4;
	v2 =	vmul.f32 v2, v63  }
0x338: {  	s31 =	sand.u32 $0x7, s19;
	v3 =	vadd.f32 v6, v3;
	v1 =	vmul.f32 v1, v63  }
0x339: {  	p0 =	sne.s32 s31, $0x7;
	[tilespmem:s20+$0x69C0] =	vst v2;
	v2 =	vmul.f32 v4, v63  }
0x33a: {  	s21 =	sshll.u32 @!p0 s19, $0x4;
	[tilespmem:s20+$0x69D0] =	vst v1;
	v1 =	vmul.f32 v3, v63  }
0x33b: {  	s22 =	simm.s32 @!p0 $0x6980;
	s19 =	sadd.s32 $0x1, s19;
	s21 =	sand.u32 @!p0 $0x380, s21;
	[tilespmem:s20+$0x69E0] =	vst v2  }
0x33c: {  	p1 =	sne.s32 s19, $0x40;
	[tilespmem:s20+$0x69F0] =	vst v1;
	s20 =	sadd.s32 @!p0 s21, s8;
	s21 =	simm.s32 @!p0 $0x0  }
0x33d: {  	[hbm4b:s20+s21] =	stream.linear.scatter @!p0 [tilespmem:s22], [sflag:$0x3], $0x400, $0x38;
	[tilespmem:$0x7A80] =	vst v63  }
.Ltmp6:
0x33e: {  	_ = 	snop;
	(pc) =	sbr.rel @p1 .LBB2_2-.Ltmp6, $4  }
0x33f: {  	s20 =	simm.s32 @!p0 $0x3  }
0x340: {  	_ =	swait.ge @!p0 [sflag:s20], $0x400  }
0x341: {  	[sflag:s20] =	ssyncset.done @!p0 $0x0  }
0x342: {  	[sflag:s20] =	ssyncadd.s32 @!p0 $0xFFFFFC00  }
0x343: {  	s18 =	sadd.s32 $0x1, s18  }
0x344: {  	p0 =	sne.s32 s18, s9  }
.Ltmp7:
0x345: {  	_ = 	snop;
	(pc) =	sbr.rel @p0 .LBB2_1-.Ltmp7, $4  }
0x346: {  	_ = 	snop  }
0x347: {  	_ =	swait.ge [sflag:s15], $0x3200  }
0x348: {  	[sflag:s15] =	ssyncset.done $0x0  }
0x349: {  	[sflag:s15] =	ssyncadd.s32 $0xFFFFCE00  }
0x34a: {  	_ =	sfence.sel $0x180000  }
0x34b: {  	[bflag:$0x0] =	sbarrier.arrive $0xFFFF  }
0x34c: {  	p0 =	sne.s32 s0, $0x0;
	_ =	strace $0x90000047  }
0x34d: {  	s0 =	sadd.s32 @!p0 $0x100000, s2;
	[bflag:$0x2] =	sbarrier.arrive $0xFFFF  }
0x34e: {  	[sflag:s0] =	ssyncadd.tile.s32 @!p0 $0x1;
	_ =	shalt  }
.Lfunc_end2:
_tile_overlayer_lowered:
.L_overlay_start_2:
0x34f: {  	(tag) =	ssettag $0x2  }
0x350: {  	s0 =	rddreg [dreg:$0x0];
	s2 =	stileid.u32  }
0x351: {  	s1 =	rddreg [dreg:$0x1];
	p0 =	sne.s32 s2, $0x0  }
0x352: {  	s3 =	rddreg [dreg:$0x2];
	[bflag:$0x3] =	sbarrier.arrive $0xFFFF;
	s2 =	simm.s32 @!p0 $0x1C03  }
0x353: {  	[timem:s3], [sflag:s2] =	dma.local @!p0 [hbm:s0], s1  }
0x354: {  	s0 =	simm.s32 @!p0 $0x3  }
0x355: {  	_ =	swait.ge @!p0 [sflag:s0], s1  }
0x356: {  	s1 =	ssub.s32 @!p0 $0x0, s1;
	[sflag:s0] =	ssyncset.done @!p0 $0x0  }
0x357: {  	[sflag:s0] =	ssyncadd.s32 @!p0 s1  }
0x358: {  	[bflag:$0x3] =	sbarrier.arrive $0xFFFF  }
0x359: {  	_ =	shalt  }

</sc_bundles>
